<compile_context>
chip_gen: v7x
topology: tpu7x:2x2x1
jax: 0.10.2.dev20260603
libtpu: 0.0.44.dev20260713+nightly
codegen_flags: <defaults>
</compile_context>

<pallas_src>
import functools

import jax
import jax.numpy as jnp
from jax import lax
from jax.experimental import pallas as pl
from jax.experimental.pallas import tpu as pltpu
from jax.experimental.pallas import tpu_sc as plsc

S = 2048
D = 768
E = 8
H = 1536
O = 768
EXPAND = 2048
LOSS_COEF = 0.01

BLK = 256
NBLK = 23
NBUF = NBLK * BLK
NW = 32
CHUNK = S // NW


def _gate_body(x_ref, wg_ref, slot0_ref, slot1_ref, g1_ref, g2_ref,
               be_ref, loss_ref, excl_ref, mb_ref):
    x = x_ref[...]
    wg = wg_ref[...]
    logits = jnp.dot(x, wg, preferred_element_type=jnp.float32)

    lane_e = lax.broadcasted_iota(jnp.int32, (S, E), 1)
    neg = jnp.float32(-1e30)

    v1 = jnp.max(logits, axis=1, keepdims=True)
    i1 = jnp.min(jnp.where(logits == v1, lane_e, E), axis=1, keepdims=True)
    masked = jnp.where(lane_e == i1, neg, logits)
    v2 = jnp.max(masked, axis=1, keepdims=True)
    i2 = jnp.min(jnp.where(masked == v2, lane_e, E), axis=1, keepdims=True)

    t = jnp.exp(v2 - v1)
    g1 = 1.0 / (1.0 + t)
    g2 = t * g1

    m0 = (lane_e == i1).astype(jnp.float32)
    m1 = (lane_e == i2).astype(jnp.float32)
    mb = m0 + m1
    mb_ref[...] = mb

    rr = lax.broadcasted_iota(jnp.int32, (BLK, BLK), 0)
    cc = lax.broadcasted_iota(jnp.int32, (BLK, BLK), 1)
    tri = (cc < rr).astype(jnp.float32)

    def step(i, carry):
        off = pl.multiple_of(i * BLK, BLK)
        blk = mb_ref[pl.ds(off, BLK), :]
        excl_ref[pl.ds(off, BLK), :] = (
            jnp.dot(tri, blk, preferred_element_type=jnp.float32) + carry)
        return carry + jnp.sum(blk, axis=0, keepdims=True)

    counts_row = lax.fori_loop(0, S // BLK, step, jnp.zeros((1, E), jnp.float32))
    excl = excl_ref[...]

    padded_row = jnp.ceil(counts_row / BLK) * BLK
    re = lax.broadcasted_iota(jnp.int32, (E, E), 0)
    ce = lax.broadcasted_iota(jnp.int32, (E, E), 1)
    triu_strict = (re < ce).astype(jnp.float32)
    p_excl = jnp.dot(padded_row, triu_strict,
                     preferred_element_type=jnp.float32)

    base = excl + p_excl
    slot0 = jnp.sum(m0 * base, axis=1, keepdims=True)
    slot1 = jnp.sum(m1 * (base + m0), axis=1, keepdims=True)
    slot0_ref[...] = slot0.astype(jnp.int32)
    slot1_ref[...] = slot1.astype(jnp.int32)

    g1_ref[...] = jnp.broadcast_to(g1, (S, 16))
    g2_ref[...] = jnp.broadcast_to(g2, (S, 16))

    padded_col = lax.dot_general(jnp.eye(E, dtype=jnp.float32), padded_row,
                                 (((1,), (1,)), ((), ())))
    q_col = jnp.dot((ce <= re).astype(jnp.float32), padded_col,
                    preferred_element_type=jnp.float32)
    counts_col_pos = (padded_col > 0).astype(jnp.float32)
    blk_id = (lax.broadcasted_iota(jnp.int32, (E, 128), 1) * BLK).astype(jnp.float32)
    ones_row = jnp.ones((1, E), jnp.float32)
    ge = (blk_id >= q_col).astype(jnp.float32)
    be = jnp.dot(ones_row, ge, preferred_element_type=jnp.float32)
    emax = jnp.max(lax.broadcasted_iota(jnp.int32, (1, E), 1).astype(jnp.float32)
                   * (counts_row > 0).astype(jnp.float32))
    nb = jnp.sum(padded_row) * (1.0 / BLK)
    lane128 = lax.broadcasted_iota(jnp.int32, (1, 128), 1)
    be0 = jnp.where(lane128 == 127, nb, jnp.minimum(be, emax))
    ge_used = ge * counts_col_pos
    r_row = jnp.dot(ones_row, ge_used, preferred_element_type=jnp.float32)
    rank_col = jnp.dot((ce < re).astype(jnp.float32), counts_col_pos,
                       preferred_element_type=jnp.float32)
    eqn = (rank_col == r_row + 1.0).astype(jnp.float32) * counts_col_pos
    has = jnp.dot(ones_row, eqn, preferred_element_type=jnp.float32)
    e_row8 = lax.broadcasted_iota(jnp.int32, (1, E), 1).astype(jnp.float32)
    nxt_raw = jnp.dot(e_row8, eqn, preferred_element_type=jnp.float32)
    nxt_row = jnp.where(has > 0, nxt_raw, be0.astype(jnp.float32))
    start_col = q_col - padded_col
    eqstart = (blk_id == start_col).astype(jnp.float32) * counts_col_pos
    first_row = jnp.dot(ones_row, eqstart, preferred_element_type=jnp.float32)
    be_ref[...] = jnp.concatenate(
        [be0, r_row, nxt_row, first_row], axis=0).astype(jnp.int32)

    c = jnp.sum((g1 > 0).astype(jnp.float32)) + jnp.sum((g2 > 0).astype(jnp.float32))
    n = jnp.float32(S * E)
    var = (c - c * c / n) / (n - 1.0)
    mean = c / n
    loss_ref[0, 0] = LOSS_COEF * var / (mean * mean + 1e-10)


def _gate_call(x2d, w_gate):
    out_shapes = (
        jax.ShapeDtypeStruct((S, 1), jnp.int32),
        jax.ShapeDtypeStruct((S, 1), jnp.int32),
        jax.ShapeDtypeStruct((S, 16), jnp.float32),
        jax.ShapeDtypeStruct((S, 16), jnp.float32),
        jax.ShapeDtypeStruct((4, 128), jnp.int32),
        jax.ShapeDtypeStruct((1, 1), jnp.float32),
    )
    return pl.pallas_call(
        _gate_body,
        out_shape=out_shapes,
        out_specs=(
            pl.BlockSpec(memory_space=pltpu.VMEM),
            pl.BlockSpec(memory_space=pltpu.VMEM),
            pl.BlockSpec(memory_space=pltpu.VMEM),
            pl.BlockSpec(memory_space=pltpu.VMEM),
            pl.BlockSpec(memory_space=pltpu.VMEM),
            pl.BlockSpec(memory_space=pltpu.SMEM),
        ),
        scratch_shapes=[pltpu.VMEM((S, E), jnp.float32),
                        pltpu.VMEM((S, E), jnp.float32)],
    )(x2d, w_gate)


def _dispatch_call(x2d, slot0, slot1):
    mesh = plsc.VectorSubcoreMesh(core_axis_name="c", subcore_axis_name="s",
                                  num_cores=2, num_subcores=16)

    @functools.partial(
        pl.kernel,
        out_type=jax.ShapeDtypeStruct((NBUF, D), jnp.float32),
        mesh=mesh,
        scratch_types=[
            pltpu.VMEM((CHUNK,), jnp.int32),
            pltpu.VMEM((CHUNK,), jnp.int32),
            pltpu.VMEM((CHUNK, D), jnp.float32),
            pltpu.SemaphoreType.DMA,
        ],
    )
    def k(x_hbm, s0_hbm, s1_hbm, xs_hbm, idx0_v, idx1_v, rows_v, sem):
        wid = lax.axis_index("s") * 2 + lax.axis_index("c")
        base = wid * CHUNK
        loads = [
            pltpu.async_copy(s0_hbm.at[pl.ds(base, CHUNK)], idx0_v, sem),
            pltpu.async_copy(s1_hbm.at[pl.ds(base, CHUNK)], idx1_v, sem),
            pltpu.async_copy(x_hbm.at[pl.ds(base, CHUNK)], rows_v, sem),
        ]
        for c in loads:
            c.wait()
        stores = [
            pltpu.async_copy(rows_v, xs_hbm.at[idx0_v], sem),
            pltpu.async_copy(rows_v, xs_hbm.at[idx1_v], sem),
        ]
        for c in stores:
            c.wait()

    return k(x2d, slot0, slot1)


def _mlp_body(be_ref, xs_ref, w1_hbm, b1_ref, w2_hbm, b2_ref, out_ref,
              w1buf, w2buf, sem1, sem2):
    b = pl.program_id(0)
    nb = be_ref[0, 127]
    e = be_ref[0, b]
    r = be_ref[1, b]
    nxt = be_ref[2, b]
    first = be_ref[3, b]
    slot = lax.rem(r, 2)
    nslot = lax.rem(r + 1, 2)

    def start_fetch(expert, sl):
        pltpu.make_async_copy(w1_hbm.at[expert], w1buf.at[sl], sem1.at[sl]).start()
        pltpu.make_async_copy(w2_hbm.at[expert], w2buf.at[sl], sem2.at[sl]).start()

    def wait_fetch(sl):
        pltpu.make_async_copy(w1_hbm.at[0], w1buf.at[sl], sem1.at[sl]).wait()
        pltpu.make_async_copy(w2_hbm.at[0], w2buf.at[sl], sem2.at[sl]).wait()

    @pl.when(b == 0)
    def _():
        start_fetch(e, slot)

        @pl.when(nxt != e)
        def _():
            start_fetch(nxt, nslot)

        wait_fetch(slot)

    @pl.when(jnp.logical_and(b > 0,
                             jnp.logical_and(first == 1, b < nb)))
    def _():
        wait_fetch(slot)

        @pl.when(nxt != e)
        def _():
            start_fetch(nxt, nslot)

    @pl.when(b < nb)
    def _():
        xb = xs_ref[...]
        h = jnp.dot(xb, w1buf[slot], preferred_element_type=jnp.float32)
        h = jnp.maximum(h + b1_ref[0], 0.0)
        o = jnp.dot(h, w2buf[slot], preferred_element_type=jnp.float32)
        out_ref[...] = o + b2_ref[0]


def _mlp_call(be_flat, xs, fc1_w, fc1_b, fc2_w, fc2_b):
    grid_spec = pltpu.PrefetchScalarGridSpec(
        num_scalar_prefetch=1,
        grid=(NBLK,),
        in_specs=[
            pl.BlockSpec((BLK, D), lambda b, be: (jnp.minimum(b, be[0, 127] - 1), 0)),
            pl.BlockSpec(memory_space=pltpu.MemorySpace.HBM),
            pl.BlockSpec((1, 1, H), lambda b, be: (be[0, b], 0, 0)),
            pl.BlockSpec(memory_space=pltpu.MemorySpace.HBM),
            pl.BlockSpec((1, 1, O), lambda b, be: (be[0, b], 0, 0)),
        ],
        out_specs=pl.BlockSpec((BLK, O),
                               lambda b, be: (jnp.minimum(b, be[0, 127] - 1), 0)),
        scratch_shapes=[
            pltpu.VMEM((2, D, H), jnp.float32),
            pltpu.VMEM((2, H, O), jnp.float32),
            pltpu.SemaphoreType.DMA((2,)),
            pltpu.SemaphoreType.DMA((2,)),
        ],
    )
    return pl.pallas_call(
        _mlp_body,
        grid_spec=grid_spec,
        out_shape=jax.ShapeDtypeStruct((NBUF, O), jnp.float32),
    )(be_flat, xs, fc1_w, fc1_b.reshape(E, 1, H), fc2_w,
      fc2_b.reshape(E, 1, O))


def _combine_call(ys, slot0, slot1, g1c, g2c):
    mesh = plsc.VectorSubcoreMesh(core_axis_name="c", subcore_axis_name="s",
                                  num_cores=2, num_subcores=16)

    @functools.partial(
        pl.kernel,
        out_type=jax.ShapeDtypeStruct((S, O), jnp.float32),
        mesh=mesh,
        scratch_types=[
            pltpu.VMEM((CHUNK,), jnp.int32),
            pltpu.VMEM((CHUNK,), jnp.int32),
            pltpu.VMEM((CHUNK, 16), jnp.float32),
            pltpu.VMEM((CHUNK, 16), jnp.float32),
            pltpu.VMEM((CHUNK, O), jnp.float32),
            pltpu.VMEM((CHUNK, O), jnp.float32),
            pltpu.SemaphoreType.DMA,
        ],
    )
    def k(ys_hbm, s0_hbm, s1_hbm, g1_hbm, g2_hbm, y_hbm,
          idx0_v, idx1_v, gv1, gv2, v1, v2, sem):
        wid = lax.axis_index("s") * 2 + lax.axis_index("c")
        base = wid * CHUNK
        loads = [
            pltpu.async_copy(s0_hbm.at[pl.ds(base, CHUNK)], idx0_v, sem),
            pltpu.async_copy(s1_hbm.at[pl.ds(base, CHUNK)], idx1_v, sem),
            pltpu.async_copy(g1_hbm.at[pl.ds(base, CHUNK)], gv1, sem),
            pltpu.async_copy(g2_hbm.at[pl.ds(base, CHUNK)], gv2, sem),
        ]
        for c in loads:
            c.wait()
        d1 = pltpu.async_copy(ys_hbm.at[idx0_v], v1, sem)
        d2 = pltpu.async_copy(ys_hbm.at[idx1_v], v2, sem)
        d1.wait()
        d2.wait()

        def add_row(r, _):
            a = gv1[r, :]
            bgate = gv2[r, :]
            for c in range(O // 16):
                v1[r, pl.ds(c * 16, 16)] = (
                    v1[r, pl.ds(c * 16, 16)] * a
                    + v2[r, pl.ds(c * 16, 16)] * bgate)
            return 0

        lax.fori_loop(0, CHUNK, add_row, 0)
        pltpu.sync_copy(v1, y_hbm.at[pl.ds(base, CHUNK)])

    return k(ys, slot0, slot1, g1c, g2c)


def kernel(x, expand_size, w_gate, fc1_w, fc1_b, fc2_w, fc2_b):
    x2d = x.reshape(S, D)
    slot0, slot1, g1c, g2c, be, lossv = _gate_call(x2d, w_gate)
    s0 = slot0.reshape(S)
    s1 = slot1.reshape(S)
    xs = _dispatch_call(x2d, s0, s1)
    ys = _mlp_call(be, xs, fc1_w, fc1_b, fc2_w, fc2_b)
    y2d = _combine_call(ys, s0, s1, g1c, g2c)
    y = y2d.reshape(1, S, O)
    if EXPAND != S:
        y = jnp.pad(y, ((0, 0), (0, EXPAND - S), (0, 0)))
    loss = lossv.reshape(())
    return (y, loss)

# --- scband reference (transcript-rebuilt; emitter-appended) ---
"""Pipeline reference for scband-mo-e-42356967473647 (READ-ONLY COPY).

The authoritative reference and input builder live on the scoring server;
editing this copy changes nothing except your own understanding.
"""

import jax, jax.numpy as jnp
import numpy as np

B, S, D, E, H, O, K = 1, 2048, 768, 8, 1536, 768, 2
EXPAND = 2048
LOSS_COEF = 0.01

def setup_inputs(seed: int = 0):
    key = jax.random.key(seed)
    ks = jax.random.split(key, 5)
    x = jax.random.normal(ks[0], (B, S, D), dtype=jnp.float32)
    w_gate = jax.random.normal(ks[1], (D, E), dtype=jnp.float32) * 0.02
    fc1_w = jax.random.normal(ks[2], (E, D, H), dtype=jnp.float32) * 0.02
    fc1_b = jnp.zeros((E, H), dtype=jnp.float32)
    fc2_w = jax.random.normal(ks[3], (E, H, O), dtype=jnp.float32) * 0.02
    fc2_b = jnp.zeros((E, O), dtype=jnp.float32)
    return {"x": x, "expand_size": EXPAND, "w_gate": w_gate, "fc1_w": fc1_w, "fc1_b": fc1_b, "fc2_w": fc2_w, "fc2_b": fc2_b}

def reference(x, expand_size, w_gate, fc1_w, fc1_b, fc2_w, fc2_b):
    # noisy_gating=False -> logits are clean logits
    clean_logits = x @ w_gate  # [B, S, E]
    top_logits, top_idx = jax.lax.top_k(clean_logits, min(K + 1, E))
    top_k_idx = top_idx[..., :K]
    top_k_gates = jax.nn.softmax(top_logits[..., :K], axis=-1)
    # scatter top-k gates back to dense [B, S, E]
    gates = jnp.sum(jax.nn.one_hot(top_k_idx, E, dtype=jnp.float32) * top_k_gates[..., None], axis=-2)
    # load = (gates > 0).sum(0) as in _gates_to_load (k < num_experts but noisy_gating False)
    load = (gates > 0).astype(jnp.float32).sum(0)  # [S, E]
    # cv_squared with unbiased variance (torch default)
    loss = LOSS_COEF * jnp.var(load, ddof=1) / (jnp.mean(load) ** 2 + 1e-10)
    # dispatch: every token goes through each expert; unselected pairs have
    # an exactly-zero dense gate, so accumulating in ascending expert order
    # reproduces the stable expert-sorted scatter-add of the original.
    x_flat = x.reshape(B * S, D)
    gates_flat = gates.reshape(B * S, E)
    acc = jnp.zeros((B * S, O), dtype=jnp.float32)
    for e in range(E):
        h = jnp.maximum(x_flat @ fc1_w[e] + fc1_b[e], 0.0)
        o = h @ fc2_w[e] + fc2_b[e]
        acc = acc + gates_flat[:, e, None] * o
    acc = acc.reshape(B, S, O)
    y = jnp.zeros((B, EXPAND, O), dtype=jnp.float32) + jnp.zeros((), dtype=jnp.float32) * expand_size
    y = y.at[:, :S].add(acc)
    return (y, loss)

if __name__ == "__main__":
    import jax
    _d = setup_inputs()
    print(jax.jit(kernel)(*tuple(_d.values())))

</pallas_src>

<mosaic_0001>
#map = affine_map<(d0, d1) -> (0, 0)>
#map1 = affine_map<(d0, d1) -> (0)>
module attributes {stable_mosaic.version = 14 : i64} {
  func.func @k(%arg0: i32, %arg1: i32, %arg2: memref<5888x768xf32, #tpu.memory_space<hbm>>, %arg3: memref<2048xi32, #tpu.memory_space<hbm>>, %arg4: memref<2048xi32, #tpu.memory_space<hbm>>, %arg5: memref<2048x16xf32, #tpu.memory_space<hbm>>, %arg6: memref<2048x16xf32, #tpu.memory_space<hbm>>, %arg7: memref<2048x768xf32, #tpu.memory_space<hbm>>, %arg8: memref<64xi32, #tpu.memory_space<vmem>>, %arg9: memref<64xi32, #tpu.memory_space<vmem>>, %arg10: memref<64x16xf32, #tpu.memory_space<vmem>>, %arg11: memref<64x16xf32, #tpu.memory_space<vmem>>, %arg12: memref<64x768xf32, #tpu.memory_space<vmem>>, %arg13: memref<64x768xf32, #tpu.memory_space<vmem>>, %arg14: memref<!tpu.dma_semaphore, #tpu.memory_space<semaphore_mem>>) attributes {dimension_semantics = [#tpu.dimension_semantics<core_parallel>, #tpu.dimension_semantics<subcore_parallel>], iteration_bounds = array<i64: 2, 16>, scalar_prefetch = 0 : i64, scratch_operands = 7 : i64, tpu.core_type = #tpu.core_type<sc_vector_subcore>, window_params = [{transform_indices = #map}, {transform_indices = #map1}, {transform_indices = #map1}, {transform_indices = #map}, {transform_indices = #map}, {transform_indices = #map}]} {
    %mul3A = arith.constant 2 : i32
    %mul3A_0 = arith.muli %arg1, %mul3A : i32
    %add3A = arith.addi %mul3A_0, %arg0 : i32
    %mul3A_1 = arith.constant 64 : i32
    %mul3A_2 = arith.muli %add3A, %mul3A_1 : i32
    %dma_start3A = tpu.memref_slice %arg3[%mul3A_2] : memref<2048xi32, #tpu.memory_space<hbm>> -> memref<64xi32, #tpu.memory_space<hbm>>
    %dma_start3A_3 = tpu.memref_slice %arg3[%mul3A_2] : memref<2048xi32, #tpu.memory_space<hbm>> -> memref<64xi32, #tpu.memory_space<hbm>>
    tpu.enqueue_dma source(%dma_start3A_3 : memref<64xi32, #tpu.memory_space<hbm>>) target(%arg8 : memref<64xi32, #tpu.memory_space<vmem>>) target_semaphore(%arg14 : memref<!tpu.dma_semaphore, #tpu.memory_space<semaphore_mem>>)
    %dma_start3A_4 = tpu.memref_slice %arg4[%mul3A_2] : memref<2048xi32, #tpu.memory_space<hbm>> -> memref<64xi32, #tpu.memory_space<hbm>>
    %dma_start3A_5 = tpu.memref_slice %arg4[%mul3A_2] : memref<2048xi32, #tpu.memory_space<hbm>> -> memref<64xi32, #tpu.memory_space<hbm>>
    tpu.enqueue_dma source(%dma_start3A_5 : memref<64xi32, #tpu.memory_space<hbm>>) target(%arg9 : memref<64xi32, #tpu.memory_space<vmem>>) target_semaphore(%arg14 : memref<!tpu.dma_semaphore, #tpu.memory_space<semaphore_mem>>)
    %dma_start3A_6 = arith.constant 0 : i32
    %dma_start3A_7 = tpu.memref_slice %arg5[%mul3A_2, %dma_start3A_6] : memref<2048x16xf32, #tpu.memory_space<hbm>> -> memref<64x16xf32, #tpu.memory_space<hbm>>
    %dma_start3A_8 = arith.constant 0 : i32
    %dma_start3A_9 = tpu.memref_slice %arg5[%mul3A_2, %dma_start3A_8] : memref<2048x16xf32, #tpu.memory_space<hbm>> -> memref<64x16xf32, #tpu.memory_space<hbm>>
    tpu.enqueue_dma source(%dma_start3A_9 : memref<64x16xf32, #tpu.memory_space<hbm>>) target(%arg10 : memref<64x16xf32, #tpu.memory_space<vmem>>) target_semaphore(%arg14 : memref<!tpu.dma_semaphore, #tpu.memory_space<semaphore_mem>>)
    %dma_start3A_10 = arith.constant 0 : i32
    %dma_start3A_11 = tpu.memref_slice %arg6[%mul3A_2, %dma_start3A_10] : memref<2048x16xf32, #tpu.memory_space<hbm>> -> memref<64x16xf32, #tpu.memory_space<hbm>>
    %dma_start3A_12 = arith.constant 0 : i32
    %dma_start3A_13 = tpu.memref_slice %arg6[%mul3A_2, %dma_start3A_12] : memref<2048x16xf32, #tpu.memory_space<hbm>> -> memref<64x16xf32, #tpu.memory_space<hbm>>
    tpu.enqueue_dma source(%dma_start3A_13 : memref<64x16xf32, #tpu.memory_space<hbm>>) target(%arg11 : memref<64x16xf32, #tpu.memory_space<vmem>>) target_semaphore(%arg14 : memref<!tpu.dma_semaphore, #tpu.memory_space<semaphore_mem>>)
    %dma_wait3A = tpu.memref_slice %arg3[%mul3A_2] : memref<2048xi32, #tpu.memory_space<hbm>> -> memref<64xi32, #tpu.memory_space<hbm>>
    %dma_wait3A_14 = tpu.memref_slice %arg3[%mul3A_2] : memref<2048xi32, #tpu.memory_space<hbm>> -> memref<64xi32, #tpu.memory_space<hbm>>
    tpu.wait_dma2 semaphore(%arg14 : memref<!tpu.dma_semaphore, #tpu.memory_space<semaphore_mem>>) src(%dma_wait3A_14 : memref<64xi32, #tpu.memory_space<hbm>>) dst(%arg8 : memref<64xi32, #tpu.memory_space<vmem>>)
    %dma_wait3A_15 = tpu.memref_slice %arg4[%mul3A_2] : memref<2048xi32, #tpu.memory_space<hbm>> -> memref<64xi32, #tpu.memory_space<hbm>>
    %dma_wait3A_16 = tpu.memref_slice %arg4[%mul3A_2] : memref<2048xi32, #tpu.memory_space<hbm>> -> memref<64xi32, #tpu.memory_space<hbm>>
    tpu.wait_dma2 semaphore(%arg14 : memref<!tpu.dma_semaphore, #tpu.memory_space<semaphore_mem>>) src(%dma_wait3A_16 : memref<64xi32, #tpu.memory_space<hbm>>) dst(%arg9 : memref<64xi32, #tpu.memory_space<vmem>>)
    %dma_wait3A_17 = arith.constant 0 : i32
    %dma_wait3A_18 = tpu.memref_slice %arg5[%mul3A_2, %dma_wait3A_17] : memref<2048x16xf32, #tpu.memory_space<hbm>> -> memref<64x16xf32, #tpu.memory_space<hbm>>
    %dma_wait3A_19 = arith.constant 0 : i32
    %dma_wait3A_20 = tpu.memref_slice %arg5[%mul3A_2, %dma_wait3A_19] : memref<2048x16xf32, #tpu.memory_space<hbm>> -> memref<64x16xf32, #tpu.memory_space<hbm>>
    tpu.wait_dma2 semaphore(%arg14 : memref<!tpu.dma_semaphore, #tpu.memory_space<semaphore_mem>>) src(%dma_wait3A_20 : memref<64x16xf32, #tpu.memory_space<hbm>>) dst(%arg10 : memref<64x16xf32, #tpu.memory_space<vmem>>)
    %dma_wait3A_21 = arith.constant 0 : i32
    %dma_wait3A_22 = tpu.memref_slice %arg6[%mul3A_2, %dma_wait3A_21] : memref<2048x16xf32, #tpu.memory_space<hbm>> -> memref<64x16xf32, #tpu.memory_space<hbm>>
    %dma_wait3A_23 = arith.constant 0 : i32
    %dma_wait3A_24 = tpu.memref_slice %arg6[%mul3A_2, %dma_wait3A_23] : memref<2048x16xf32, #tpu.memory_space<hbm>> -> memref<64x16xf32, #tpu.memory_space<hbm>>
    tpu.wait_dma2 semaphore(%arg14 : memref<!tpu.dma_semaphore, #tpu.memory_space<semaphore_mem>>) src(%dma_wait3A_24 : memref<64x16xf32, #tpu.memory_space<hbm>>) dst(%arg11 : memref<64x16xf32, #tpu.memory_space<vmem>>)
    %dma_start3A_25 = arith.constant 0 : i32
    %dma_start3A_26 = arith.constant 0 : i32
    %dma_start3A_27 = tpu.memref_slice %arg2[%dma_start3A_25, %dma_start3A_26] : memref<5888x768xf32, #tpu.memory_space<hbm>> -> memref<5888x768xf32, #tpu.memory_space<hbm>>
    tpu.enqueue_indirect_dma source(%dma_start3A_27 : memref<5888x768xf32, #tpu.memory_space<hbm>>) target(%arg12 : memref<64x768xf32, #tpu.memory_space<vmem>>) offsets(%arg8 : memref<64xi32, #tpu.memory_space<vmem>>) semaphore(%arg14 : memref<!tpu.dma_semaphore, #tpu.memory_space<semaphore_mem>>)
    %dma_start3A_28 = arith.constant 0 : i32
    %dma_start3A_29 = arith.constant 0 : i32
    %dma_start3A_30 = tpu.memref_slice %arg2[%dma_start3A_28, %dma_start3A_29] : memref<5888x768xf32, #tpu.memory_space<hbm>> -> memref<5888x768xf32, #tpu.memory_space<hbm>>
    tpu.enqueue_indirect_dma source(%dma_start3A_30 : memref<5888x768xf32, #tpu.memory_space<hbm>>) target(%arg13 : memref<64x768xf32, #tpu.memory_space<vmem>>) offsets(%arg9 : memref<64xi32, #tpu.memory_space<vmem>>) semaphore(%arg14 : memref<!tpu.dma_semaphore, #tpu.memory_space<semaphore_mem>>)
    %dma_wait3A_31 = arith.constant 0 : i32
    %dma_wait3A_32 = arith.constant 0 : i32
    %dma_wait3A_33 = tpu.memref_slice %arg2[%dma_wait3A_31, %dma_wait3A_32] : memref<5888x768xf32, #tpu.memory_space<hbm>> -> memref<5888x768xf32, #tpu.memory_space<hbm>>
    tpu.wait_indirect_dma semaphore(%arg14 : memref<!tpu.dma_semaphore, #tpu.memory_space<semaphore_mem>>) src(%dma_wait3A_33 : memref<5888x768xf32, #tpu.memory_space<hbm>>) dst(%arg12 : memref<64x768xf32, #tpu.memory_space<vmem>>)
    %dma_wait3A_34 = arith.constant 0 : i32
    %dma_wait3A_35 = arith.constant 0 : i32
    %dma_wait3A_36 = tpu.memref_slice %arg2[%dma_wait3A_34, %dma_wait3A_35] : memref<5888x768xf32, #tpu.memory_space<hbm>> -> memref<5888x768xf32, #tpu.memory_space<hbm>>
    tpu.wait_indirect_dma semaphore(%arg14 : memref<!tpu.dma_semaphore, #tpu.memory_space<semaphore_mem>>) src(%dma_wait3A_36 : memref<5888x768xf32, #tpu.memory_space<hbm>>) dst(%arg13 : memref<64x768xf32, #tpu.memory_space<vmem>>)
    %scan3A = arith.constant 0 : i32
    %scan3A_37 = arith.constant 0 : i32
    %scan3A_38 = arith.constant 64 : i32
    %scan3A_39 = arith.addi %scan3A_37, %scan3A_38 : i32
    %scan3A_40 = arith.constant 1 : i32
    %scan3A_41 = scf.for %scan3A_43 = %scan3A_37 to %scan3A_39 step %scan3A_40 iter_args(%scan3A_44 = %scan3A) -> (i32)  : i32 {
      %get3A = arith.index_cast %scan3A_43 : i32 to index
      %get3A_45 = arith.constant 0 : index
      %get3A_46 = tpu.vector_load %arg10[%get3A, %get3A_45] {strides = array<i32>} : memref<64x16xf32, #tpu.memory_space<vmem>>, vector<1x16xf32>,
      %get3A_47 = vector.shape_cast %get3A_46 : vector<1x16xf32> to vector<16xf32>
      %get3A_48 = arith.index_cast %scan3A_43 : i32 to index
      %get3A_49 = arith.constant 0 : index
      %get3A_50 = tpu.vector_load %arg11[%get3A_48, %get3A_49] {strides = array<i32>} : memref<64x16xf32, #tpu.memory_space<vmem>>, vector<1x16xf32>,
      %get3A_51 = vector.shape_cast %get3A_50 : vector<1x16xf32> to vector<16xf32>
      %get3A_52 = arith.index_cast %scan3A_43 : i32 to index
      %get3A_53 = arith.constant 0 : index
      %get3A_54 = tpu.vector_load %arg12[%get3A_52, %get3A_53] {strides = array<i32>} : memref<64x768xf32, #tpu.memory_space<vmem>>, vector<1x16xf32>,
      %get3A_55 = vector.shape_cast %get3A_54 : vector<1x16xf32> to vector<16xf32>
      %mul3A_56 = arith.mulf %get3A_55, %get3A_47 : vector<16xf32>
      %get3A_57 = arith.index_cast %scan3A_43 : i32 to index
      %get3A_58 = arith.constant 0 : index
      %get3A_59 = tpu.vector_load %arg13[%get3A_57, %get3A_58] {strides = array<i32>} : memref<64x768xf32, #tpu.memory_space<vmem>>, vector<1x16xf32>,
      %get3A_60 = vector.shape_cast %get3A_59 : vector<1x16xf32> to vector<16xf32>
      %mul3A_61 = arith.mulf %get3A_60, %get3A_51 : vector<16xf32>
      %add3A_62 = arith.addf %mul3A_56, %mul3A_61 : vector<16xf32>
      %swap3A = arith.index_cast %scan3A_43 : i32 to index
      %swap3A_63 = arith.constant 0 : index
      %swap3A_64 = tpu.vector_load %arg12[%swap3A, %swap3A_63] {strides = array<i32>} : memref<64x768xf32, #tpu.memory_space<vmem>>, vector<1x16xf32>,
      %swap3A_65 = vector.shape_cast %swap3A_64 : vector<1x16xf32> to vector<16xf32>
      %swap3A_66 = vector.shape_cast %add3A_62 : vector<16xf32> to vector<1x16xf32>
      tpu.vector_store %arg12[%swap3A, %swap3A_63], %swap3A_66 {strides = array<i32>} : memref<64x768xf32, #tpu.memory_space<vmem>>, vector<1x16xf32>,
      %get3A_67 = arith.index_cast %scan3A_43 : i32 to index
      %get3A_68 = arith.constant 16 : index
      %get3A_69 = tpu.vector_load %arg12[%get3A_67, %get3A_68] {strides = array<i32>} : memref<64x768xf32, #tpu.memory_space<vmem>>, vector<1x16xf32>,
      %get3A_70 = vector.shape_cast %get3A_69 : vector<1x16xf32> to vector<16xf32>
      %mul3A_71 = arith.mulf %get3A_70, %get3A_47 : vector<16xf32>
      %get3A_72 = arith.index_cast %scan3A_43 : i32 to index
      %get3A_73 = arith.constant 16 : index
      %get3A_74 = tpu.vector_load %arg13[%get3A_72, %get3A_73] {strides = array<i32>} : memref<64x768xf32, #tpu.memory_space<vmem>>, vector<1x16xf32>,
      %get3A_75 = vector.shape_cast %get3A_74 : vector<1x16xf32> to vector<16xf32>
      %mul3A_76 = arith.mulf %get3A_75, %get3A_51 : vector<16xf32>
      %add3A_77 = arith.addf %mul3A_71, %mul3A_76 : vector<16xf32>
      %swap3A_78 = arith.index_cast %scan3A_43 : i32 to index
      %swap3A_79 = arith.constant 16 : index
      %swap3A_80 = tpu.vector_load %arg12[%swap3A_78, %swap3A_79] {strides = array<i32>} : memref<64x768xf32, #tpu.memory_space<vmem>>, vector<1x16xf32>,
      %swap3A_81 = vector.shape_cast %swap3A_80 : vector<1x16xf32> to vector<16xf32>
      %swap3A_82 = vector.shape_cast %add3A_77 : vector<16xf32> to vector<1x16xf32>
      tpu.vector_store %arg12[%swap3A_78, %swap3A_79], %swap3A_82 {strides = array<i32>} : memref<64x768xf32, #tpu.memory_space<vmem>>, vector<1x16xf32>,
      %get3A_83 = arith.index_cast %scan3A_43 : i32 to index
      %get3A_84 = arith.constant 32 : index
      %get3A_85 = tpu.vector_load %arg12[%get3A_83, %get3A_84] {strides = array<i32>} : memref<64x768xf32, #tpu.memory_space<vmem>>, vector<1x16xf32>,
      %get3A_86 = vector.shape_cast %get3A_85 : vector<1x16xf32> to vector<16xf32>
      %mul3A_87 = arith.mulf %get3A_86, %get3A_47 : vector<16xf32>
      %get3A_88 = arith.index_cast %scan3A_43 : i32 to index
      %get3A_89 = arith.constant 32 : index
      %get3A_90 = tpu.vector_load %arg13[%get3A_88, %get3A_89] {strides = array<i32>} : memref<64x768xf32, #tpu.memory_space<vmem>>, vector<1x16xf32>,
      %get3A_91 = vector.shape_cast %get3A_90 : vector<1x16xf32> to vector<16xf32>
      %mul3A_92 = arith.mulf %get3A_91, %get3A_51 : vector<16xf32>
      %add3A_93 = arith.addf %mul3A_87, %mul3A_92 : vector<16xf32>
      %swap3A_94 = arith.index_cast %scan3A_43 : i32 to index
      %swap3A_95 = arith.constant 32 : index
      %swap3A_96 = tpu.vector_load %arg12[%swap3A_94, %swap3A_95] {strides = array<i32>} : memref<64x768xf32, #tpu.memory_space<vmem>>, vector<1x16xf32>,
      %swap3A_97 = vector.shape_cast %swap3A_96 : vector<1x16xf32> to vector<16xf32>
      %swap3A_98 = vector.shape_cast %add3A_93 : vector<16xf32> to vector<1x16xf32>
      tpu.vector_store %arg12[%swap3A_94, %swap3A_95], %swap3A_98 {strides = array<i32>} : memref<64x768xf32, #tpu.memory_space<vmem>>, vector<1x16xf32>,
      %get3A_99 = arith.index_cast %scan3A_43 : i32 to index
      %get3A_100 = arith.constant 48 : index
      %get3A_101 = tpu.vector_load %arg12[%get3A_99, %get3A_100] {strides = array<i32>} : memref<64x768xf32, #tpu.memory_space<vmem>>, vector<1x16xf32>,
      %get3A_102 = vector.shape_cast %get3A_101 : vector<1x16xf32> to vector<16xf32>
      %mul3A_103 = arith.mulf %get3A_102, %get3A_47 : vector<16xf32>
      %get3A_104 = arith.index_cast %scan3A_43 : i32 to index
      %get3A_105 = arith.constant 48 : index
      %get3A_106 = tpu.vector_load %arg13[%get3A_104, %get3A_105] {strides = array<i32>} : memref<64x768xf32, #tpu.memory_space<vmem>>, vector<1x16xf32>,
      %get3A_107 = vector.shape_cast %get3A_106 : vector<1x16xf32> to vector<16xf32>
      %mul3A_108 = arith.mulf %get3A_107, %get3A_51 : vector<16xf32>
      %add3A_109 = arith.addf %mul3A_103, %mul3A_108 : vector<16xf32>
      %swap3A_110 = arith.index_cast %scan3A_43 : i32 to index
      %swap3A_111 = arith.constant 48 : index
      %swap3A_112 = tpu.vector_load %arg12[%swap3A_110, %swap3A_111] {strides = array<i32>} : memref<64x768xf32, #tpu.memory_space<vmem>>, vector<1x16xf32>,
      %swap3A_113 = vector.shape_cast %swap3A_112 : vector<1x16xf32> to vector<16xf32>
      %swap3A_114 = vector.shape_cast %add3A_109 : vector<16xf32> to vector<1x16xf32>
      tpu.vector_store %arg12[%swap3A_110, %swap3A_111], %swap3A_114 {strides = array<i32>} : memref<64x768xf32, #tpu.memory_space<vmem>>, vector<1x16xf32>,
      %get3A_115 = arith.index_cast %scan3A_43 : i32 to index
      %get3A_116 = arith.constant 64 : index
      %get3A_117 = tpu.vector_load %arg12[%get3A_115, %get3A_116] {strides = array<i32>} : memref<64x768xf32, #tpu.memory_space<vmem>>, vector<1x16xf32>,
      %get3A_118 = vector.shape_cast %get3A_117 : vector<1x16xf32> to vector<16xf32>
      %mul3A_119 = arith.mulf %get3A_118, %get3A_47 : vector<16xf32>
      %get3A_120 = arith.index_cast %scan3A_43 : i32 to index
      %get3A_121 = arith.constant 64 : index
      %get3A_122 = tpu.vector_load %arg13[%get3A_120, %get3A_121] {strides = array<i32>} : memref<64x768xf32, #tpu.memory_space<vmem>>, vector<1x16xf32>,
      %get3A_123 = vector.shape_cast %get3A_122 : vector<1x16xf32> to vector<16xf32>
      %mul3A_124 = arith.mulf %get3A_123, %get3A_51 : vector<16xf32>
      %add3A_125 = arith.addf %mul3A_119, %mul3A_124 : vector<16xf32>
      %swap3A_126 = arith.index_cast %scan3A_43 : i32 to index
      %swap3A_127 = arith.constant 64 : index
      %swap3A_128 = tpu.vector_load %arg12[%swap3A_126, %swap3A_127] {strides = array<i32>} : memref<64x768xf32, #tpu.memory_space<vmem>>, vector<1x16xf32>,
      %swap3A_129 = vector.shape_cast %swap3A_128 : vector<1x16xf32> to vector<16xf32>
      %swap3A_130 = vector.shape_cast %add3A_125 : vector<16xf32> to vector<1x16xf32>
      tpu.vector_store %arg12[%swap3A_126, %swap3A_127], %swap3A_130 {strides = array<i32>} : memref<64x768xf32, #tpu.memory_space<vmem>>, vector<1x16xf32>,
      %get3A_131 = arith.index_cast %scan3A_43 : i32 to index
      %get3A_132 = arith.constant 80 : index
      %get3A_133 = tpu.vector_load %arg12[%get3A_131, %get3A_132] {strides = array<i32>} : memref<64x768xf32, #tpu.memory_space<vmem>>, vector<1x16xf32>,
      %get3A_134 = vector.shape_cast %get3A_133 : vector<1x16xf32> to vector<16xf32>
      %mul3A_135 = arith.mulf %get3A_134, %get3A_47 : vector<16xf32>
      %get3A_136 = arith.index_cast %scan3A_43 : i32 to index
      %get3A_137 = arith.constant 80 : index
      %get3A_138 = tpu.vector_load %arg13[%get3A_136, %get3A_137] {strides = array<i32>} : memref<64x768xf32, #tpu.memory_space<vmem>>, vector<1x16xf32>,
      %get3A_139 = vector.shape_cast %get3A_138 : vector<1x16xf32> to vector<16xf32>
      %mul3A_140 = arith.mulf %get3A_139, %get3A_51 : vector<16xf32>
      %add3A_141 = arith.addf %mul3A_135, %mul3A_140 : vector<16xf32>
      %swap3A_142 = arith.index_cast %scan3A_43 : i32 to index
      %swap3A_143 = arith.constant 80 : index
      %swap3A_144 = tpu.vector_load %arg12[%swap3A_142, %swap3A_143] {strides = array<i32>} : memref<64x768xf32, #tpu.memory_space<vmem>>, vector<1x16xf32>,
      %swap3A_145 = vector.shape_cast %swap3A_144 : vector<1x16xf32> to vector<16xf32>
      %swap3A_146 = vector.shape_cast %add3A_141 : vector<16xf32> to vector<1x16xf32>
      tpu.vector_store %arg12[%swap3A_142, %swap3A_143], %swap3A_146 {strides = array<i32>} : memref<64x768xf32, #tpu.memory_space<vmem>>, vector<1x16xf32>,
      %get3A_147 = arith.index_cast %scan3A_43 : i32 to index
      %get3A_148 = arith.constant 96 : index
      %get3A_149 = tpu.vector_load %arg12[%get3A_147, %get3A_148] {strides = array<i32>} : memref<64x768xf32, #tpu.memory_space<vmem>>, vector<1x16xf32>,
      %get3A_150 = vector.shape_cast %get3A_149 : vector<1x16xf32> to vector<16xf32>
      %mul3A_151 = arith.mulf %get3A_150, %get3A_47 : vector<16xf32>
      %get3A_152 = arith.index_cast %scan3A_43 : i32 to index
      %get3A_153 = arith.constant 96 : index
      %get3A_154 = tpu.vector_load %arg13[%get3A_152, %get3A_153] {strides = array<i32>} : memref<64x768xf32, #tpu.memory_space<vmem>>, vector<1x16xf32>,
      %get3A_155 = vector.shape_cast %get3A_154 : vector<1x16xf32> to vector<16xf32>
      %mul3A_156 = arith.mulf %get3A_155, %get3A_51 : vector<16xf32>
      %add3A_157 = arith.addf %mul3A_151, %mul3A_156 : vector<16xf32>
      %swap3A_158 = arith.index_cast %scan3A_43 : i32 to index
      %swap3A_159 = arith.constant 96 : index
      %swap3A_160 = tpu.vector_load %arg12[%swap3A_158, %swap3A_159] {strides = array<i32>} : memref<64x768xf32, #tpu.memory_space<vmem>>, vector<1x16xf32>,
      %swap3A_161 = vector.shape_cast %swap3A_160 : vector<1x16xf32> to vector<16xf32>
      %swap3A_162 = vector.shape_cast %add3A_157 : vector<16xf32> to vector<1x16xf32>
      tpu.vector_store %arg12[%swap3A_158, %swap3A_159], %swap3A_162 {strides = array<i32>} : memref<64x768xf32, #tpu.memory_space<vmem>>, vector<1x16xf32>,
      %get3A_163 = arith.index_cast %scan3A_43 : i32 to index
      %get3A_164 = arith.constant 112 : index
      %get3A_165 = tpu.vector_load %arg12[%get3A_163, %get3A_164] {strides = array<i32>} : memref<64x768xf32, #tpu.memory_space<vmem>>, vector<1x16xf32>,
      %get3A_166 = vector.shape_cast %get3A_165 : vector<1x16xf32> to vector<16xf32>
      %mul3A_167 = arith.mulf %get3A_166, %get3A_47 : vector<16xf32>
      %get3A_168 = arith.index_cast %scan3A_43 : i32 to index
      %get3A_169 = arith.constant 112 : index
      %get3A_170 = tpu.vector_load %arg13[%get3A_168, %get3A_169] {strides = array<i32>} : memref<64x768xf32, #tpu.memory_space<vmem>>, vector<1x16xf32>,
      %get3A_171 = vector.shape_cast %get3A_170 : vector<1x16xf32> to vector<16xf32>
      %mul3A_172 = arith.mulf %get3A_171, %get3A_51 : vector<16xf32>
      %add3A_173 = arith.addf %mul3A_167, %mul3A_172 : vector<16xf32>
      %swap3A_174 = arith.index_cast %scan3A_43 : i32 to index
      %swap3A_175 = arith.constant 112 : index
      %swap3A_176 = tpu.vector_load %arg12[%swap3A_174, %swap3A_175] {strides = array<i32>} : memref<64x768xf32, #tpu.memory_space<vmem>>, vector<1x16xf32>,
      %swap3A_177 = vector.shape_cast %swap3A_176 : vector<1x16xf32> to vector<16xf32>
      %swap3A_178 = vector.shape_cast %add3A_173 : vector<16xf32> to vector<1x16xf32>
      tpu.vector_store %arg12[%swap3A_174, %swap3A_175], %swap3A_178 {strides = array<i32>} : memref<64x768xf32, #tpu.memory_space<vmem>>, vector<1x16xf32>,
      %get3A_179 = arith.index_cast %scan3A_43 : i32 to index
      %get3A_180 = arith.constant 128 : index
      %get3A_181 = tpu.vector_load %arg12[%get3A_179, %get3A_180] {strides = array<i32>} : memref<64x768xf32, #tpu.memory_space<vmem>>, vector<1x16xf32>,
      %get3A_182 = vector.shape_cast %get3A_181 : vector<1x16xf32> to vector<16xf32>
      %mul3A_183 = arith.mulf %get3A_182, %get3A_47 : vector<16xf32>
      %get3A_184 = arith.index_cast %scan3A_43 : i32 to index
      %get3A_185 = arith.constant 128 : index
      %get3A_186 = tpu.vector_load %arg13[%get3A_184, %get3A_185] {strides = array<i32>} : memref<64x768xf32, #tpu.memory_space<vmem>>, vector<1x16xf32>,
      %get3A_187 = vector.shape_cast %get3A_186 : vector<1x16xf32> to vector<16xf32>
      %mul3A_188 = arith.mulf %get3A_187, %get3A_51 : vector<16xf32>
      %add3A_189 = arith.addf %mul3A_183, %mul3A_188 : vector<16xf32>
      %swap3A_190 = arith.index_cast %scan3A_43 : i32 to index
      %swap3A_191 = arith.constant 128 : index
      %swap3A_192 = tpu.vector_load %arg12[%swap3A_190, %swap3A_191] {strides = array<i32>} : memref<64x768xf32, #tpu.memory_space<vmem>>, vector<1x16xf32>,
      %swap3A_193 = vector.shape_cast %swap3A_192 : vector<1x16xf32> to vector<16xf32>
      %swap3A_194 = vector.shape_cast %add3A_189 : vector<16xf32> to vector<1x16xf32>
      tpu.vector_store %arg12[%swap3A_190, %swap3A_191], %swap3A_194 {strides = array<i32>} : memref<64x768xf32, #tpu.memory_space<vmem>>, vector<1x16xf32>,
      %get3A_195 = arith.index_cast %scan3A_43 : i32 to index
      %get3A_196 = arith.constant 144 : index
      %get3A_197 = tpu.vector_load %arg12[%get3A_195, %get3A_196] {strides = array<i32>} : memref<64x768xf32, #tpu.memory_space<vmem>>, vector<1x16xf32>,
      %get3A_198 = vector.shape_cast %get3A_197 : vector<1x16xf32> to vector<16xf32>
      %mul3A_199 = arith.mulf %get3A_198, %get3A_47 : vector<16xf32>
      %get3A_200 = arith.index_cast %scan3A_43 : i32 to index
      %get3A_201 = arith.constant 144 : index
      %get3A_202 = tpu.vector_load %arg13[%get3A_200, %get3A_201] {strides = array<i32>} : memref<64x768xf32, #tpu.memory_space<vmem>>, vector<1x16xf32>,
      %get3A_203 = vector.shape_cast %get3A_202 : vector<1x16xf32> to vector<16xf32>
      %mul3A_204 = arith.mulf %get3A_203, %get3A_51 : vector<16xf32>
      %add3A_205 = arith.addf %mul3A_199, %mul3A_204 : vector<16xf32>
      %swap3A_206 = arith.index_cast %scan3A_43 : i32 to index
      %swap3A_207 = arith.constant 144 : index
      %swap3A_208 = tpu.vector_load %arg12[%swap3A_206, %swap3A_207] {strides = array<i32>} : memref<64x768xf32, #tpu.memory_space<vmem>>, vector<1x16xf32>,
      %swap3A_209 = vector.shape_cast %swap3A_208 : vector<1x16xf32> to vector<16xf32>
      %swap3A_210 = vector.shape_cast %add3A_205 : vector<16xf32> to vector<1x16xf32>
      tpu.vector_store %arg12[%swap3A_206, %swap3A_207], %swap3A_210 {strides = array<i32>} : memref<64x768xf32, #tpu.memory_space<vmem>>, vector<1x16xf32>,
      %get3A_211 = arith.index_cast %scan3A_43 : i32 to index
      %get3A_212 = arith.constant 160 : index
      %get3A_213 = tpu.vector_load %arg12[%get3A_211, %get3A_212] {strides = array<i32>} : memref<64x768xf32, #tpu.memory_space<vmem>>, vector<1x16xf32>,
      %get3A_214 = vector.shape_cast %get3A_213 : vector<1x16xf32> to vector<16xf32>
      %mul3A_215 = arith.mulf %get3A_214, %get3A_47 : vector<16xf32>
      %get3A_216 = arith.index_cast %scan3A_43 : i32 to index
      %get3A_217 = arith.constant 160 : index
      %get3A_218 = tpu.vector_load %arg13[%get3A_216, %get3A_217] {strides = array<i32>} : memref<64x768xf32, #tpu.memory_space<vmem>>, vector<1x16xf32>,
      %get3A_219 = vector.shape_cast %get3A_218 : vector<1x16xf32> to vector<16xf32>
      %mul3A_220 = arith.mulf %get3A_219, %get3A_51 : vector<16xf32>
      %add3A_221 = arith.addf %mul3A_215, %mul3A_220 : vector<16xf32>
      %swap3A_222 = arith.index_cast %scan3A_43 : i32 to index
      %swap3A_223 = arith.constant 160 : index
      %swap3A_224 = tpu.vector_load %arg12[%swap3A_222, %swap3A_223] {strides = array<i32>} : memref<64x768xf32, #tpu.memory_space<vmem>>, vector<1x16xf32>,
      %swap3A_225 = vector.shape_cast %swap3A_224 : vector<1x16xf32> to vector<16xf32>
      %swap3A_226 = vector.shape_cast %add3A_221 : vector<16xf32> to vector<1x16xf32>
      tpu.vector_store %arg12[%swap3A_222, %swap3A_223], %swap3A_226 {strides = array<i32>} : memref<64x768xf32, #tpu.memory_space<vmem>>, vector<1x16xf32>,
      %get3A_227 = arith.index_cast %scan3A_43 : i32 to index
      %get3A_228 = arith.constant 176 : index
      %get3A_229 = tpu.vector_load %arg12[%get3A_227, %get3A_228] {strides = array<i32>} : memref<64x768xf32, #tpu.memory_space<vmem>>, vector<1x16xf32>,
      %get3A_230 = vector.shape_cast %get3A_229 : vector<1x16xf32> to vector<16xf32>
      %mul3A_231 = arith.mulf %get3A_230, %get3A_47 : vector<16xf32>
      %get3A_232 = arith.index_cast %scan3A_43 : i32 to index
      %get3A_233 = arith.constant 176 : index
      %get3A_234 = tpu.vector_load %arg13[%get3A_232, %get3A_233] {strides = array<i32>} : memref<64x768xf32, #tpu.memory_space<vmem>>, vector<1x16xf32>,
      %get3A_235 = vector.shape_cast %get3A_234 : vector<1x16xf32> to vector<16xf32>
      %mul3A_236 = arith.mulf %get3A_235, %get3A_51 : vector<16xf32>
      %add3A_237 = arith.addf %mul3A_231, %mul3A_236 : vector<16xf32>
      %swap3A_238 = arith.index_cast %scan3A_43 : i32 to index
      %swap3A_239 = arith.constant 176 : index
      %swap3A_240 = tpu.vector_load %arg12[%swap3A_238, %swap3A_239] {strides = array<i32>} : memref<64x768xf32, #tpu.memory_space<vmem>>, vector<1x16xf32>,
      %swap3A_241 = vector.shape_cast %swap3A_240 : vector<1x16xf32> to vector<16xf32>
      %swap3A_242 = vector.shape_cast %add3A_237 : vector<16xf32> to vector<1x16xf32>
      tpu.vector_store %arg12[%swap3A_238, %swap3A_239], %swap3A_242 {strides = array<i32>} : memref<64x768xf32, #tpu.memory_space<vmem>>, vector<1x16xf32>,
      %get3A_243 = arith.index_cast %scan3A_43 : i32 to index
      %get3A_244 = arith.constant 192 : index
      %get3A_245 = tpu.vector_load %arg12[%get3A_243, %get3A_244] {strides = array<i32>} : memref<64x768xf32, #tpu.memory_space<vmem>>, vector<1x16xf32>,
      %get3A_246 = vector.shape_cast %get3A_245 : vector<1x16xf32> to vector<16xf32>
      %mul3A_247 = arith.mulf %get3A_246, %get3A_47 : vector<16xf32>
      %get3A_248 = arith.index_cast %scan3A_43 : i32 to index
      %get3A_249 = arith.constant 192 : index
      %get3A_250 = tpu.vector_load %arg13[%get3A_248, %get3A_249] {strides = array<i32>} : memref<64x768xf32, #tpu.memory_space<vmem>>, vector<1x16xf32>,
      %get3A_251 = vector.shape_cast %get3A_250 : vector<1x16xf32> to vector<16xf32>
      %mul3A_252 = arith.mulf %get3A_251, %get3A_51 : vector<16xf32>
      %add3A_253 = arith.addf %mul3A_247, %mul3A_252 : vector<16xf32>
      %swap3A_254 = arith.index_cast %scan3A_43 : i32 to index
      %swap3A_255 = arith.constant 192 : index
      %swap3A_256 = tpu.vector_load %arg12[%swap3A_254, %swap3A_255] {strides = array<i32>} : memref<64x768xf32, #tpu.memory_space<vmem>>, vector<1x16xf32>,
      %swap3A_257 = vector.shape_cast %swap3A_256 : vector<1x16xf32> to vector<16xf32>
      %swap3A_258 = vector.shape_cast %add3A_253 : vector<16xf32> to vector<1x16xf32>
      tpu.vector_store %arg12[%swap3A_254, %swap3A_255], %swap3A_258 {strides = array<i32>} : memref<64x768xf32, #tpu.memory_space<vmem>>, vector<1x16xf32>,
      %get3A_259 = arith.index_cast %scan3A_43 : i32 to index
      %get3A_260 = arith.constant 208 : index
      %get3A_261 = tpu.vector_load %arg12[%get3A_259, %get3A_260] {strides = array<i32>} : memref<64x768xf32, #tpu.memory_space<vmem>>, vector<1x16xf32>,
      %get3A_262 = vector.shape_cast %get3A_261 : vector<1x16xf32> to vector<16xf32>
      %mul3A_263 = arith.mulf %get3A_262, %get3A_47 : vector<16xf32>
      %get3A_264 = arith.index_cast %scan3A_43 : i32 to index
      %get3A_265 = arith.constant 208 : index
      %get3A_266 = tpu.vector_load %arg13[%get3A_264, %get3A_265] {strides = array<i32>} : memref<64x768xf32, #tpu.memory_space<vmem>>, vector<1x16xf32>,
      %get3A_267 = vector.shape_cast %get3A_266 : vector<1x16xf32> to vector<16xf32>
      %mul3A_268 = arith.mulf %get3A_267, %get3A_51 : vector<16xf32>
      %add3A_269 = arith.addf %mul3A_263, %mul3A_268 : vector<16xf32>
      %swap3A_270 = arith.index_cast %scan3A_43 : i32 to index
      %swap3A_271 = arith.constant 208 : index
      %swap3A_272 = tpu.vector_load %arg12[%swap3A_270, %swap3A_271] {strides = array<i32>} : memref<64x768xf32, #tpu.memory_space<vmem>>, vector<1x16xf32>,
      %swap3A_273 = vector.shape_cast %swap3A_272 : vector<1x16xf32> to vector<16xf32>
      %swap3A_274 = vector.shape_cast %add3A_269 : vector<16xf32> to vector<1x16xf32>
      tpu.vector_store %arg12[%swap3A_270, %swap3A_271], %swap3A_274 {strides = array<i32>} : memref<64x768xf32, #tpu.memory_space<vmem>>, vector<1x16xf32>,
      %get3A_275 = arith.index_cast %scan3A_43 : i32 to index
      %get3A_276 = arith.constant 224 : index
      %get3A_277 = tpu.vector_load %arg12[%get3A_275, %get3A_276] {strides = array<i32>} : memref<64x768xf32, #tpu.memory_space<vmem>>, vector<1x16xf32>,
      %get3A_278 = vector.shape_cast %get3A_277 : vector<1x16xf32> to vector<16xf32>
      %mul3A_279 = arith.mulf %get3A_278, %get3A_47 : vector<16xf32>
      %get3A_280 = arith.index_cast %scan3A_43 : i32 to index
      %get3A_281 = arith.constant 224 : index
      %get3A_282 = tpu.vector_load %arg13[%get3A_280, %get3A_281] {strides = array<i32>} : memref<64x768xf32, #tpu.memory_space<vmem>>, vector<1x16xf32>,
      %get3A_283 = vector.shape_cast %get3A_282 : vector<1x16xf32> to vector<16xf32>
      %mul3A_284 = arith.mulf %get3A_283, %get3A_51 : vector<16xf32>
      %add3A_285 = arith.addf %mul3A_279, %mul3A_284 : vector<16xf32>
      %swap3A_286 = arith.index_cast %scan3A_43 : i32 to index
      %swap3A_287 = arith.constant 224 : index
      %swap3A_288 = tpu.vector_load %arg12[%swap3A_286, %swap3A_287] {strides = array<i32>} : memref<64x768xf32, #tpu.memory_space<vmem>>, vector<1x16xf32>,
      %swap3A_289 = vector.shape_cast %swap3A_288 : vector<1x16xf32> to vector<16xf32>
      %swap3A_290 = vector.shape_cast %add3A_285 : vector<16xf32> to vector<1x16xf32>
      tpu.vector_store %arg12[%swap3A_286, %swap3A_287], %swap3A_290 {strides = array<i32>} : memref<64x768xf32, #tpu.memory_space<vmem>>, vector<1x16xf32>,
      %get3A_291 = arith.index_cast %scan3A_43 : i32 to index
      %get3A_292 = arith.constant 240 : index
      %get3A_293 = tpu.vector_load %arg12[%get3A_291, %get3A_292] {strides = array<i32>} : memref<64x768xf32, #tpu.memory_space<vmem>>, vector<1x16xf32>,
      %get3A_294 = vector.shape_cast %get3A_293 : vector<1x16xf32> to vector<16xf32>
      %mul3A_295 = arith.mulf %get3A_294, %get3A_47 : vector<16xf32>
      %get3A_296 = arith.index_cast %scan3A_43 : i32 to index
      %get3A_297 = arith.constant 240 : index
      %get3A_298 = tpu.vector_load %arg13[%get3A_296, %get3A_297] {strides = array<i32>} : memref<64x768xf32, #tpu.memory_space<vmem>>, vector<1x16xf32>,
      %get3A_299 = vector.shape_cast %get3A_298 : vector<1x16xf32> to vector<16xf32>
      %mul3A_300 = arith.mulf %get3A_299, %get3A_51 : vector<16xf32>
      %add3A_301 = arith.addf %mul3A_295, %mul3A_300 : vector<16xf32>
      %swap3A_302 = arith.index_cast %scan3A_43 : i32 to index
      %swap3A_303 = arith.constant 240 : index
      %swap3A_304 = tpu.vector_load %arg12[%swap3A_302, %swap3A_303] {strides = array<i32>} : memref<64x768xf32, #tpu.memory_space<vmem>>, vector<1x16xf32>,
      %swap3A_305 = vector.shape_cast %swap3A_304 : vector<1x16xf32> to vector<16xf32>
      %swap3A_306 = vector.shape_cast %add3A_301 : vector<16xf32> to vector<1x16xf32>
      tpu.vector_store %arg12[%swap3A_302, %swap3A_303], %swap3A_306 {strides = array<i32>} : memref<64x768xf32, #tpu.memory_space<vmem>>, vector<1x16xf32>,
      %get3A_307 = arith.index_cast %scan3A_43 : i32 to index
      %get3A_308 = arith.constant 256 : index
      %get3A_309 = tpu.vector_load %arg12[%get3A_307, %get3A_308] {strides = array<i32>} : memref<64x768xf32, #tpu.memory_space<vmem>>, vector<1x16xf32>,
      %get3A_310 = vector.shape_cast %get3A_309 : vector<1x16xf32> to vector<16xf32>
      %mul3A_311 = arith.mulf %get3A_310, %get3A_47 : vector<16xf32>
      %get3A_312 = arith.index_cast %scan3A_43 : i32 to index
      %get3A_313 = arith.constant 256 : index
      %get3A_314 = tpu.vector_load %arg13[%get3A_312, %get3A_313] {strides = array<i32>} : memref<64x768xf32, #tpu.memory_space<vmem>>, vector<1x16xf32>,
      %get3A_315 = vector.shape_cast %get3A_314 : vector<1x16xf32> to vector<16xf32>
      %mul3A_316 = arith.mulf %get3A_315, %get3A_51 : vector<16xf32>
      %add3A_317 = arith.addf %mul3A_311, %mul3A_316 : vector<16xf32>
      %swap3A_318 = arith.index_cast %scan3A_43 : i32 to index
      %swap3A_319 = arith.constant 256 : index
      %swap3A_320 = tpu.vector_load %arg12[%swap3A_318, %swap3A_319] {strides = array<i32>} : memref<64x768xf32, #tpu.memory_space<vmem>>, vector<1x16xf32>,
      %swap3A_321 = vector.shape_cast %swap3A_320 : vector<1x16xf32> to vector<16xf32>
      %swap3A_322 = vector.shape_cast %add3A_317 : vector<16xf32> to vector<1x16xf32>
      tpu.vector_store %arg12[%swap3A_318, %swap3A_319], %swap3A_322 {strides = array<i32>} : memref<64x768xf32, #tpu.memory_space<vmem>>, vector<1x16xf32>,
      %get3A_323 = arith.index_cast %scan3A_43 : i32 to index
      %get3A_324 = arith.constant 272 : index
      %get3A_325 = tpu.vector_load %arg12[%get3A_323, %get3A_324] {strides = array<i32>} : memref<64x768xf32, #tpu.memory_space<vmem>>, vector<1x16xf32>,
      %get3A_326 = vector.shape_cast %get3A_325 : vector<1x16xf32> to vector<16xf32>
      %mul3A_327 = arith.mulf %get3A_326, %get3A_47 : vector<16xf32>
      %get3A_328 = arith.index_cast %scan3A_43 : i32 to index
      %get3A_329 = arith.constant 272 : index
      %get3A_330 = tpu.vector_load %arg13[%get3A_328, %get3A_329] {strides = array<i32>} : memref<64x768xf32, #tpu.memory_space<vmem>>, vector<1x16xf32>,
      %get3A_331 = vector.shape_cast %get3A_330 : vector<1x16xf32> to vector<16xf32>
      %mul3A_332 = arith.mulf %get3A_331, %get3A_51 : vector<16xf32>
      %add3A_333 = arith.addf %mul3A_327, %mul3A_332 : vector<16xf32>
      %swap3A_334 = arith.index_cast %scan3A_43 : i32 to index
      %swap3A_335 = arith.constant 272 : index
      %swap3A_336 = tpu.vector_load %arg12[%swap3A_334, %swap3A_335] {strides = array<i32>} : memref<64x768xf32, #tpu.memory_space<vmem>>, vector<1x16xf32>,
      %swap3A_337 = vector.shape_cast %swap3A_336 : vector<1x16xf32> to vector<16xf32>
      %swap3A_338 = vector.shape_cast %add3A_333 : vector<16xf32> to vector<1x16xf32>
      tpu.vector_store %arg12[%swap3A_334, %swap3A_335], %swap3A_338 {strides = array<i32>} : memref<64x768xf32, #tpu.memory_space<vmem>>, vector<1x16xf32>,
      %get3A_339 = arith.index_cast %scan3A_43 : i32 to index
      %get3A_340 = arith.constant 288 : index
      %get3A_341 = tpu.vector_load %arg12[%get3A_339, %get3A_340] {strides = array<i32>} : memref<64x768xf32, #tpu.memory_space<vmem>>, vector<1x16xf32>,
      %get3A_342 = vector.shape_cast %get3A_341 : vector<1x16xf32> to vector<16xf32>
      %mul3A_343 = arith.mulf %get3A_342, %get3A_47 : vector<16xf32>
      %get3A_344 = arith.index_cast %scan3A_43 : i32 to index
      %get3A_345 = arith.constant 288 : index
      %get3A_346 = tpu.vector_load %arg13[%get3A_344, %get3A_345] {strides = array<i32>} : memref<64x768xf32, #tpu.memory_space<vmem>>, vector<1x16xf32>,
      %get3A_347 = vector.shape_cast %get3A_346 : vector<1x16xf32> to vector<16xf32>
      %mul3A_348 = arith.mulf %get3A_347, %get3A_51 : vector<16xf32>
      %add3A_349 = arith.addf %mul3A_343, %mul3A_348 : vector<16xf32>
      %swap3A_350 = arith.index_cast %scan3A_43 : i32 to index
      %swap3A_351 = arith.constant 288 : index
      %swap3A_352 = tpu.vector_load %arg12[%swap3A_350, %swap3A_351] {strides = array<i32>} : memref<64x768xf32, #tpu.memory_space<vmem>>, vector<1x16xf32>,
      %swap3A_353 = vector.shape_cast %swap3A_352 : vector<1x16xf32> to vector<16xf32>
      %swap3A_354 = vector.shape_cast %add3A_349 : vector<16xf32> to vector<1x16xf32>
      tpu.vector_store %arg12[%swap3A_350, %swap3A_351], %swap3A_354 {strides = array<i32>} : memref<64x768xf32, #tpu.memory_space<vmem>>, vector<1x16xf32>,
      %get3A_355 = arith.index_cast %scan3A_43 : i32 to index
      %get3A_356 = arith.constant 304 : index
      %get3A_357 = tpu.vector_load %arg12[%get3A_355, %get3A_356] {strides = array<i32>} : memref<64x768xf32, #tpu.memory_space<vmem>>, vector<1x16xf32>,
      %get3A_358 = vector.shape_cast %get3A_357 : vector<1x16xf32> to vector<16xf32>
      %mul3A_359 = arith.mulf %get3A_358, %get3A_47 : vector<16xf32>
      %get3A_360 = arith.index_cast %scan3A_43 : i32 to index
      %get3A_361 = arith.constant 304 : index
      %get3A_362 = tpu.vector_load %arg13[%get3A_360, %get3A_361] {strides = array<i32>} : memref<64x768xf32, #tpu.memory_space<vmem>>, vector<1x16xf32>,
      %get3A_363 = vector.shape_cast %get3A_362 : vector<1x16xf32> to vector<16xf32>
      %mul3A_364 = arith.mulf %get3A_363, %get3A_51 : vector<16xf32>
      %add3A_365 = arith.addf %mul3A_359, %mul3A_364 : vector<16xf32>
      %swap3A_366 = arith.index_cast %scan3A_43 : i32 to index
      %swap3A_367 = arith.constant 304 : index
      %swap3A_368 = tpu.vector_load %arg12[%swap3A_366, %swap3A_367] {strides = array<i32>} : memref<64x768xf32, #tpu.memory_space<vmem>>, vector<1x16xf32>,
      %swap3A_369 = vector.shape_cast %swap3A_368 : vector<1x16xf32> to vector<16xf32>
      %swap3A_370 = vector.shape_cast %add3A_365 : vector<16xf32> to vector<1x16xf32>
      tpu.vector_store %arg12[%swap3A_366, %swap3A_367], %swap3A_370 {strides = array<i32>} : memref<64x768xf32, #tpu.memory_space<vmem>>, vector<1x16xf32>,
      %get3A_371 = arith.index_cast %scan3A_43 : i32 to index
      %get3A_372 = arith.constant 320 : index
      %get3A_373 = tpu.vector_load %arg12[%get3A_371, %get3A_372] {strides = array<i32>} : memref<64x768xf32, #tpu.memory_space<vmem>>, vector<1x16xf32>,
      %get3A_374 = vector.shape_cast %get3A_373 : vector<1x16xf32> to vector<16xf32>
      %mul3A_375 = arith.mulf %get3A_374, %get3A_47 : vector<16xf32>
      %get3A_376 = arith.index_cast %scan3A_43 : i32 to index
      %get3A_377 = arith.constant 320 : index
      %get3A_378 = tpu.vector_load %arg13[%get3A_376, %get3A_377] {strides = array<i32>} : memref<64x768xf32, #tpu.memory_space<vmem>>, vector<1x16xf32>,
      %get3A_379 = vector.shape_cast %get3A_378 : vector<1x16xf32> to vector<16xf32>
      %mul3A_380 = arith.mulf %get3A_379, %get3A_51 : vector<16xf32>
      %add3A_381 = arith.addf %mul3A_375, %mul3A_380 : vector<16xf32>
      %swap3A_382 = arith.index_cast %scan3A_43 : i32 to index
      %swap3A_383 = arith.constant 320 : index
      %swap3A_384 = tpu.vector_load %arg12[%swap3A_382, %swap3A_383] {strides = array<i32>} : memref<64x768xf32, #tpu.memory_space<vmem>>, vector<1x16xf32>,
      %swap3A_385 = vector.shape_cast %swap3A_384 : vector<1x16xf32> to vector<16xf32>
      %swap3A_386 = vector.shape_cast %add3A_381 : vector<16xf32> to vector<1x16xf32>
      tpu.vector_store %arg12[%swap3A_382, %swap3A_383], %swap3A_386 {strides = array<i32>} : memref<64x768xf32, #tpu.memory_space<vmem>>, vector<1x16xf32>,
      %get3A_387 = arith.index_cast %scan3A_43 : i32 to index
      %get3A_388 = arith.constant 336 : index
      %get3A_389 = tpu.vector_load %arg12[%get3A_387, %get3A_388] {strides = array<i32>} : memref<64x768xf32, #tpu.memory_space<vmem>>, vector<1x16xf32>,
      %get3A_390 = vector.shape_cast %get3A_389 : vector<1x16xf32> to vector<16xf32>
      %mul3A_391 = arith.mulf %get3A_390, %get3A_47 : vector<16xf32>
      %get3A_392 = arith.index_cast %scan3A_43 : i32 to index
      %get3A_393 = arith.constant 336 : index
      %get3A_394 = tpu.vector_load %arg13[%get3A_392, %get3A_393] {strides = array<i32>} : memref<64x768xf32, #tpu.memory_space<vmem>>, vector<1x16xf32>,
      %get3A_395 = vector.shape_cast %get3A_394 : vector<1x16xf32> to vector<16xf32>
      %mul3A_396 = arith.mulf %get3A_395, %get3A_51 : vector<16xf32>
      %add3A_397 = arith.addf %mul3A_391, %mul3A_396 : vector<16xf32>
      %swap3A_398 = arith.index_cast %scan3A_43 : i32 to index
      %swap3A_399 = arith.constant 336 : index
      %swap3A_400 = tpu.vector_load %arg12[%swap3A_398, %swap3A_399] {strides = array<i32>} : memref<64x768xf32, #tpu.memory_space<vmem>>, vector<1x16xf32>,
      %swap3A_401 = vector.shape_cast %swap3A_400 : vector<1x16xf32> to vector<16xf32>
      %swap3A_402 = vector.shape_cast %add3A_397 : vector<16xf32> to vector<1x16xf32>
      tpu.vector_store %arg12[%swap3A_398, %swap3A_399], %swap3A_402 {strides = array<i32>} : memref<64x768xf32, #tpu.memory_space<vmem>>, vector<1x16xf32>,
      %get3A_403 = arith.index_cast %scan3A_43 : i32 to index
      %get3A_404 = arith.constant 352 : index
      %get3A_405 = tpu.vector_load %arg12[%get3A_403, %get3A_404] {strides = array<i32>} : memref<64x768xf32, #tpu.memory_space<vmem>>, vector<1x16xf32>,
      %get3A_406 = vector.shape_cast %get3A_405 : vector<1x16xf32> to vector<16xf32>
      %mul3A_407 = arith.mulf %get3A_406, %get3A_47 : vector<16xf32>
      %get3A_408 = arith.index_cast %scan3A_43 : i32 to index
      %get3A_409 = arith.constant 352 : index
      %get3A_410 = tpu.vector_load %arg13[%get3A_408, %get3A_409] {strides = array<i32>} : memref<64x768xf32, #tpu.memory_space<vmem>>, vector<1x16xf32>,
      %get3A_411 = vector.shape_cast %get3A_410 : vector<1x16xf32> to vector<16xf32>
      %mul3A_412 = arith.mulf %get3A_411, %get3A_51 : vector<16xf32>
      %add3A_413 = arith.addf %mul3A_407, %mul3A_412 : vector<16xf32>
      %swap3A_414 = arith.index_cast %scan3A_43 : i32 to index
      %swap3A_415 = arith.constant 352 : index
      %swap3A_416 = tpu.vector_load %arg12[%swap3A_414, %swap3A_415] {strides = array<i32>} : memref<64x768xf32, #tpu.memory_space<vmem>>, vector<1x16xf32>,
      %swap3A_417 = vector.shape_cast %swap3A_416 : vector<1x16xf32> to vector<16xf32>
      %swap3A_418 = vector.shape_cast %add3A_413 : vector<16xf32> to vector<1x16xf32>
      tpu.vector_store %arg12[%swap3A_414, %swap3A_415], %swap3A_418 {strides = array<i32>} : memref<64x768xf32, #tpu.memory_space<vmem>>, vector<1x16xf32>,
      %get3A_419 = arith.index_cast %scan3A_43 : i32 to index
      %get3A_420 = arith.constant 368 : index
      %get3A_421 = tpu.vector_load %arg12[%get3A_419, %get3A_420] {strides = array<i32>} : memref<64x768xf32, #tpu.memory_space<vmem>>, vector<1x16xf32>,
      %get3A_422 = vector.shape_cast %get3A_421 : vector<1x16xf32> to vector<16xf32>
      %mul3A_423 = arith.mulf %get3A_422, %get3A_47 : vector<16xf32>
      %get3A_424 = arith.index_cast %scan3A_43 : i32 to index
      %get3A_425 = arith.constant 368 : index
      %get3A_426 = tpu.vector_load %arg13[%get3A_424, %get3A_425] {strides = array<i32>} : memref<64x768xf32, #tpu.memory_space<vmem>>, vector<1x16xf32>,
      %get3A_427 = vector.shape_cast %get3A_426 : vector<1x16xf32> to vector<16xf32>
      %mul3A_428 = arith.mulf %get3A_427, %get3A_51 : vector<16xf32>
      %add3A_429 = arith.addf %mul3A_423, %mul3A_428 : vector<16xf32>
      %swap3A_430 = arith.index_cast %scan3A_43 : i32 to index
      %swap3A_431 = arith.constant 368 : index
      %swap3A_432 = tpu.vector_load %arg12[%swap3A_430, %swap3A_431] {strides = array<i32>} : memref<64x768xf32, #tpu.memory_space<vmem>>, vector<1x16xf32>,
      %swap3A_433 = vector.shape_cast %swap3A_432 : vector<1x16xf32> to vector<16xf32>
      %swap3A_434 = vector.shape_cast %add3A_429 : vector<16xf32> to vector<1x16xf32>
      tpu.vector_store %arg12[%swap3A_430, %swap3A_431], %swap3A_434 {strides = array<i32>} : memref<64x768xf32, #tpu.memory_space<vmem>>, vector<1x16xf32>,
      %get3A_435 = arith.index_cast %scan3A_43 : i32 to index
      %get3A_436 = arith.constant 384 : index
      %get3A_437 = tpu.vector_load %arg12[%get3A_435, %get3A_436] {strides = array<i32>} : memref<64x768xf32, #tpu.memory_space<vmem>>, vector<1x16xf32>,
      %get3A_438 = vector.shape_cast %get3A_437 : vector<1x16xf32> to vector<16xf32>
      %mul3A_439 = arith.mulf %get3A_438, %get3A_47 : vector<16xf32>
      %get3A_440 = arith.index_cast %scan3A_43 : i32 to index
      %get3A_441 = arith.constant 384 : index
      %get3A_442 = tpu.vector_load %arg13[%get3A_440, %get3A_441] {strides = array<i32>} : memref<64x768xf32, #tpu.memory_space<vmem>>, vector<1x16xf32>,
      %get3A_443 = vector.shape_cast %get3A_442 : vector<1x16xf32> to vector<16xf32>
      %mul3A_444 = arith.mulf %get3A_443, %get3A_51 : vector<16xf32>
      %add3A_445 = arith.addf %mul3A_439, %mul3A_444 : vector<16xf32>
      %swap3A_446 = arith.index_cast %scan3A_43 : i32 to index
      %swap3A_447 = arith.constant 384 : index
      %swap3A_448 = tpu.vector_load %arg12[%swap3A_446, %swap3A_447] {strides = array<i32>} : memref<64x768xf32, #tpu.memory_space<vmem>>, vector<1x16xf32>,
      %swap3A_449 = vector.shape_cast %swap3A_448 : vector<1x16xf32> to vector<16xf32>
      %swap3A_450 = vector.shape_cast %add3A_445 : vector<16xf32> to vector<1x16xf32>
      tpu.vector_store %arg12[%swap3A_446, %swap3A_447], %swap3A_450 {strides = array<i32>} : memref<64x768xf32, #tpu.memory_space<vmem>>, vector<1x16xf32>,
      %get3A_451 = arith.index_cast %scan3A_43 : i32 to index
      %get3A_452 = arith.constant 400 : index
      %get3A_453 = tpu.vector_load %arg12[%get3A_451, %get3A_452] {strides = array<i32>} : memref<64x768xf32, #tpu.memory_space<vmem>>, vector<1x16xf32>,
      %get3A_454 = vector.shape_cast %get3A_453 : vector<1x16xf32> to vector<16xf32>
      %mul3A_455 = arith.mulf %get3A_454, %get3A_47 : vector<16xf32>
      %get3A_456 = arith.index_cast %scan3A_43 : i32 to index
      %get3A_457 = arith.constant 400 : index
      %get3A_458 = tpu.vector_load %arg13[%get3A_456, %get3A_457] {strides = array<i32>} : memref<64x768xf32, #tpu.memory_space<vmem>>, vector<1x16xf32>,
      %get3A_459 = vector.shape_cast %get3A_458 : vector<1x16xf32> to vector<16xf32>
      %mul3A_460 = arith.mulf %get3A_459, %get3A_51 : vector<16xf32>
      %add3A_461 = arith.addf %mul3A_455, %mul3A_460 : vector<16xf32>
      %swap3A_462 = arith.index_cast %scan3A_43 : i32 to index
      %swap3A_463 = arith.constant 400 : index
      %swap3A_464 = tpu.vector_load %arg12[%swap3A_462, %swap3A_463] {strides = array<i32>} : memref<64x768xf32, #tpu.memory_space<vmem>>, vector<1x16xf32>,
      %swap3A_465 = vector.shape_cast %swap3A_464 : vector<1x16xf32> to vector<16xf32>
      %swap3A_466 = vector.shape_cast %add3A_461 : vector<16xf32> to vector<1x16xf32>
      tpu.vector_store %arg12[%swap3A_462, %swap3A_463], %swap3A_466 {strides = array<i32>} : memref<64x768xf32, #tpu.memory_space<vmem>>, vector<1x16xf32>,
      %get3A_467 = arith.index_cast %scan3A_43 : i32 to index
      %get3A_468 = arith.constant 416 : index
      %get3A_469 = tpu.vector_load %arg12[%get3A_467, %get3A_468] {strides = array<i32>} : memref<64x768xf32, #tpu.memory_space<vmem>>, vector<1x16xf32>,
      %get3A_470 = vector.shape_cast %get3A_469 : vector<1x16xf32> to vector<16xf32>
      %mul3A_471 = arith.mulf %get3A_470, %get3A_47 : vector<16xf32>
      %get3A_472 = arith.index_cast %scan3A_43 : i32 to index
      %get3A_473 = arith.constant 416 : index
      %get3A_474 = tpu.vector_load %arg13[%get3A_472, %get3A_473] {strides = array<i32>} : memref<64x768xf32, #tpu.memory_space<vmem>>, vector<1x16xf32>,
      %get3A_475 = vector.shape_cast %get3A_474 : vector<1x16xf32> to vector<16xf32>
      %mul3A_476 = arith.mulf %get3A_475, %get3A_51 : vector<16xf32>
      %add3A_477 = arith.addf %mul3A_471, %mul3A_476 : vector<16xf32>
      %swap3A_478 = arith.index_cast %scan3A_43 : i32 to index
      %swap3A_479 = arith.constant 416 : index
      %swap3A_480 = tpu.vector_load %arg12[%swap3A_478, %swap3A_479] {strides = array<i32>} : memref<64x768xf32, #tpu.memory_space<vmem>>, vector<1x16xf32>,
      %swap3A_481 = vector.shape_cast %swap3A_480 : vector<1x16xf32> to vector<16xf32>
      %swap3A_482 = vector.shape_cast %add3A_477 : vector<16xf32> to vector<1x16xf32>
      tpu.vector_store %arg12[%swap3A_478, %swap3A_479], %swap3A_482 {strides = array<i32>} : memref<64x768xf32, #tpu.memory_space<vmem>>, vector<1x16xf32>,
      %get3A_483 = arith.index_cast %scan3A_43 : i32 to index
      %get3A_484 = arith.constant 432 : index
      %get3A_485 = tpu.vector_load %arg12[%get3A_483, %get3A_484] {strides = array<i32>} : memref<64x768xf32, #tpu.memory_space<vmem>>, vector<1x16xf32>,
      %get3A_486 = vector.shape_cast %get3A_485 : vector<1x16xf32> to vector<16xf32>
      %mul3A_487 = arith.mulf %get3A_486, %get3A_47 : vector<16xf32>
      %get3A_488 = arith.index_cast %scan3A_43 : i32 to index
      %get3A_489 = arith.constant 432 : index
      %get3A_490 = tpu.vector_load %arg13[%get3A_488, %get3A_489] {strides = array<i32>} : memref<64x768xf32, #tpu.memory_space<vmem>>, vector<1x16xf32>,
      %get3A_491 = vector.shape_cast %get3A_490 : vector<1x16xf32> to vector<16xf32>
      %mul3A_492 = arith.mulf %get3A_491, %get3A_51 : vector<16xf32>
      %add3A_493 = arith.addf %mul3A_487, %mul3A_492 : vector<16xf32>
      %swap3A_494 = arith.index_cast %scan3A_43 : i32 to index
      %swap3A_495 = arith.constant 432 : index
      %swap3A_496 = tpu.vector_load %arg12[%swap3A_494, %swap3A_495] {strides = array<i32>} : memref<64x768xf32, #tpu.memory_space<vmem>>, vector<1x16xf32>,
      %swap3A_497 = vector.shape_cast %swap3A_496 : vector<1x16xf32> to vector<16xf32>
      %swap3A_498 = vector.shape_cast %add3A_493 : vector<16xf32> to vector<1x16xf32>
      tpu.vector_store %arg12[%swap3A_494, %swap3A_495], %swap3A_498 {strides = array<i32>} : memref<64x768xf32, #tpu.memory_space<vmem>>, vector<1x16xf32>,
      %get3A_499 = arith.index_cast %scan3A_43 : i32 to index
      %get3A_500 = arith.constant 448 : index
      %get3A_501 = tpu.vector_load %arg12[%get3A_499, %get3A_500] {strides = array<i32>} : memref<64x768xf32, #tpu.memory_space<vmem>>, vector<1x16xf32>,
      %get3A_502 = vector.shape_cast %get3A_501 : vector<1x16xf32> to vector<16xf32>
      %mul3A_503 = arith.mulf %get3A_502, %get3A_47 : vector<16xf32>
      %get3A_504 = arith.index_cast %scan3A_43 : i32 to index
      %get3A_505 = arith.constant 448 : index
      %get3A_506 = tpu.vector_load %arg13[%get3A_504, %get3A_505] {strides = array<i32>} : memref<64x768xf32, #tpu.memory_space<vmem>>, vector<1x16xf32>,
      %get3A_507 = vector.shape_cast %get3A_506 : vector<1x16xf32> to vector<16xf32>
      %mul3A_508 = arith.mulf %get3A_507, %get3A_51 : vector<16xf32>
      %add3A_509 = arith.addf %mul3A_503, %mul3A_508 : vector<16xf32>
      %swap3A_510 = arith.index_cast %scan3A_43 : i32 to index
      %swap3A_511 = arith.constant 448 : index
      %swap3A_512 = tpu.vector_load %arg12[%swap3A_510, %swap3A_511] {strides = array<i32>} : memref<64x768xf32, #tpu.memory_space<vmem>>, vector<1x16xf32>,
      %swap3A_513 = vector.shape_cast %swap3A_512 : vector<1x16xf32> to vector<16xf32>
      %swap3A_514 = vector.shape_cast %add3A_509 : vector<16xf32> to vector<1x16xf32>
      tpu.vector_store %arg12[%swap3A_510, %swap3A_511], %swap3A_514 {strides = array<i32>} : memref<64x768xf32, #tpu.memory_space<vmem>>, vector<1x16xf32>,
      %get3A_515 = arith.index_cast %scan3A_43 : i32 to index
      %get3A_516 = arith.constant 464 : index
      %get3A_517 = tpu.vector_load %arg12[%get3A_515, %get3A_516] {strides = array<i32>} : memref<64x768xf32, #tpu.memory_space<vmem>>, vector<1x16xf32>,
      %get3A_518 = vector.shape_cast %get3A_517 : vector<1x16xf32> to vector<16xf32>
      %mul3A_519 = arith.mulf %get3A_518, %get3A_47 : vector<16xf32>
      %get3A_520 = arith.index_cast %scan3A_43 : i32 to index
      %get3A_521 = arith.constant 464 : index
      %get3A_522 = tpu.vector_load %arg13[%get3A_520, %get3A_521] {strides = array<i32>} : memref<64x768xf32, #tpu.memory_space<vmem>>, vector<1x16xf32>,
      %get3A_523 = vector.shape_cast %get3A_522 : vector<1x16xf32> to vector<16xf32>
      %mul3A_524 = arith.mulf %get3A_523, %get3A_51 : vector<16xf32>
      %add3A_525 = arith.addf %mul3A_519, %mul3A_524 : vector<16xf32>
      %swap3A_526 = arith.index_cast %scan3A_43 : i32 to index
      %swap3A_527 = arith.constant 464 : index
      %swap3A_528 = tpu.vector_load %arg12[%swap3A_526, %swap3A_527] {strides = array<i32>} : memref<64x768xf32, #tpu.memory_space<vmem>>, vector<1x16xf32>,
      %swap3A_529 = vector.shape_cast %swap3A_528 : vector<1x16xf32> to vector<16xf32>
      %swap3A_530 = vector.shape_cast %add3A_525 : vector<16xf32> to vector<1x16xf32>
      tpu.vector_store %arg12[%swap3A_526, %swap3A_527], %swap3A_530 {strides = array<i32>} : memref<64x768xf32, #tpu.memory_space<vmem>>, vector<1x16xf32>,
      %get3A_531 = arith.index_cast %scan3A_43 : i32 to index
      %get3A_532 = arith.constant 480 : index
      %get3A_533 = tpu.vector_load %arg12[%get3A_531, %get3A_532] {strides = array<i32>} : memref<64x768xf32, #tpu.memory_space<vmem>>, vector<1x16xf32>,
      %get3A_534 = vector.shape_cast %get3A_533 : vector<1x16xf32> to vector<16xf32>
      %mul3A_535 = arith.mulf %get3A_534, %get3A_47 : vector<16xf32>
      %get3A_536 = arith.index_cast %scan3A_43 : i32 to index
      %get3A_537 = arith.constant 480 : index
      %get3A_538 = tpu.vector_load %arg13[%get3A_536, %get3A_537] {strides = array<i32>} : memref<64x768xf32, #tpu.memory_space<vmem>>, vector<1x16xf32>,
      %get3A_539 = vector.shape_cast %get3A_538 : vector<1x16xf32> to vector<16xf32>
      %mul3A_540 = arith.mulf %get3A_539, %get3A_51 : vector<16xf32>
      %add3A_541 = arith.addf %mul3A_535, %mul3A_540 : vector<16xf32>
      %swap3A_542 = arith.index_cast %scan3A_43 : i32 to index
      %swap3A_543 = arith.constant 480 : index
      %swap3A_544 = tpu.vector_load %arg12[%swap3A_542, %swap3A_543] {strides = array<i32>} : memref<64x768xf32, #tpu.memory_space<vmem>>, vector<1x16xf32>,
      %swap3A_545 = vector.shape_cast %swap3A_544 : vector<1x16xf32> to vector<16xf32>
      %swap3A_546 = vector.shape_cast %add3A_541 : vector<16xf32> to vector<1x16xf32>
      tpu.vector_store %arg12[%swap3A_542, %swap3A_543], %swap3A_546 {strides = array<i32>} : memref<64x768xf32, #tpu.memory_space<vmem>>, vector<1x16xf32>,
      %get3A_547 = arith.index_cast %scan3A_43 : i32 to index
      %get3A_548 = arith.constant 496 : index
      %get3A_549 = tpu.vector_load %arg12[%get3A_547, %get3A_548] {strides = array<i32>} : memref<64x768xf32, #tpu.memory_space<vmem>>, vector<1x16xf32>,
      %get3A_550 = vector.shape_cast %get3A_549 : vector<1x16xf32> to vector<16xf32>
      %mul3A_551 = arith.mulf %get3A_550, %get3A_47 : vector<16xf32>
      %get3A_552 = arith.index_cast %scan3A_43 : i32 to index
      %get3A_553 = arith.constant 496 : index
      %get3A_554 = tpu.vector_load %arg13[%get3A_552, %get3A_553] {strides = array<i32>} : memref<64x768xf32, #tpu.memory_space<vmem>>, vector<1x16xf32>,
      %get3A_555 = vector.shape_cast %get3A_554 : vector<1x16xf32> to vector<16xf32>
      %mul3A_556 = arith.mulf %get3A_555, %get3A_51 : vector<16xf32>
      %add3A_557 = arith.addf %mul3A_551, %mul3A_556 : vector<16xf32>
      %swap3A_558 = arith.index_cast %scan3A_43 : i32 to index
      %swap3A_559 = arith.constant 496 : index
      %swap3A_560 = tpu.vector_load %arg12[%swap3A_558, %swap3A_559] {strides = array<i32>} : memref<64x768xf32, #tpu.memory_space<vmem>>, vector<1x16xf32>,
      %swap3A_561 = vector.shape_cast %swap3A_560 : vector<1x16xf32> to vector<16xf32>
      %swap3A_562 = vector.shape_cast %add3A_557 : vector<16xf32> to vector<1x16xf32>
      tpu.vector_store %arg12[%swap3A_558, %swap3A_559], %swap3A_562 {strides = array<i32>} : memref<64x768xf32, #tpu.memory_space<vmem>>, vector<1x16xf32>,
      %get3A_563 = arith.index_cast %scan3A_43 : i32 to index
      %get3A_564 = arith.constant 512 : index
      %get3A_565 = tpu.vector_load %arg12[%get3A_563, %get3A_564] {strides = array<i32>} : memref<64x768xf32, #tpu.memory_space<vmem>>, vector<1x16xf32>,
      %get3A_566 = vector.shape_cast %get3A_565 : vector<1x16xf32> to vector<16xf32>
      %mul3A_567 = arith.mulf %get3A_566, %get3A_47 : vector<16xf32>
      %get3A_568 = arith.index_cast %scan3A_43 : i32 to index
      %get3A_569 = arith.constant 512 : index
      %get3A_570 = tpu.vector_load %arg13[%get3A_568, %get3A_569] {strides = array<i32>} : memref<64x768xf32, #tpu.memory_space<vmem>>, vector<1x16xf32>,
      %get3A_571 = vector.shape_cast %get3A_570 : vector<1x16xf32> to vector<16xf32>
      %mul3A_572 = arith.mulf %get3A_571, %get3A_51 : vector<16xf32>
      %add3A_573 = arith.addf %mul3A_567, %mul3A_572 : vector<16xf32>
      %swap3A_574 = arith.index_cast %scan3A_43 : i32 to index
      %swap3A_575 = arith.constant 512 : index
      %swap3A_576 = tpu.vector_load %arg12[%swap3A_574, %swap3A_575] {strides = array<i32>} : memref<64x768xf32, #tpu.memory_space<vmem>>, vector<1x16xf32>,
      %swap3A_577 = vector.shape_cast %swap3A_576 : vector<1x16xf32> to vector<16xf32>
      %swap3A_578 = vector.shape_cast %add3A_573 : vector<16xf32> to vector<1x16xf32>
      tpu.vector_store %arg12[%swap3A_574, %swap3A_575], %swap3A_578 {strides = array<i32>} : memref<64x768xf32, #tpu.memory_space<vmem>>, vector<1x16xf32>,
      %get3A_579 = arith.index_cast %scan3A_43 : i32 to index
      %get3A_580 = arith.constant 528 : index
      %get3A_581 = tpu.vector_load %arg12[%get3A_579, %get3A_580] {strides = array<i32>} : memref<64x768xf32, #tpu.memory_space<vmem>>, vector<1x16xf32>,
      %get3A_582 = vector.shape_cast %get3A_581 : vector<1x16xf32> to vector<16xf32>
      %mul3A_583 = arith.mulf %get3A_582, %get3A_47 : vector<16xf32>
      %get3A_584 = arith.index_cast %scan3A_43 : i32 to index
      %get3A_585 = arith.constant 528 : index
      %get3A_586 = tpu.vector_load %arg13[%get3A_584, %get3A_585] {strides = array<i32>} : memref<64x768xf32, #tpu.memory_space<vmem>>, vector<1x16xf32>,
      %get3A_587 = vector.shape_cast %get3A_586 : vector<1x16xf32> to vector<16xf32>
      %mul3A_588 = arith.mulf %get3A_587, %get3A_51 : vector<16xf32>
      %add3A_589 = arith.addf %mul3A_583, %mul3A_588 : vector<16xf32>
      %swap3A_590 = arith.index_cast %scan3A_43 : i32 to index
      %swap3A_591 = arith.constant 528 : index
      %swap3A_592 = tpu.vector_load %arg12[%swap3A_590, %swap3A_591] {strides = array<i32>} : memref<64x768xf32, #tpu.memory_space<vmem>>, vector<1x16xf32>,
      %swap3A_593 = vector.shape_cast %swap3A_592 : vector<1x16xf32> to vector<16xf32>
      %swap3A_594 = vector.shape_cast %add3A_589 : vector<16xf32> to vector<1x16xf32>
      tpu.vector_store %arg12[%swap3A_590, %swap3A_591], %swap3A_594 {strides = array<i32>} : memref<64x768xf32, #tpu.memory_space<vmem>>, vector<1x16xf32>,
      %get3A_595 = arith.index_cast %scan3A_43 : i32 to index
      %get3A_596 = arith.constant 544 : index
      %get3A_597 = tpu.vector_load %arg12[%get3A_595, %get3A_596] {strides = array<i32>} : memref<64x768xf32, #tpu.memory_space<vmem>>, vector<1x16xf32>,
      %get3A_598 = vector.shape_cast %get3A_597 : vector<1x16xf32> to vector<16xf32>
      %mul3A_599 = arith.mulf %get3A_598, %get3A_47 : vector<16xf32>
      %get3A_600 = arith.index_cast %scan3A_43 : i32 to index
      %get3A_601 = arith.constant 544 : index
      %get3A_602 = tpu.vector_load %arg13[%get3A_600, %get3A_601] {strides = array<i32>} : memref<64x768xf32, #tpu.memory_space<vmem>>, vector<1x16xf32>,
      %get3A_603 = vector.shape_cast %get3A_602 : vector<1x16xf32> to vector<16xf32>
      %mul3A_604 = arith.mulf %get3A_603, %get3A_51 : vector<16xf32>
      %add3A_605 = arith.addf %mul3A_599, %mul3A_604 : vector<16xf32>
      %swap3A_606 = arith.index_cast %scan3A_43 : i32 to index
      %swap3A_607 = arith.constant 544 : index
      %swap3A_608 = tpu.vector_load %arg12[%swap3A_606, %swap3A_607] {strides = array<i32>} : memref<64x768xf32, #tpu.memory_space<vmem>>, vector<1x16xf32>,
      %swap3A_609 = vector.shape_cast %swap3A_608 : vector<1x16xf32> to vector<16xf32>
      %swap3A_610 = vector.shape_cast %add3A_605 : vector<16xf32> to vector<1x16xf32>
      tpu.vector_store %arg12[%swap3A_606, %swap3A_607], %swap3A_610 {strides = array<i32>} : memref<64x768xf32, #tpu.memory_space<vmem>>, vector<1x16xf32>,
      %get3A_611 = arith.index_cast %scan3A_43 : i32 to index
      %get3A_612 = arith.constant 560 : index
      %get3A_613 = tpu.vector_load %arg12[%get3A_611, %get3A_612] {strides = array<i32>} : memref<64x768xf32, #tpu.memory_space<vmem>>, vector<1x16xf32>,
      %get3A_614 = vector.shape_cast %get3A_613 : vector<1x16xf32> to vector<16xf32>
      %mul3A_615 = arith.mulf %get3A_614, %get3A_47 : vector<16xf32>
      %get3A_616 = arith.index_cast %scan3A_43 : i32 to index
      %get3A_617 = arith.constant 560 : index
      %get3A_618 = tpu.vector_load %arg13[%get3A_616, %get3A_617] {strides = array<i32>} : memref<64x768xf32, #tpu.memory_space<vmem>>, vector<1x16xf32>,
      %get3A_619 = vector.shape_cast %get3A_618 : vector<1x16xf32> to vector<16xf32>
      %mul3A_620 = arith.mulf %get3A_619, %get3A_51 : vector<16xf32>
      %add3A_621 = arith.addf %mul3A_615, %mul3A_620 : vector<16xf32>
      %swap3A_622 = arith.index_cast %scan3A_43 : i32 to index
      %swap3A_623 = arith.constant 560 : index
      %swap3A_624 = tpu.vector_load %arg12[%swap3A_622, %swap3A_623] {strides = array<i32>} : memref<64x768xf32, #tpu.memory_space<vmem>>, vector<1x16xf32>,
      %swap3A_625 = vector.shape_cast %swap3A_624 : vector<1x16xf32> to vector<16xf32>
      %swap3A_626 = vector.shape_cast %add3A_621 : vector<16xf32> to vector<1x16xf32>
      tpu.vector_store %arg12[%swap3A_622, %swap3A_623], %swap3A_626 {strides = array<i32>} : memref<64x768xf32, #tpu.memory_space<vmem>>, vector<1x16xf32>,
      %get3A_627 = arith.index_cast %scan3A_43 : i32 to index
      %get3A_628 = arith.constant 576 : index
      %get3A_629 = tpu.vector_load %arg12[%get3A_627, %get3A_628] {strides = array<i32>} : memref<64x768xf32, #tpu.memory_space<vmem>>, vector<1x16xf32>,
      %get3A_630 = vector.shape_cast %get3A_629 : vector<1x16xf32> to vector<16xf32>
      %mul3A_631 = arith.mulf %get3A_630, %get3A_47 : vector<16xf32>
      %get3A_632 = arith.index_cast %scan3A_43 : i32 to index
      %get3A_633 = arith.constant 576 : index
      %get3A_634 = tpu.vector_load %arg13[%get3A_632, %get3A_633] {strides = array<i32>} : memref<64x768xf32, #tpu.memory_space<vmem>>, vector<1x16xf32>,
      %get3A_635 = vector.shape_cast %get3A_634 : vector<1x16xf32> to vector<16xf32>
      %mul3A_636 = arith.mulf %get3A_635, %get3A_51 : vector<16xf32>
      %add3A_637 = arith.addf %mul3A_631, %mul3A_636 : vector<16xf32>
      %swap3A_638 = arith.index_cast %scan3A_43 : i32 to index
      %swap3A_639 = arith.constant 576 : index
      %swap3A_640 = tpu.vector_load %arg12[%swap3A_638, %swap3A_639] {strides = array<i32>} : memref<64x768xf32, #tpu.memory_space<vmem>>, vector<1x16xf32>,
      %swap3A_641 = vector.shape_cast %swap3A_640 : vector<1x16xf32> to vector<16xf32>
      %swap3A_642 = vector.shape_cast %add3A_637 : vector<16xf32> to vector<1x16xf32>
      tpu.vector_store %arg12[%swap3A_638, %swap3A_639], %swap3A_642 {strides = array<i32>} : memref<64x768xf32, #tpu.memory_space<vmem>>, vector<1x16xf32>,
      %get3A_643 = arith.index_cast %scan3A_43 : i32 to index
      %get3A_644 = arith.constant 592 : index
      %get3A_645 = tpu.vector_load %arg12[%get3A_643, %get3A_644] {strides = array<i32>} : memref<64x768xf32, #tpu.memory_space<vmem>>, vector<1x16xf32>,
      %get3A_646 = vector.shape_cast %get3A_645 : vector<1x16xf32> to vector<16xf32>
      %mul3A_647 = arith.mulf %get3A_646, %get3A_47 : vector<16xf32>
      %get3A_648 = arith.index_cast %scan3A_43 : i32 to index
      %get3A_649 = arith.constant 592 : index
      %get3A_650 = tpu.vector_load %arg13[%get3A_648, %get3A_649] {strides = array<i32>} : memref<64x768xf32, #tpu.memory_space<vmem>>, vector<1x16xf32>,
      %get3A_651 = vector.shape_cast %get3A_650 : vector<1x16xf32> to vector<16xf32>
      %mul3A_652 = arith.mulf %get3A_651, %get3A_51 : vector<16xf32>
      %add3A_653 = arith.addf %mul3A_647, %mul3A_652 : vector<16xf32>
      %swap3A_654 = arith.index_cast %scan3A_43 : i32 to index
      %swap3A_655 = arith.constant 592 : index
      %swap3A_656 = tpu.vector_load %arg12[%swap3A_654, %swap3A_655] {strides = array<i32>} : memref<64x768xf32, #tpu.memory_space<vmem>>, vector<1x16xf32>,
      %swap3A_657 = vector.shape_cast %swap3A_656 : vector<1x16xf32> to vector<16xf32>
      %swap3A_658 = vector.shape_cast %add3A_653 : vector<16xf32> to vector<1x16xf32>
      tpu.vector_store %arg12[%swap3A_654, %swap3A_655], %swap3A_658 {strides = array<i32>} : memref<64x768xf32, #tpu.memory_space<vmem>>, vector<1x16xf32>,
      %get3A_659 = arith.index_cast %scan3A_43 : i32 to index
      %get3A_660 = arith.constant 608 : index
      %get3A_661 = tpu.vector_load %arg12[%get3A_659, %get3A_660] {strides = array<i32>} : memref<64x768xf32, #tpu.memory_space<vmem>>, vector<1x16xf32>,
      %get3A_662 = vector.shape_cast %get3A_661 : vector<1x16xf32> to vector<16xf32>
      %mul3A_663 = arith.mulf %get3A_662, %get3A_47 : vector<16xf32>
      %get3A_664 = arith.index_cast %scan3A_43 : i32 to index
      %get3A_665 = arith.constant 608 : index
      %get3A_666 = tpu.vector_load %arg13[%get3A_664, %get3A_665] {strides = array<i32>} : memref<64x768xf32, #tpu.memory_space<vmem>>, vector<1x16xf32>,
      %get3A_667 = vector.shape_cast %get3A_666 : vector<1x16xf32> to vector<16xf32>
      %mul3A_668 = arith.mulf %get3A_667, %get3A_51 : vector<16xf32>
      %add3A_669 = arith.addf %mul3A_663, %mul3A_668 : vector<16xf32>
      %swap3A_670 = arith.index_cast %scan3A_43 : i32 to index
      %swap3A_671 = arith.constant 608 : index
      %swap3A_672 = tpu.vector_load %arg12[%swap3A_670, %swap3A_671] {strides = array<i32>} : memref<64x768xf32, #tpu.memory_space<vmem>>, vector<1x16xf32>,
      %swap3A_673 = vector.shape_cast %swap3A_672 : vector<1x16xf32> to vector<16xf32>
      %swap3A_674 = vector.shape_cast %add3A_669 : vector<16xf32> to vector<1x16xf32>
      tpu.vector_store %arg12[%swap3A_670, %swap3A_671], %swap3A_674 {strides = array<i32>} : memref<64x768xf32, #tpu.memory_space<vmem>>, vector<1x16xf32>,
      %get3A_675 = arith.index_cast %scan3A_43 : i32 to index
      %get3A_676 = arith.constant 624 : index
      %get3A_677 = tpu.vector_load %arg12[%get3A_675, %get3A_676] {strides = array<i32>} : memref<64x768xf32, #tpu.memory_space<vmem>>, vector<1x16xf32>,
      %get3A_678 = vector.shape_cast %get3A_677 : vector<1x16xf32> to vector<16xf32>
      %mul3A_679 = arith.mulf %get3A_678, %get3A_47 : vector<16xf32>
      %get3A_680 = arith.index_cast %scan3A_43 : i32 to index
      %get3A_681 = arith.constant 624 : index
      %get3A_682 = tpu.vector_load %arg13[%get3A_680, %get3A_681] {strides = array<i32>} : memref<64x768xf32, #tpu.memory_space<vmem>>, vector<1x16xf32>,
      %get3A_683 = vector.shape_cast %get3A_682 : vector<1x16xf32> to vector<16xf32>
      %mul3A_684 = arith.mulf %get3A_683, %get3A_51 : vector<16xf32>
      %add3A_685 = arith.addf %mul3A_679, %mul3A_684 : vector<16xf32>
      %swap3A_686 = arith.index_cast %scan3A_43 : i32 to index
      %swap3A_687 = arith.constant 624 : index
      %swap3A_688 = tpu.vector_load %arg12[%swap3A_686, %swap3A_687] {strides = array<i32>} : memref<64x768xf32, #tpu.memory_space<vmem>>, vector<1x16xf32>,
      %swap3A_689 = vector.shape_cast %swap3A_688 : vector<1x16xf32> to vector<16xf32>
      %swap3A_690 = vector.shape_cast %add3A_685 : vector<16xf32> to vector<1x16xf32>
      tpu.vector_store %arg12[%swap3A_686, %swap3A_687], %swap3A_690 {strides = array<i32>} : memref<64x768xf32, #tpu.memory_space<vmem>>, vector<1x16xf32>,
      %get3A_691 = arith.index_cast %scan3A_43 : i32 to index
      %get3A_692 = arith.constant 640 : index
      %get3A_693 = tpu.vector_load %arg12[%get3A_691, %get3A_692] {strides = array<i32>} : memref<64x768xf32, #tpu.memory_space<vmem>>, vector<1x16xf32>,
      %get3A_694 = vector.shape_cast %get3A_693 : vector<1x16xf32> to vector<16xf32>
      %mul3A_695 = arith.mulf %get3A_694, %get3A_47 : vector<16xf32>
      %get3A_696 = arith.index_cast %scan3A_43 : i32 to index
      %get3A_697 = arith.constant 640 : index
      %get3A_698 = tpu.vector_load %arg13[%get3A_696, %get3A_697] {strides = array<i32>} : memref<64x768xf32, #tpu.memory_space<vmem>>, vector<1x16xf32>,
      %get3A_699 = vector.shape_cast %get3A_698 : vector<1x16xf32> to vector<16xf32>
      %mul3A_700 = arith.mulf %get3A_699, %get3A_51 : vector<16xf32>
      %add3A_701 = arith.addf %mul3A_695, %mul3A_700 : vector<16xf32>
      %swap3A_702 = arith.index_cast %scan3A_43 : i32 to index
      %swap3A_703 = arith.constant 640 : index
      %swap3A_704 = tpu.vector_load %arg12[%swap3A_702, %swap3A_703] {strides = array<i32>} : memref<64x768xf32, #tpu.memory_space<vmem>>, vector<1x16xf32>,
      %swap3A_705 = vector.shape_cast %swap3A_704 : vector<1x16xf32> to vector<16xf32>
      %swap3A_706 = vector.shape_cast %add3A_701 : vector<16xf32> to vector<1x16xf32>
      tpu.vector_store %arg12[%swap3A_702, %swap3A_703], %swap3A_706 {strides = array<i32>} : memref<64x768xf32, #tpu.memory_space<vmem>>, vector<1x16xf32>,
      %get3A_707 = arith.index_cast %scan3A_43 : i32 to index
      %get3A_708 = arith.constant 656 : index
      %get3A_709 = tpu.vector_load %arg12[%get3A_707, %get3A_708] {strides = array<i32>} : memref<64x768xf32, #tpu.memory_space<vmem>>, vector<1x16xf32>,
      %get3A_710 = vector.shape_cast %get3A_709 : vector<1x16xf32> to vector<16xf32>
      %mul3A_711 = arith.mulf %get3A_710, %get3A_47 : vector<16xf32>
      %get3A_712 = arith.index_cast %scan3A_43 : i32 to index
      %get3A_713 = arith.constant 656 : index
      %get3A_714 = tpu.vector_load %arg13[%get3A_712, %get3A_713] {strides = array<i32>} : memref<64x768xf32, #tpu.memory_space<vmem>>, vector<1x16xf32>,
      %get3A_715 = vector.shape_cast %get3A_714 : vector<1x16xf32> to vector<16xf32>
      %mul3A_716 = arith.mulf %get3A_715, %get3A_51 : vector<16xf32>
      %add3A_717 = arith.addf %mul3A_711, %mul3A_716 : vector<16xf32>
      %swap3A_718 = arith.index_cast %scan3A_43 : i32 to index
      %swap3A_719 = arith.constant 656 : index
      %swap3A_720 = tpu.vector_load %arg12[%swap3A_718, %swap3A_719] {strides = array<i32>} : memref<64x768xf32, #tpu.memory_space<vmem>>, vector<1x16xf32>,
      %swap3A_721 = vector.shape_cast %swap3A_720 : vector<1x16xf32> to vector<16xf32>
      %swap3A_722 = vector.shape_cast %add3A_717 : vector<16xf32> to vector<1x16xf32>
      tpu.vector_store %arg12[%swap3A_718, %swap3A_719], %swap3A_722 {strides = array<i32>} : memref<64x768xf32, #tpu.memory_space<vmem>>, vector<1x16xf32>,
      %get3A_723 = arith.index_cast %scan3A_43 : i32 to index
      %get3A_724 = arith.constant 672 : index
      %get3A_725 = tpu.vector_load %arg12[%get3A_723, %get3A_724] {strides = array<i32>} : memref<64x768xf32, #tpu.memory_space<vmem>>, vector<1x16xf32>,
      %get3A_726 = vector.shape_cast %get3A_725 : vector<1x16xf32> to vector<16xf32>
      %mul3A_727 = arith.mulf %get3A_726, %get3A_47 : vector<16xf32>
      %get3A_728 = arith.index_cast %scan3A_43 : i32 to index
      %get3A_729 = arith.constant 672 : index
      %get3A_730 = tpu.vector_load %arg13[%get3A_728, %get3A_729] {strides = array<i32>} : memref<64x768xf32, #tpu.memory_space<vmem>>, vector<1x16xf32>,
      %get3A_731 = vector.shape_cast %get3A_730 : vector<1x16xf32> to vector<16xf32>
      %mul3A_732 = arith.mulf %get3A_731, %get3A_51 : vector<16xf32>
      %add3A_733 = arith.addf %mul3A_727, %mul3A_732 : vector<16xf32>
      %swap3A_734 = arith.index_cast %scan3A_43 : i32 to index
      %swap3A_735 = arith.constant 672 : index
      %swap3A_736 = tpu.vector_load %arg12[%swap3A_734, %swap3A_735] {strides = array<i32>} : memref<64x768xf32, #tpu.memory_space<vmem>>, vector<1x16xf32>,
      %swap3A_737 = vector.shape_cast %swap3A_736 : vector<1x16xf32> to vector<16xf32>
      %swap3A_738 = vector.shape_cast %add3A_733 : vector<16xf32> to vector<1x16xf32>
      tpu.vector_store %arg12[%swap3A_734, %swap3A_735], %swap3A_738 {strides = array<i32>} : memref<64x768xf32, #tpu.memory_space<vmem>>, vector<1x16xf32>,
      %get3A_739 = arith.index_cast %scan3A_43 : i32 to index
      %get3A_740 = arith.constant 688 : index
      %get3A_741 = tpu.vector_load %arg12[%get3A_739, %get3A_740] {strides = array<i32>} : memref<64x768xf32, #tpu.memory_space<vmem>>, vector<1x16xf32>,
      %get3A_742 = vector.shape_cast %get3A_741 : vector<1x16xf32> to vector<16xf32>
      %mul3A_743 = arith.mulf %get3A_742, %get3A_47 : vector<16xf32>
      %get3A_744 = arith.index_cast %scan3A_43 : i32 to index
      %get3A_745 = arith.constant 688 : index
      %get3A_746 = tpu.vector_load %arg13[%get3A_744, %get3A_745] {strides = array<i32>} : memref<64x768xf32, #tpu.memory_space<vmem>>, vector<1x16xf32>,
      %get3A_747 = vector.shape_cast %get3A_746 : vector<1x16xf32> to vector<16xf32>
      %mul3A_748 = arith.mulf %get3A_747, %get3A_51 : vector<16xf32>
      %add3A_749 = arith.addf %mul3A_743, %mul3A_748 : vector<16xf32>
      %swap3A_750 = arith.index_cast %scan3A_43 : i32 to index
      %swap3A_751 = arith.constant 688 : index
      %swap3A_752 = tpu.vector_load %arg12[%swap3A_750, %swap3A_751] {strides = array<i32>} : memref<64x768xf32, #tpu.memory_space<vmem>>, vector<1x16xf32>,
      %swap3A_753 = vector.shape_cast %swap3A_752 : vector<1x16xf32> to vector<16xf32>
      %swap3A_754 = vector.shape_cast %add3A_749 : vector<16xf32> to vector<1x16xf32>
      tpu.vector_store %arg12[%swap3A_750, %swap3A_751], %swap3A_754 {strides = array<i32>} : memref<64x768xf32, #tpu.memory_space<vmem>>, vector<1x16xf32>,
      %get3A_755 = arith.index_cast %scan3A_43 : i32 to index
      %get3A_756 = arith.constant 704 : index
      %get3A_757 = tpu.vector_load %arg12[%get3A_755, %get3A_756] {strides = array<i32>} : memref<64x768xf32, #tpu.memory_space<vmem>>, vector<1x16xf32>,
      %get3A_758 = vector.shape_cast %get3A_757 : vector<1x16xf32> to vector<16xf32>
      %mul3A_759 = arith.mulf %get3A_758, %get3A_47 : vector<16xf32>
      %get3A_760 = arith.index_cast %scan3A_43 : i32 to index
      %get3A_761 = arith.constant 704 : index
      %get3A_762 = tpu.vector_load %arg13[%get3A_760, %get3A_761] {strides = array<i32>} : memref<64x768xf32, #tpu.memory_space<vmem>>, vector<1x16xf32>,
      %get3A_763 = vector.shape_cast %get3A_762 : vector<1x16xf32> to vector<16xf32>
      %mul3A_764 = arith.mulf %get3A_763, %get3A_51 : vector<16xf32>
      %add3A_765 = arith.addf %mul3A_759, %mul3A_764 : vector<16xf32>
      %swap3A_766 = arith.index_cast %scan3A_43 : i32 to index
      %swap3A_767 = arith.constant 704 : index
      %swap3A_768 = tpu.vector_load %arg12[%swap3A_766, %swap3A_767] {strides = array<i32>} : memref<64x768xf32, #tpu.memory_space<vmem>>, vector<1x16xf32>,
      %swap3A_769 = vector.shape_cast %swap3A_768 : vector<1x16xf32> to vector<16xf32>
      %swap3A_770 = vector.shape_cast %add3A_765 : vector<16xf32> to vector<1x16xf32>
      tpu.vector_store %arg12[%swap3A_766, %swap3A_767], %swap3A_770 {strides = array<i32>} : memref<64x768xf32, #tpu.memory_space<vmem>>, vector<1x16xf32>,
      %get3A_771 = arith.index_cast %scan3A_43 : i32 to index
      %get3A_772 = arith.constant 720 : index
      %get3A_773 = tpu.vector_load %arg12[%get3A_771, %get3A_772] {strides = array<i32>} : memref<64x768xf32, #tpu.memory_space<vmem>>, vector<1x16xf32>,
      %get3A_774 = vector.shape_cast %get3A_773 : vector<1x16xf32> to vector<16xf32>
      %mul3A_775 = arith.mulf %get3A_774, %get3A_47 : vector<16xf32>
      %get3A_776 = arith.index_cast %scan3A_43 : i32 to index
      %get3A_777 = arith.constant 720 : index
      %get3A_778 = tpu.vector_load %arg13[%get3A_776, %get3A_777] {strides = array<i32>} : memref<64x768xf32, #tpu.memory_space<vmem>>, vector<1x16xf32>,
      %get3A_779 = vector.shape_cast %get3A_778 : vector<1x16xf32> to vector<16xf32>
      %mul3A_780 = arith.mulf %get3A_779, %get3A_51 : vector<16xf32>
      %add3A_781 = arith.addf %mul3A_775, %mul3A_780 : vector<16xf32>
      %swap3A_782 = arith.index_cast %scan3A_43 : i32 to index
      %swap3A_783 = arith.constant 720 : index
      %swap3A_784 = tpu.vector_load %arg12[%swap3A_782, %swap3A_783] {strides = array<i32>} : memref<64x768xf32, #tpu.memory_space<vmem>>, vector<1x16xf32>,
      %swap3A_785 = vector.shape_cast %swap3A_784 : vector<1x16xf32> to vector<16xf32>
      %swap3A_786 = vector.shape_cast %add3A_781 : vector<16xf32> to vector<1x16xf32>
      tpu.vector_store %arg12[%swap3A_782, %swap3A_783], %swap3A_786 {strides = array<i32>} : memref<64x768xf32, #tpu.memory_space<vmem>>, vector<1x16xf32>,
      %get3A_787 = arith.index_cast %scan3A_43 : i32 to index
      %get3A_788 = arith.constant 736 : index
      %get3A_789 = tpu.vector_load %arg12[%get3A_787, %get3A_788] {strides = array<i32>} : memref<64x768xf32, #tpu.memory_space<vmem>>, vector<1x16xf32>,
      %get3A_790 = vector.shape_cast %get3A_789 : vector<1x16xf32> to vector<16xf32>
      %mul3A_791 = arith.mulf %get3A_790, %get3A_47 : vector<16xf32>
      %get3A_792 = arith.index_cast %scan3A_43 : i32 to index
      %get3A_793 = arith.constant 736 : index
      %get3A_794 = tpu.vector_load %arg13[%get3A_792, %get3A_793] {strides = array<i32>} : memref<64x768xf32, #tpu.memory_space<vmem>>, vector<1x16xf32>,
      %get3A_795 = vector.shape_cast %get3A_794 : vector<1x16xf32> to vector<16xf32>
      %mul3A_796 = arith.mulf %get3A_795, %get3A_51 : vector<16xf32>
      %add3A_797 = arith.addf %mul3A_791, %mul3A_796 : vector<16xf32>
      %swap3A_798 = arith.index_cast %scan3A_43 : i32 to index
      %swap3A_799 = arith.constant 736 : index
      %swap3A_800 = tpu.vector_load %arg12[%swap3A_798, %swap3A_799] {strides = array<i32>} : memref<64x768xf32, #tpu.memory_space<vmem>>, vector<1x16xf32>,
      %swap3A_801 = vector.shape_cast %swap3A_800 : vector<1x16xf32> to vector<16xf32>
      %swap3A_802 = vector.shape_cast %add3A_797 : vector<16xf32> to vector<1x16xf32>
      tpu.vector_store %arg12[%swap3A_798, %swap3A_799], %swap3A_802 {strides = array<i32>} : memref<64x768xf32, #tpu.memory_space<vmem>>, vector<1x16xf32>,
      %get3A_803 = arith.index_cast %scan3A_43 : i32 to index
      %get3A_804 = arith.constant 752 : index
      %get3A_805 = tpu.vector_load %arg12[%get3A_803, %get3A_804] {strides = array<i32>} : memref<64x768xf32, #tpu.memory_space<vmem>>, vector<1x16xf32>,
      %get3A_806 = vector.shape_cast %get3A_805 : vector<1x16xf32> to vector<16xf32>
      %mul3A_807 = arith.mulf %get3A_806, %get3A_47 : vector<16xf32>
      %get3A_808 = arith.index_cast %scan3A_43 : i32 to index
      %get3A_809 = arith.constant 752 : index
      %get3A_810 = tpu.vector_load %arg13[%get3A_808, %get3A_809] {strides = array<i32>} : memref<64x768xf32, #tpu.memory_space<vmem>>, vector<1x16xf32>,
      %get3A_811 = vector.shape_cast %get3A_810 : vector<1x16xf32> to vector<16xf32>
      %mul3A_812 = arith.mulf %get3A_811, %get3A_51 : vector<16xf32>
      %add3A_813 = arith.addf %mul3A_807, %mul3A_812 : vector<16xf32>
      %swap3A_814 = arith.index_cast %scan3A_43 : i32 to index
      %swap3A_815 = arith.constant 752 : index
      %swap3A_816 = tpu.vector_load %arg12[%swap3A_814, %swap3A_815] {strides = array<i32>} : memref<64x768xf32, #tpu.memory_space<vmem>>, vector<1x16xf32>,
      %swap3A_817 = vector.shape_cast %swap3A_816 : vector<1x16xf32> to vector<16xf32>
      %swap3A_818 = vector.shape_cast %add3A_813 : vector<16xf32> to vector<1x16xf32>
      tpu.vector_store %arg12[%swap3A_814, %swap3A_815], %swap3A_818 {strides = array<i32>} : memref<64x768xf32, #tpu.memory_space<vmem>>, vector<1x16xf32>,
      %scan3A_819 = arith.constant 0 : i32
      scf.yield %scan3A_819 : i32
    }
    %scan3A_42 = arith.constant 64 : i32
    "tpu.region"() ({
      %run_scoped3A = tpu.sem_alloc : memref<!tpu.dma_semaphore, #tpu.memory_space<semaphore_mem>>
      %dma_start3A_43 = arith.constant 0 : i32
      %dma_start3A_44 = tpu.memref_slice %arg7[%mul3A_2, %dma_start3A_43] : memref<2048x768xf32, #tpu.memory_space<hbm>> -> memref<64x768xf32, #tpu.memory_space<hbm>>
      %dma_start3A_45 = arith.constant 0 : i32
      %dma_start3A_46 = tpu.memref_slice %arg7[%mul3A_2, %dma_start3A_45] : memref<2048x768xf32, #tpu.memory_space<hbm>> -> memref<64x768xf32, #tpu.memory_space<hbm>>
      tpu.enqueue_dma source(%arg12 : memref<64x768xf32, #tpu.memory_space<vmem>>) target(%dma_start3A_46 : memref<64x768xf32, #tpu.memory_space<hbm>>) target_semaphore(%run_scoped3A : memref<!tpu.dma_semaphore, #tpu.memory_space<semaphore_mem>>)
      %dma_wait3A_47 = arith.constant 0 : i32
      %dma_wait3A_48 = tpu.memref_slice %arg7[%mul3A_2, %dma_wait3A_47] : memref<2048x768xf32, #tpu.memory_space<hbm>> -> memref<64x768xf32, #tpu.memory_space<hbm>>
      %dma_wait3A_49 = arith.constant 0 : i32
      %dma_wait3A_50 = tpu.memref_slice %arg7[%mul3A_2, %dma_wait3A_49] : memref<2048x768xf32, #tpu.memory_space<hbm>> -> memref<64x768xf32, #tpu.memory_space<hbm>>
      tpu.wait_dma2 semaphore(%run_scoped3A : memref<!tpu.dma_semaphore, #tpu.memory_space<semaphore_mem>>) src(%arg12 : memref<64x768xf32, #tpu.memory_space<vmem>>) dst(%dma_wait3A_50 : memref<64x768xf32, #tpu.memory_space<hbm>>)
      tpu.yield
    }) : () -> ()
    return
  }
}

#map = affine_map<(d0, d1) -> (0, 0)>
#map1 = affine_map<(d0, d1) -> (0)>
module attributes {stable_mosaic.version = 14 : i64} {
  func.func @k(%arg0: i32, %arg1: i32, %arg2: memref<2048x768xf32, #tpu.memory_space<hbm>>, %arg3: memref<2048xi32, #tpu.memory_space<hbm>>, %arg4: memref<2048xi32, #tpu.memory_space<hbm>>, %arg5: memref<5888x768xf32, #tpu.memory_space<hbm>>, %arg6: memref<64xi32, #tpu.memory_space<vmem>>, %arg7: memref<64xi32, #tpu.memory_space<vmem>>, %arg8: memref<64x768xf32, #tpu.memory_space<vmem>>, %arg9: memref<!tpu.dma_semaphore, #tpu.memory_space<semaphore_mem>>) attributes {dimension_semantics = [#tpu.dimension_semantics<core_parallel>, #tpu.dimension_semantics<subcore_parallel>], iteration_bounds = array<i64: 2, 16>, scalar_prefetch = 0 : i64, scratch_operands = 4 : i64, tpu.core_type = #tpu.core_type<sc_vector_subcore>, window_params = [{transform_indices = #map}, {transform_indices = #map1}, {transform_indices = #map1}, {transform_indices = #map}]} {
    %mul3A = arith.constant 2 : i32
    %mul3A_0 = arith.muli %arg1, %mul3A : i32
    %add3A = arith.addi %mul3A_0, %arg0 : i32
    %mul3A_1 = arith.constant 64 : i32
    %mul3A_2 = arith.muli %add3A, %mul3A_1 : i32
    %dma_start3A = tpu.memref_slice %arg3[%mul3A_2] : memref<2048xi32, #tpu.memory_space<hbm>> -> memref<64xi32, #tpu.memory_space<hbm>>
    %dma_start3A_3 = tpu.memref_slice %arg3[%mul3A_2] : memref<2048xi32, #tpu.memory_space<hbm>> -> memref<64xi32, #tpu.memory_space<hbm>>
    tpu.enqueue_dma source(%dma_start3A_3 : memref<64xi32, #tpu.memory_space<hbm>>) target(%arg6 : memref<64xi32, #tpu.memory_space<vmem>>) target_semaphore(%arg9 : memref<!tpu.dma_semaphore, #tpu.memory_space<semaphore_mem>>)
    %dma_start3A_4 = tpu.memref_slice %arg4[%mul3A_2] : memref<2048xi32, #tpu.memory_space<hbm>> -> memref<64xi32, #tpu.memory_space<hbm>>
    %dma_start3A_5 = tpu.memref_slice %arg4[%mul3A_2] : memref<2048xi32, #tpu.memory_space<hbm>> -> memref<64xi32, #tpu.memory_space<hbm>>
    tpu.enqueue_dma source(%dma_start3A_5 : memref<64xi32, #tpu.memory_space<hbm>>) target(%arg7 : memref<64xi32, #tpu.memory_space<vmem>>) target_semaphore(%arg9 : memref<!tpu.dma_semaphore, #tpu.memory_space<semaphore_mem>>)
    %dma_start3A_6 = arith.constant 0 : i32
    %dma_start3A_7 = tpu.memref_slice %arg2[%mul3A_2, %dma_start3A_6] : memref<2048x768xf32, #tpu.memory_space<hbm>> -> memref<64x768xf32, #tpu.memory_space<hbm>>
    %dma_start3A_8 = arith.constant 0 : i32
    %dma_start3A_9 = tpu.memref_slice %arg2[%mul3A_2, %dma_start3A_8] : memref<2048x768xf32, #tpu.memory_space<hbm>> -> memref<64x768xf32, #tpu.memory_space<hbm>>
    tpu.enqueue_dma source(%dma_start3A_9 : memref<64x768xf32, #tpu.memory_space<hbm>>) target(%arg8 : memref<64x768xf32, #tpu.memory_space<vmem>>) target_semaphore(%arg9 : memref<!tpu.dma_semaphore, #tpu.memory_space<semaphore_mem>>)
    %dma_wait3A = tpu.memref_slice %arg3[%mul3A_2] : memref<2048xi32, #tpu.memory_space<hbm>> -> memref<64xi32, #tpu.memory_space<hbm>>
    %dma_wait3A_10 = tpu.memref_slice %arg3[%mul3A_2] : memref<2048xi32, #tpu.memory_space<hbm>> -> memref<64xi32, #tpu.memory_space<hbm>>
    tpu.wait_dma2 semaphore(%arg9 : memref<!tpu.dma_semaphore, #tpu.memory_space<semaphore_mem>>) src(%dma_wait3A_10 : memref<64xi32, #tpu.memory_space<hbm>>) dst(%arg6 : memref<64xi32, #tpu.memory_space<vmem>>)
    %dma_wait3A_11 = tpu.memref_slice %arg4[%mul3A_2] : memref<2048xi32, #tpu.memory_space<hbm>> -> memref<64xi32, #tpu.memory_space<hbm>>
    %dma_wait3A_12 = tpu.memref_slice %arg4[%mul3A_2] : memref<2048xi32, #tpu.memory_space<hbm>> -> memref<64xi32, #tpu.memory_space<hbm>>
    tpu.wait_dma2 semaphore(%arg9 : memref<!tpu.dma_semaphore, #tpu.memory_space<semaphore_mem>>) src(%dma_wait3A_12 : memref<64xi32, #tpu.memory_space<hbm>>) dst(%arg7 : memref<64xi32, #tpu.memory_space<vmem>>)
    %dma_wait3A_13 = arith.constant 0 : i32
    %dma_wait3A_14 = tpu.memref_slice %arg2[%mul3A_2, %dma_wait3A_13] : memref<2048x768xf32, #tpu.memory_space<hbm>> -> memref<64x768xf32, #tpu.memory_space<hbm>>
    %dma_wait3A_15 = arith.constant 0 : i32
    %dma_wait3A_16 = tpu.memref_slice %arg2[%mul3A_2, %dma_wait3A_15] : memref<2048x768xf32, #tpu.memory_space<hbm>> -> memref<64x768xf32, #tpu.memory_space<hbm>>
    tpu.wait_dma2 semaphore(%arg9 : memref<!tpu.dma_semaphore, #tpu.memory_space<semaphore_mem>>) src(%dma_wait3A_16 : memref<64x768xf32, #tpu.memory_space<hbm>>) dst(%arg8 : memref<64x768xf32, #tpu.memory_space<vmem>>)
    %dma_start3A_17 = arith.constant 0 : i32
    %dma_start3A_18 = arith.constant 0 : i32
    %dma_start3A_19 = tpu.memref_slice %arg5[%dma_start3A_17, %dma_start3A_18] : memref<5888x768xf32, #tpu.memory_space<hbm>> -> memref<5888x768xf32, #tpu.memory_space<hbm>>
    tpu.enqueue_indirect_dma source(%arg8 : memref<64x768xf32, #tpu.memory_space<vmem>>) target(%dma_start3A_19 : memref<5888x768xf32, #tpu.memory_space<hbm>>) offsets(%arg6 : memref<64xi32, #tpu.memory_space<vmem>>) semaphore(%arg9 : memref<!tpu.dma_semaphore, #tpu.memory_space<semaphore_mem>>)
    %dma_start3A_20 = arith.constant 0 : i32
    %dma_start3A_21 = arith.constant 0 : i32
    %dma_start3A_22 = tpu.memref_slice %arg5[%dma_start3A_20, %dma_start3A_21] : memref<5888x768xf32, #tpu.memory_space<hbm>> -> memref<5888x768xf32, #tpu.memory_space<hbm>>
    tpu.enqueue_indirect_dma source(%arg8 : memref<64x768xf32, #tpu.memory_space<vmem>>) target(%dma_start3A_22 : memref<5888x768xf32, #tpu.memory_space<hbm>>) offsets(%arg7 : memref<64xi32, #tpu.memory_space<vmem>>) semaphore(%arg9 : memref<!tpu.dma_semaphore, #tpu.memory_space<semaphore_mem>>)
    %dma_wait3A_23 = arith.constant 0 : i32
    %dma_wait3A_24 = arith.constant 0 : i32
    %dma_wait3A_25 = tpu.memref_slice %arg5[%dma_wait3A_23, %dma_wait3A_24] : memref<5888x768xf32, #tpu.memory_space<hbm>> -> memref<5888x768xf32, #tpu.memory_space<hbm>>
    tpu.wait_indirect_dma semaphore(%arg9 : memref<!tpu.dma_semaphore, #tpu.memory_space<semaphore_mem>>) src(%arg8 : memref<64x768xf32, #tpu.memory_space<vmem>>) dst(%dma_wait3A_25 : memref<5888x768xf32, #tpu.memory_space<hbm>>)
    %dma_wait3A_26 = arith.constant 0 : i32
    %dma_wait3A_27 = arith.constant 0 : i32
    %dma_wait3A_28 = tpu.memref_slice %arg5[%dma_wait3A_26, %dma_wait3A_27] : memref<5888x768xf32, #tpu.memory_space<hbm>> -> memref<5888x768xf32, #tpu.memory_space<hbm>>
    tpu.wait_indirect_dma semaphore(%arg9 : memref<!tpu.dma_semaphore, #tpu.memory_space<semaphore_mem>>) src(%arg8 : memref<64x768xf32, #tpu.memory_space<vmem>>) dst(%dma_wait3A_28 : memref<5888x768xf32, #tpu.memory_space<hbm>>)
    return
  }
}

module attributes {stable_mosaic.version = 14 : i64} {
  func.func @_gate_body(%arg0: memref<2048x768xf32, #tpu.memory_space<vmem>>, %arg1: memref<768x8xf32, #tpu.memory_space<vmem>>, %arg2: memref<2048x1xi32, #tpu.memory_space<vmem>>, %arg3: memref<2048x1xi32, #tpu.memory_space<vmem>>, %arg4: memref<2048x16xf32, #tpu.memory_space<vmem>>, %arg5: memref<2048x16xf32, #tpu.memory_space<vmem>>, %arg6: memref<4x128xi32, #tpu.memory_space<vmem>>, %arg7: memref<1x1xf32, #tpu.memory_space<smem>>, %arg8: memref<2048x8xf32, #tpu.memory_space<vmem>>, %arg9: memref<2048x8xf32, #tpu.memory_space<vmem>>) attributes {dimension_semantics = [], scalar_prefetch = 0 : i64, scratch_operands = 2 : i64, tpu.core_type = #tpu.core_type<tc>} {
    %get3A = arith.constant 0 : index
    %get3A_0 = arith.constant 0 : index
    %get3A_1 = vector.load %arg0[%get3A, %get3A_0] : memref<2048x768xf32, #tpu.memory_space<vmem>>, vector<2048x768xf32>
    %get3A_2 = arith.constant 0 : index
    %get3A_3 = arith.constant 0 : index
    %get3A_4 = vector.load %arg1[%get3A_2, %get3A_3] : memref<768x8xf32, #tpu.memory_space<vmem>>, vector<768x8xf32>
    %dot_general3A = arith.constant dense<0.000000e+00> : vector<2048x8xf32>
    %dot_general3A_5 = tpu.matmul %get3A_1, %get3A_4, %dot_general3A {dimension_numbers = #tpu.dot_dimension_numbers<[1], [0], [0], [1], [0, 0, 1, 1], [], []>, transpose_lhs_hint = false} : vector<2048x768xf32>, vector<768x8xf32>, vector<2048x8xf32> -> vector<2048x8xf32>
    %iota3A = tpu.iota {dimensions = array<i32: 1>} : vector<2048x8xi32>
    %reduce_max3A = arith.constant dense<0xFF800000> : vector<2048xf32>
    %reduce_max3A_6 = vector.multi_reduction <maximumf>, %dot_general3A_5, %reduce_max3A [1] : vector<2048x8xf32> to vector<2048xf32>
    %broadcast_in_dim3A = vector.shape_cast %reduce_max3A_6 : vector<2048xf32> to vector<2048x1xf32>
    %eq3A = vector.broadcast %broadcast_in_dim3A : vector<2048x1xf32> to vector<2048x8xf32>
    %eq3A_7 = arith.cmpf oeq, %dot_general3A_5, %eq3A : vector<2048x8xf32>
    %jit3A = arith.constant 8 : i32
    %broadcast_in_dim3A_8 = vector.broadcast %jit3A : i32 to vector<2048x8xi32>
    %select_n3A = arith.select %eq3A_7, %iota3A, %broadcast_in_dim3A_8 : vector<2048x8xi1>, vector<2048x8xi32>
    %reduce_min3A = arith.constant dense<2147483647> : vector<2048xi32>
    %reduce_min3A_9 = vector.multi_reduction <minsi>, %select_n3A, %reduce_min3A [1] : vector<2048x8xi32> to vector<2048xi32>
    %broadcast_in_dim3A_10 = vector.shape_cast %reduce_min3A_9 : vector<2048xi32> to vector<2048x1xi32>
    %eq3A_11 = vector.broadcast %broadcast_in_dim3A_10 : vector<2048x1xi32> to vector<2048x8xi32>
    %eq3A_12 = arith.cmpi eq, %iota3A, %eq3A_11 : vector<2048x8xi32>
    %jit3A_13 = arith.constant -1.000000e+30 : f32
    %broadcast_in_dim3A_14 = vector.broadcast %jit3A_13 : f32 to vector<2048x8xf32>
    %select_n3A_15 = arith.select %eq3A_12, %broadcast_in_dim3A_14, %dot_general3A_5 : vector<2048x8xi1>, vector<2048x8xf32>
    %reduce_max3A_16 = arith.constant dense<0xFF800000> : vector<2048xf32>
    %reduce_max3A_17 = vector.multi_reduction <maximumf>, %select_n3A_15, %reduce_max3A_16 [1] : vector<2048x8xf32> to vector<2048xf32>
    %broadcast_in_dim3A_18 = vector.shape_cast %reduce_max3A_17 : vector<2048xf32> to vector<2048x1xf32>
    %eq3A_19 = vector.broadcast %broadcast_in_dim3A_18 : vector<2048x1xf32> to vector<2048x8xf32>
    %eq3A_20 = arith.cmpf oeq, %select_n3A_15, %eq3A_19 : vector<2048x8xf32>
    %jit3A_21 = arith.constant 8 : i32
    %broadcast_in_dim3A_22 = vector.broadcast %jit3A_21 : i32 to vector<2048x8xi32>
    %select_n3A_23 = arith.select %eq3A_20, %iota3A, %broadcast_in_dim3A_22 : vector<2048x8xi1>, vector<2048x8xi32>
    %reduce_min3A_24 = arith.constant dense<2147483647> : vector<2048xi32>
    %reduce_min3A_25 = vector.multi_reduction <minsi>, %select_n3A_23, %reduce_min3A_24 [1] : vector<2048x8xi32> to vector<2048xi32>
    %broadcast_in_dim3A_26 = vector.shape_cast %reduce_min3A_25 : vector<2048xi32> to vector<2048x1xi32>
    %sub3A = arith.subf %broadcast_in_dim3A_18, %broadcast_in_dim3A : vector<2048x1xf32>
    %exp3A = math.exp %sub3A : vector<2048x1xf32>
    %add3A = arith.constant 1.000000e+00 : f32
    %add3A_27 = vector.broadcast %add3A : f32 to vector<2048x1xf32>
    %add3A_28 = arith.addf %add3A_27, %exp3A : vector<2048x1xf32>
    %div3A = arith.constant 1.000000e+00 : f32
    %div3A_29 = vector.broadcast %div3A : f32 to vector<2048x1xf32>
    %div3A_30 = arith.divf %div3A_29, %add3A_28 : vector<2048x1xf32>
    %mul3A = arith.mulf %exp3A, %div3A_30 : vector<2048x1xf32>
    %eq3A_31 = vector.broadcast %broadcast_in_dim3A_10 : vector<2048x1xi32> to vector<2048x8xi32>
    %eq3A_32 = arith.cmpi eq, %iota3A, %eq3A_31 : vector<2048x8xi32>
    %convert_element_type3A = arith.extui %eq3A_32 : vector<2048x8xi1> to vector<2048x8xi32>
    %convert_element_type3A_33 = arith.sitofp %convert_element_type3A : vector<2048x8xi32> to vector<2048x8xf32>
    %eq3A_34 = vector.broadcast %broadcast_in_dim3A_26 : vector<2048x1xi32> to vector<2048x8xi32>
    %eq3A_35 = arith.cmpi eq, %iota3A, %eq3A_34 : vector<2048x8xi32>
    %convert_element_type3A_36 = arith.extui %eq3A_35 : vector<2048x8xi1> to vector<2048x8xi32>
    %convert_element_type3A_37 = arith.sitofp %convert_element_type3A_36 : vector<2048x8xi32> to vector<2048x8xf32>
    %add3A_38 = arith.addf %convert_element_type3A_33, %convert_element_type3A_37 : vector<2048x8xf32>
    %swap3A = arith.constant 0 : index
    %swap3A_39 = arith.constant 0 : index
    %swap3A_40 = vector.load %arg9[%swap3A, %swap3A_39] : memref<2048x8xf32, #tpu.memory_space<vmem>>, vector<2048x8xf32>
    tpu.vector_store %arg9[%swap3A, %swap3A_39], %add3A_38 {strides = array<i32>} : memref<2048x8xf32, #tpu.memory_space<vmem>>, vector<2048x8xf32>,
    %iota3A_41 = tpu.iota {dimensions = array<i32: 0>} : vector<256x256xi32>
    %iota3A_42 = tpu.iota {dimensions = array<i32: 1>} : vector<256x256xi32>
    %lt3A = arith.cmpi slt, %iota3A_42, %iota3A_41 : vector<256x256xi32>
    %convert_element_type3A_43 = arith.extui %lt3A : vector<256x256xi1> to vector<256x256xi32>
    %convert_element_type3A_44 = arith.sitofp %convert_element_type3A_43 : vector<256x256xi32> to vector<256x256xf32>
    %broadcast_in_dim3A_45 = arith.constant 0.000000e+00 : f32
    %broadcast_in_dim3A_46 = vector.broadcast %broadcast_in_dim3A_45 : f32 to vector<1x8xf32>
    %scan3A = arith.constant 0 : i32
    %scan3A_47 = arith.constant 8 : i32
    %scan3A_48 = arith.addi %scan3A, %scan3A_47 : i32
    %scan3A_49 = arith.constant 1 : i32
    %scan3A_50 = scf.for %scan3A_235 = %scan3A to %scan3A_48 step %scan3A_49 iter_args(%scan3A_236 = %broadcast_in_dim3A_46) -> (vector<1x8xf32>)  : i32 {
      %mul3A_237 = arith.constant 256 : i32
      %mul3A_238 = arith.muli %scan3A_235, %mul3A_237 : i32
      %multiple_of3A = tpu.assume_multiple %mul3A_238, 256 : i32
      %get3A_239 = arith.index_cast %multiple_of3A : i32 to index
      %get3A_240 = arith.constant 0 : index
      %get3A_241 = vector.load %arg9[%get3A_239, %get3A_240] : memref<2048x8xf32, #tpu.memory_space<vmem>>, vector<256x8xf32>
      %dot_general3A_242 = arith.constant dense<0.000000e+00> : vector<256x8xf32>
      %dot_general3A_243 = tpu.matmul %convert_element_type3A_44, %get3A_241, %dot_general3A_242 {dimension_numbers = #tpu.dot_dimension_numbers<[1], [0], [0], [1], [0, 0, 1, 1], [], []>, transpose_lhs_hint = false} : vector<256x256xf32>, vector<256x8xf32>, vector<256x8xf32> -> vector<256x8xf32>
      %add3A_244 = vector.broadcast %scan3A_236 : vector<1x8xf32> to vector<256x8xf32>
      %add3A_245 = arith.addf %dot_general3A_243, %add3A_244 : vector<256x8xf32>
      %swap3A_246 = arith.index_cast %multiple_of3A : i32 to index
      %swap3A_247 = arith.constant 0 : index
      %swap3A_248 = vector.load %arg8[%swap3A_246, %swap3A_247] : memref<2048x8xf32, #tpu.memory_space<vmem>>, vector<256x8xf32>
      tpu.vector_store %arg8[%swap3A_246, %swap3A_247], %add3A_245 {strides = array<i32>} : memref<2048x8xf32, #tpu.memory_space<vmem>>, vector<256x8xf32>,
      %reduce_sum3A_249 = arith.constant dense<0.000000e+00> : vector<8xf32>
      %reduce_sum3A_250 = vector.multi_reduction <add>, %get3A_241, %reduce_sum3A_249 [0] : vector<256x8xf32> to vector<8xf32>
      %broadcast_in_dim3A_251 = vector.shape_cast %reduce_sum3A_250 : vector<8xf32> to vector<1x8xf32>
      %add3A_252 = arith.addf %scan3A_236, %broadcast_in_dim3A_251 : vector<1x8xf32>
      scf.yield %add3A_252 : vector<1x8xf32>
    }
    %scan3A_51 = arith.constant 8 : i32
    %get3A_52 = arith.constant 0 : index
    %get3A_53 = arith.constant 0 : index
    %get3A_54 = vector.load %arg8[%get3A_52, %get3A_53] : memref<2048x8xf32, #tpu.memory_space<vmem>>, vector<2048x8xf32>
    %div3A_55 = arith.constant 2.560000e+02 : f32
    %div3A_56 = vector.broadcast %div3A_55 : f32 to vector<1x8xf32>
    %div3A_57 = arith.divf %scan3A_50, %div3A_56 : vector<1x8xf32>
    %ceil3A = math.ceil %div3A_57 : vector<1x8xf32>
    %mul3A_58 = arith.constant 2.560000e+02 : f32
    %mul3A_59 = vector.broadcast %mul3A_58 : f32 to vector<1x8xf32>
    %mul3A_60 = arith.mulf %ceil3A, %mul3A_59 : vector<1x8xf32>
    %iota3A_61 = tpu.iota {dimensions = array<i32: 0>} : vector<8x8xi32>
    %iota3A_62 = tpu.iota {dimensions = array<i32: 1>} : vector<8x8xi32>
    %lt3A_63 = arith.cmpi slt, %iota3A_61, %iota3A_62 : vector<8x8xi32>
    %convert_element_type3A_64 = arith.extui %lt3A_63 : vector<8x8xi1> to vector<8x8xi32>
    %convert_element_type3A_65 = arith.sitofp %convert_element_type3A_64 : vector<8x8xi32> to vector<8x8xf32>
    %dot_general3A_66 = arith.constant dense<0.000000e+00> : vector<1x8xf32>
    %dot_general3A_67 = tpu.matmul %mul3A_60, %convert_element_type3A_65, %dot_general3A_66 {dimension_numbers = #tpu.dot_dimension_numbers<[1], [0], [0], [1], [0, 0, 1, 1], [], []>, transpose_lhs_hint = false} : vector<1x8xf32>, vector<8x8xf32>, vector<1x8xf32> -> vector<1x8xf32>
    %add3A_68 = vector.broadcast %dot_general3A_67 : vector<1x8xf32> to vector<2048x8xf32>
    %add3A_69 = arith.addf %get3A_54, %add3A_68 : vector<2048x8xf32>
    %mul3A_70 = arith.mulf %convert_element_type3A_33, %add3A_69 : vector<2048x8xf32>
    %reduce_sum3A = arith.constant dense<0.000000e+00> : vector<2048xf32>
    %reduce_sum3A_71 = vector.multi_reduction <add>, %mul3A_70, %reduce_sum3A [1] : vector<2048x8xf32> to vector<2048xf32>
    %broadcast_in_dim3A_72 = vector.shape_cast %reduce_sum3A_71 : vector<2048xf32> to vector<2048x1xf32>
    %add3A_73 = arith.addf %add3A_69, %convert_element_type3A_33 : vector<2048x8xf32>
    %mul3A_74 = arith.mulf %convert_element_type3A_37, %add3A_73 : vector<2048x8xf32>
    %reduce_sum3A_75 = arith.constant dense<0.000000e+00> : vector<2048xf32>
    %reduce_sum3A_76 = vector.multi_reduction <add>, %mul3A_74, %reduce_sum3A_75 [1] : vector<2048x8xf32> to vector<2048xf32>
    %broadcast_in_dim3A_77 = vector.shape_cast %reduce_sum3A_76 : vector<2048xf32> to vector<2048x1xf32>
    %convert_element_type3A_78 = arith.fptosi %broadcast_in_dim3A_72 : vector<2048x1xf32> to vector<2048x1xi32>
    %swap3A_79 = arith.constant 0 : index
    %swap3A_80 = arith.constant 0 : index
    %swap3A_81 = vector.load %arg2[%swap3A_79, %swap3A_80] : memref<2048x1xi32, #tpu.memory_space<vmem>>, vector<2048x1xi32>
    tpu.vector_store %arg2[%swap3A_79, %swap3A_80], %convert_element_type3A_78 {strides = array<i32>} : memref<2048x1xi32, #tpu.memory_space<vmem>>, vector<2048x1xi32>,
    %convert_element_type3A_82 = arith.fptosi %broadcast_in_dim3A_77 : vector<2048x1xf32> to vector<2048x1xi32>
    %swap3A_83 = arith.constant 0 : index
    %swap3A_84 = arith.constant 0 : index
    %swap3A_85 = vector.load %arg3[%swap3A_83, %swap3A_84] : memref<2048x1xi32, #tpu.memory_space<vmem>>, vector<2048x1xi32>
    tpu.vector_store %arg3[%swap3A_83, %swap3A_84], %convert_element_type3A_82 {strides = array<i32>} : memref<2048x1xi32, #tpu.memory_space<vmem>>, vector<2048x1xi32>,
    %broadcast_in_dim3A_86 = vector.shape_cast %div3A_30 : vector<2048x1xf32> to vector<2048x1xf32>
    %broadcast_in_dim3A_87 = vector.broadcast %broadcast_in_dim3A_86 : vector<2048x1xf32> to vector<2048x16xf32>
    %swap3A_88 = arith.constant 0 : index
    %swap3A_89 = arith.constant 0 : index
    %swap3A_90 = vector.load %arg4[%swap3A_88, %swap3A_89] : memref<2048x16xf32, #tpu.memory_space<vmem>>, vector<2048x16xf32>
    tpu.vector_store %arg4[%swap3A_88, %swap3A_89], %broadcast_in_dim3A_87 {strides = array<i32>} : memref<2048x16xf32, #tpu.memory_space<vmem>>, vector<2048x16xf32>,
    %broadcast_in_dim3A_91 = vector.shape_cast %mul3A : vector<2048x1xf32> to vector<2048x1xf32>
    %broadcast_in_dim3A_92 = vector.broadcast %broadcast_in_dim3A_91 : vector<2048x1xf32> to vector<2048x16xf32>
    %swap3A_93 = arith.constant 0 : index
    %swap3A_94 = arith.constant 0 : index
    %swap3A_95 = vector.load %arg5[%swap3A_93, %swap3A_94] : memref<2048x16xf32, #tpu.memory_space<vmem>>, vector<2048x16xf32>
    tpu.vector_store %arg5[%swap3A_93, %swap3A_94], %broadcast_in_dim3A_92 {strides = array<i32>} : memref<2048x16xf32, #tpu.memory_space<vmem>>, vector<2048x16xf32>,
    %iota3A_96 = tpu.iota {dimensions = array<i32: 0>} : vector<8x8xi32>
    %iota3A_97 = tpu.iota {dimensions = array<i32: 1>} : vector<8x8xi32>
    %add3A_98 = arith.constant 0 : i32
    %add3A_99 = vector.broadcast %add3A_98 : i32 to vector<8x8xi32>
    %add3A_100 = arith.addi %iota3A_96, %add3A_99 : vector<8x8xi32>
    %eq3A_101 = arith.cmpi eq, %add3A_100, %iota3A_97 : vector<8x8xi32>
    %convert_element_type3A_102 = arith.extui %eq3A_101 : vector<8x8xi1> to vector<8x8xi32>
    %convert_element_type3A_103 = arith.sitofp %convert_element_type3A_102 : vector<8x8xi32> to vector<8x8xf32>
    %dot_general3A_104 = arith.constant dense<0.000000e+00> : vector<8x1xf32>
    %dot_general3A_105 = tpu.matmul %convert_element_type3A_103, %mul3A_60, %dot_general3A_104 {dimension_numbers = #tpu.dot_dimension_numbers<[1], [1], [0], [0], [0, 0, 1, 0], [], []>, transpose_lhs_hint = false} : vector<8x8xf32>, vector<1x8xf32>, vector<8x1xf32> -> vector<8x1xf32>
    %le3A = arith.cmpi sle, %iota3A_62, %iota3A_61 : vector<8x8xi32>
    %convert_element_type3A_106 = arith.extui %le3A : vector<8x8xi1> to vector<8x8xi32>
    %convert_element_type3A_107 = arith.sitofp %convert_element_type3A_106 : vector<8x8xi32> to vector<8x8xf32>
    %dot_general3A_108 = arith.constant dense<0.000000e+00> : vector<8x1xf32>
    %dot_general3A_109 = tpu.matmul %convert_element_type3A_107, %dot_general3A_105, %dot_general3A_108 {dimension_numbers = #tpu.dot_dimension_numbers<[1], [0], [0], [1], [0, 0, 1, 1], [], []>, transpose_lhs_hint = false} : vector<8x8xf32>, vector<8x1xf32>, vector<8x1xf32> -> vector<8x1xf32>
    %gt3A = arith.constant 0.000000e+00 : f32
    %gt3A_110 = vector.broadcast %gt3A : f32 to vector<8x1xf32>
    %gt3A_111 = arith.cmpf ogt, %dot_general3A_105, %gt3A_110 : vector<8x1xf32>
    %convert_element_type3A_112 = arith.extui %gt3A_111 : vector<8x1xi1> to vector<8x1xi32>
    %convert_element_type3A_113 = arith.sitofp %convert_element_type3A_112 : vector<8x1xi32> to vector<8x1xf32>
    %iota3A_114 = tpu.iota {dimensions = array<i32: 1>} : vector<8x128xi32>
    %mul3A_115 = arith.constant 256 : i32
    %mul3A_116 = vector.broadcast %mul3A_115 : i32 to vector<8x128xi32>
    %mul3A_117 = arith.muli %iota3A_114, %mul3A_116 : vector<8x128xi32>
    %convert_element_type3A_118 = arith.sitofp %mul3A_117 : vector<8x128xi32> to vector<8x128xf32>
    %broadcast_in_dim3A_119 = arith.constant 1.000000e+00 : f32
    %broadcast_in_dim3A_120 = vector.broadcast %broadcast_in_dim3A_119 : f32 to vector<1x8xf32>
    %ge3A = vector.broadcast %dot_general3A_109 : vector<8x1xf32> to vector<8x128xf32>
    %ge3A_121 = arith.cmpf oge, %convert_element_type3A_118, %ge3A : vector<8x128xf32>
    %convert_element_type3A_122 = arith.extui %ge3A_121 : vector<8x128xi1> to vector<8x128xi32>
    %convert_element_type3A_123 = arith.sitofp %convert_element_type3A_122 : vector<8x128xi32> to vector<8x128xf32>
    %dot_general3A_124 = arith.constant dense<0.000000e+00> : vector<1x128xf32>
    %dot_general3A_125 = tpu.matmul %broadcast_in_dim3A_120, %convert_element_type3A_123, %dot_general3A_124 {dimension_numbers = #tpu.dot_dimension_numbers<[1], [0], [0], [1], [0, 0, 1, 1], [], []>, transpose_lhs_hint = false} : vector<1x8xf32>, vector<8x128xf32>, vector<1x128xf32> -> vector<1x128xf32>
    %iota3A_126 = tpu.iota {dimensions = array<i32: 1>} : vector<1x8xi32>
    %convert_element_type3A_127 = arith.sitofp %iota3A_126 : vector<1x8xi32> to vector<1x8xf32>
    %gt3A_128 = arith.constant 0.000000e+00 : f32
    %gt3A_129 = vector.broadcast %gt3A_128 : f32 to vector<1x8xf32>
    %gt3A_130 = arith.cmpf ogt, %scan3A_50, %gt3A_129 : vector<1x8xf32>
    %convert_element_type3A_131 = arith.extui %gt3A_130 : vector<1x8xi1> to vector<1x8xi32>
    %convert_element_type3A_132 = arith.sitofp %convert_element_type3A_131 : vector<1x8xi32> to vector<1x8xf32>
    %mul3A_133 = arith.mulf %convert_element_type3A_127, %convert_element_type3A_132 : vector<1x8xf32>
    %reduce_max3A_134 = vector.shape_cast %mul3A_133 : vector<1x8xf32> to vector<1x1x8xf32>
    %reduce_max3A_135 = arith.constant dense<0xFF800000> : vector<1xf32>
    %reduce_max3A_136 = vector.multi_reduction <maximumf>, %reduce_max3A_134, %reduce_max3A_135 [1, 2] : vector<1x1x8xf32> to vector<1xf32>
    %reduce_max3A_137 = vector.shape_cast %reduce_max3A_136 : vector<1xf32> to vector<1x1x1xf32>
    %reduce_max3A_138 = vector.extract %reduce_max3A_137[0, 0, 0] : f32 from vector<1x1x1xf32>
    %reduce_sum3A_139 = vector.shape_cast %mul3A_60 : vector<1x8xf32> to vector<1x1x8xf32>
    %reduce_sum3A_140 = arith.constant dense<0.000000e+00> : vector<1xf32>
    %reduce_sum3A_141 = vector.multi_reduction <add>, %reduce_sum3A_139, %reduce_sum3A_140 [1, 2] : vector<1x1x8xf32> to vector<1xf32>
    %reduce_sum3A_142 = vector.shape_cast %reduce_sum3A_141 : vector<1xf32> to vector<1x1x1xf32>
    %reduce_sum3A_143 = vector.extract %reduce_sum3A_142[0, 0, 0] : f32 from vector<1x1x1xf32>
    %mul3A_144 = arith.constant 3.906250e-03 : f32
    %mul3A_145 = arith.mulf %reduce_sum3A_143, %mul3A_144 : f32
    %iota3A_146 = tpu.iota {dimensions = array<i32: 1>} : vector<1x128xi32>
    %eq3A_147 = arith.constant 127 : i32
    %eq3A_148 = vector.broadcast %eq3A_147 : i32 to vector<1x128xi32>
    %eq3A_149 = arith.cmpi eq, %iota3A_146, %eq3A_148 : vector<1x128xi32>
    %min3A = vector.broadcast %reduce_max3A_138 : f32 to vector<1x128xf32>
    %min3A_150 = arith.minimumf %dot_general3A_125, %min3A : vector<1x128xf32>
    %broadcast_in_dim3A_151 = vector.broadcast %mul3A_145 : f32 to vector<1x128xf32>
    %select_n3A_152 = arith.select %eq3A_149, %broadcast_in_dim3A_151, %min3A_150 : vector<1x128xi1>, vector<1x128xf32>
    %mul3A_153 = vector.broadcast %convert_element_type3A_113 : vector<8x1xf32> to vector<8x128xf32>
    %mul3A_154 = arith.mulf %convert_element_type3A_123, %mul3A_153 : vector<8x128xf32>
    %dot_general3A_155 = arith.constant dense<0.000000e+00> : vector<1x128xf32>
    %dot_general3A_156 = tpu.matmul %broadcast_in_dim3A_120, %mul3A_154, %dot_general3A_155 {dimension_numbers = #tpu.dot_dimension_numbers<[1], [0], [0], [1], [0, 0, 1, 1], [], []>, transpose_lhs_hint = false} : vector<1x8xf32>, vector<8x128xf32>, vector<1x128xf32> -> vector<1x128xf32>
    %lt3A_157 = arith.cmpi slt, %iota3A_62, %iota3A_61 : vector<8x8xi32>
    %convert_element_type3A_158 = arith.extui %lt3A_157 : vector<8x8xi1> to vector<8x8xi32>
    %convert_element_type3A_159 = arith.sitofp %convert_element_type3A_158 : vector<8x8xi32> to vector<8x8xf32>
    %dot_general3A_160 = arith.constant dense<0.000000e+00> : vector<8x1xf32>
    %dot_general3A_161 = tpu.matmul %convert_element_type3A_159, %convert_element_type3A_113, %dot_general3A_160 {dimension_numbers = #tpu.dot_dimension_numbers<[1], [0], [0], [1], [0, 0, 1, 1], [], []>, transpose_lhs_hint = false} : vector<8x8xf32>, vector<8x1xf32>, vector<8x1xf32> -> vector<8x1xf32>
    %add3A_162 = arith.constant 1.000000e+00 : f32
    %add3A_163 = vector.broadcast %add3A_162 : f32 to vector<1x128xf32>
    %add3A_164 = arith.addf %dot_general3A_156, %add3A_163 : vector<1x128xf32>
    %eq3A_165 = vector.broadcast %dot_general3A_161 : vector<8x1xf32> to vector<8x128xf32>
    %eq3A_166 = vector.broadcast %add3A_164 : vector<1x128xf32> to vector<8x128xf32>
    %eq3A_167 = arith.cmpf oeq, %eq3A_165, %eq3A_166 : vector<8x128xf32>
    %convert_element_type3A_168 = arith.extui %eq3A_167 : vector<8x128xi1> to vector<8x128xi32>
    %convert_element_type3A_169 = arith.sitofp %convert_element_type3A_168 : vector<8x128xi32> to vector<8x128xf32>
    %mul3A_170 = vector.broadcast %convert_element_type3A_113 : vector<8x1xf32> to vector<8x128xf32>
    %mul3A_171 = arith.mulf %convert_element_type3A_169, %mul3A_170 : vector<8x128xf32>
    %dot_general3A_172 = arith.constant dense<0.000000e+00> : vector<1x128xf32>
    %dot_general3A_173 = tpu.matmul %broadcast_in_dim3A_120, %mul3A_171, %dot_general3A_172 {dimension_numbers = #tpu.dot_dimension_numbers<[1], [0], [0], [1], [0, 0, 1, 1], [], []>, transpose_lhs_hint = false} : vector<1x8xf32>, vector<8x128xf32>, vector<1x128xf32> -> vector<1x128xf32>
    %iota3A_174 = tpu.iota {dimensions = array<i32: 1>} : vector<1x8xi32>
    %convert_element_type3A_175 = arith.sitofp %iota3A_174 : vector<1x8xi32> to vector<1x8xf32>
    %dot_general3A_176 = arith.constant dense<0.000000e+00> : vector<1x128xf32>
    %dot_general3A_177 = tpu.matmul %convert_element_type3A_175, %mul3A_171, %dot_general3A_176 {dimension_numbers = #tpu.dot_dimension_numbers<[1], [0], [0], [1], [0, 0, 1, 1], [], []>, transpose_lhs_hint = false} : vector<1x8xf32>, vector<8x128xf32>, vector<1x128xf32> -> vector<1x128xf32>
    %gt3A_178 = arith.constant 0.000000e+00 : f32
    %gt3A_179 = vector.broadcast %gt3A_178 : f32 to vector<1x128xf32>
    %gt3A_180 = arith.cmpf ogt, %dot_general3A_173, %gt3A_179 : vector<1x128xf32>
    %select_n3A_181 = arith.select %gt3A_180, %dot_general3A_177, %select_n3A_152 : vector<1x128xi1>, vector<1x128xf32>
    %sub3A_182 = arith.subf %dot_general3A_109, %dot_general3A_105 : vector<8x1xf32>
    %eq3A_183 = vector.broadcast %sub3A_182 : vector<8x1xf32> to vector<8x128xf32>
    %eq3A_184 = arith.cmpf oeq, %convert_element_type3A_118, %eq3A_183 : vector<8x128xf32>
    %convert_element_type3A_185 = arith.extui %eq3A_184 : vector<8x128xi1> to vector<8x128xi32>
    %convert_element_type3A_186 = arith.sitofp %convert_element_type3A_185 : vector<8x128xi32> to vector<8x128xf32>
    %mul3A_187 = vector.broadcast %convert_element_type3A_113 : vector<8x1xf32> to vector<8x128xf32>
    %mul3A_188 = arith.mulf %convert_element_type3A_186, %mul3A_187 : vector<8x128xf32>
    %dot_general3A_189 = arith.constant dense<0.000000e+00> : vector<1x128xf32>
    %dot_general3A_190 = tpu.matmul %broadcast_in_dim3A_120, %mul3A_188, %dot_general3A_189 {dimension_numbers = #tpu.dot_dimension_numbers<[1], [0], [0], [1], [0, 0, 1, 1], [], []>, transpose_lhs_hint = false} : vector<1x8xf32>, vector<8x128xf32>, vector<1x128xf32> -> vector<1x128xf32>
    %concatenate3A = tpu.concatenate %select_n3A_152, %dot_general3A_156, %select_n3A_181, %dot_general3A_190 in 0 : vector<1x128xf32>, vector<1x128xf32>, vector<1x128xf32>, vector<1x128xf32> -> vector<4x128xf32>
    %convert_element_type3A_191 = arith.fptosi %concatenate3A : vector<4x128xf32> to vector<4x128xi32>
    %swap3A_192 = arith.constant 0 : index
    %swap3A_193 = arith.constant 0 : index
    %swap3A_194 = vector.load %arg6[%swap3A_192, %swap3A_193] : memref<4x128xi32, #tpu.memory_space<vmem>>, vector<4x128xi32>
    tpu.vector_store %arg6[%swap3A_192, %swap3A_193], %convert_element_type3A_191 {strides = array<i32>} : memref<4x128xi32, #tpu.memory_space<vmem>>, vector<4x128xi32>,
    %gt3A_195 = arith.constant 0.000000e+00 : f32
    %gt3A_196 = vector.broadcast %gt3A_195 : f32 to vector<2048x1xf32>
    %gt3A_197 = arith.cmpf ogt, %div3A_30, %gt3A_196 : vector<2048x1xf32>
    %convert_element_type3A_198 = arith.extui %gt3A_197 : vector<2048x1xi1> to vector<2048x1xi32>
    %convert_element_type3A_199 = arith.sitofp %convert_element_type3A_198 : vector<2048x1xi32> to vector<2048x1xf32>
    %reduce_sum3A_200 = vector.shape_cast %convert_element_type3A_199 : vector<2048x1xf32> to vector<1x2048x1xf32>
    %reduce_sum3A_201 = arith.constant dense<0.000000e+00> : vector<1xf32>
    %reduce_sum3A_202 = vector.multi_reduction <add>, %reduce_sum3A_200, %reduce_sum3A_201 [1, 2] : vector<1x2048x1xf32> to vector<1xf32>
    %reduce_sum3A_203 = vector.shape_cast %reduce_sum3A_202 : vector<1xf32> to vector<1x1x1xf32>
    %reduce_sum3A_204 = vector.extract %reduce_sum3A_203[0, 0, 0] : f32 from vector<1x1x1xf32>
    %gt3A_205 = arith.constant 0.000000e+00 : f32
    %gt3A_206 = vector.broadcast %gt3A_205 : f32 to vector<2048x1xf32>
    %gt3A_207 = arith.cmpf ogt, %mul3A, %gt3A_206 : vector<2048x1xf32>
    %convert_element_type3A_208 = arith.extui %gt3A_207 : vector<2048x1xi1> to vector<2048x1xi32>
    %convert_element_type3A_209 = arith.sitofp %convert_element_type3A_208 : vector<2048x1xi32> to vector<2048x1xf32>
    %reduce_sum3A_210 = vector.shape_cast %convert_element_type3A_209 : vector<2048x1xf32> to vector<1x2048x1xf32>
    %reduce_sum3A_211 = arith.constant dense<0.000000e+00> : vector<1xf32>
    %reduce_sum3A_212 = vector.multi_reduction <add>, %reduce_sum3A_210, %reduce_sum3A_211 [1, 2] : vector<1x2048x1xf32> to vector<1xf32>
    %reduce_sum3A_213 = vector.shape_cast %reduce_sum3A_212 : vector<1xf32> to vector<1x1x1xf32>
    %reduce_sum3A_214 = vector.extract %reduce_sum3A_213[0, 0, 0] : f32 from vector<1x1x1xf32>
    %add3A_215 = arith.addf %reduce_sum3A_204, %reduce_sum3A_214 : f32
    %mul3A_216 = arith.mulf %add3A_215, %add3A_215 : f32
    %div3A_217 = arith.constant 1.638400e+04 : f32
    %div3A_218 = arith.divf %mul3A_216, %div3A_217 : f32
    %sub3A_219 = arith.subf %add3A_215, %div3A_218 : f32
    %sub3A_220 = arith.constant 1.638400e+04 : f32
    %sub3A_221 = arith.constant 1.000000e+00 : f32
    %sub3A_222 = arith.subf %sub3A_220, %sub3A_221 : f32
    %div3A_223 = arith.divf %sub3A_219, %sub3A_222 : f32
    %div3A_224 = arith.constant 1.638400e+04 : f32
    %div3A_225 = arith.divf %add3A_215, %div3A_224 : f32
    %mul3A_226 = arith.constant 0.00999999977 : f32
    %mul3A_227 = arith.mulf %mul3A_226, %div3A_223 : f32
    %mul3A_228 = arith.mulf %div3A_225, %div3A_225 : f32
    %add3A_229 = arith.constant 1.000000e-10 : f32
    %add3A_230 = arith.addf %mul3A_228, %add3A_229 : f32
    %div3A_231 = arith.divf %mul3A_227, %add3A_230 : f32
    %swap3A_232 = arith.constant 0 : index
    %swap3A_233 = arith.constant 0 : index
    %swap3A_234 = memref.load %arg7[%swap3A_232, %swap3A_233] : memref<1x1xf32, #tpu.memory_space<smem>>
    memref.store %div3A_231, %arg7[%swap3A_232, %swap3A_233] : memref<1x1xf32, #tpu.memory_space<smem>>
    return
  }
}

module attributes {stable_mosaic.version = 14 : i64} {
  func.func @_mlp_body(%arg0: i32, %arg1: memref<4x128xi32, #tpu.memory_space<smem>>, %arg2: memref<256x768xf32, #tpu.memory_space<vmem>>, %arg3: memref<8x768x1536xf32, #tpu.memory_space<hbm>>, %arg4: memref<1x1x1536xf32, #tpu.memory_space<vmem>>, %arg5: memref<8x1536x768xf32, #tpu.memory_space<hbm>>, %arg6: memref<1x1x768xf32, #tpu.memory_space<vmem>>, %arg7: memref<256x768xf32, #tpu.memory_space<vmem>>, %arg8: memref<2x768x1536xf32, #tpu.memory_space<vmem>>, %arg9: memref<2x1536x768xf32, #tpu.memory_space<vmem>>, %arg10: memref<2x!tpu.dma_semaphore, #tpu.memory_space<semaphore_mem>>, %arg11: memref<2x!tpu.dma_semaphore, #tpu.memory_space<semaphore_mem>>) attributes {dimension_semantics = [#tpu.dimension_semantics<arbitrary>], iteration_bounds = array<i64: 23>, scalar_prefetch = 1 : i64, scratch_operands = 4 : i64, tpu.core_type = #tpu.core_type<tc>, window_params = [{transform_indices = @transform_0, window_bounds = array<i64: 256, 768>}, {}, {transform_indices = @transform_2, window_bounds = array<i64: 1, 1, 1536>}, {}, {transform_indices = @transform_4, window_bounds = array<i64: 1, 1, 768>}, {transform_indices = @transform_5, window_bounds = array<i64: 256, 768>}]} {
    %get3A = arith.constant 0 : index
    %get3A_0 = arith.constant 127 : index
    %get3A_1 = memref.load %arg1[%get3A, %get3A_0] : memref<4x128xi32, #tpu.memory_space<smem>>
    %get3A_2 = arith.constant 0 : index
    %get3A_3 = arith.index_cast %arg0 : i32 to index
    %get3A_4 = memref.load %arg1[%get3A_2, %get3A_3] : memref<4x128xi32, #tpu.memory_space<smem>>
    %get3A_5 = arith.constant 1 : index
    %get3A_6 = arith.index_cast %arg0 : i32 to index
    %get3A_7 = memref.load %arg1[%get3A_5, %get3A_6] : memref<4x128xi32, #tpu.memory_space<smem>>
    %get3A_8 = arith.constant 2 : index
    %get3A_9 = arith.index_cast %arg0 : i32 to index
    %get3A_10 = memref.load %arg1[%get3A_8, %get3A_9] : memref<4x128xi32, #tpu.memory_space<smem>>
    %get3A_11 = arith.constant 3 : index
    %get3A_12 = arith.index_cast %arg0 : i32 to index
    %get3A_13 = memref.load %arg1[%get3A_11, %get3A_12] : memref<4x128xi32, #tpu.memory_space<smem>>
    %rem3A = arith.constant 2 : i32
    %rem3A_14 = arith.remsi %get3A_7, %rem3A : i32
    %add3A = arith.constant 1 : i32
    %add3A_15 = arith.addi %get3A_7, %add3A : i32
    %rem3A_16 = arith.constant 2 : i32
    %rem3A_17 = arith.remsi %add3A_15, %rem3A_16 : i32
    %eq3A = arith.constant 0 : i32
    %eq3A_18 = arith.cmpi eq, %arg0, %eq3A : i32
    %convert_element_type3A = arith.extui %eq3A_18 : i1 to i32
    %cond3A = arith.constant 0 : i32
    %cond3A_19 = arith.cmpi ne, %convert_element_type3A, %cond3A : i32
    scf.if %cond3A_19 {
      %dma_start3A = tpu.memref_slice %arg10[%rem3A_14] : memref<2x!tpu.dma_semaphore, #tpu.memory_space<semaphore_mem>> -> memref<1x!tpu.dma_semaphore, #tpu.memory_space<semaphore_mem>>
      %dma_start3A_31 = tpu.memref_squeeze %dma_start3A : memref<1x!tpu.dma_semaphore, #tpu.memory_space<semaphore_mem>> -> memref<!tpu.dma_semaphore, #tpu.memory_space<semaphore_mem>>
      %dma_start3A_32 = arith.constant 0 : i32
      %dma_start3A_33 = arith.constant 0 : i32
      %dma_start3A_34 = tpu.memref_slice %arg8[%rem3A_14, %dma_start3A_32, %dma_start3A_33] : memref<2x768x1536xf32, #tpu.memory_space<vmem>> -> memref<1x768x1536xf32, #tpu.memory_space<vmem>>
      %dma_start3A_35 = tpu.memref_squeeze %dma_start3A_34 : memref<1x768x1536xf32, #tpu.memory_space<vmem>> -> memref<768x1536xf32, #tpu.memory_space<vmem>>
      %dma_start3A_36 = arith.constant 0 : i32
      %dma_start3A_37 = arith.constant 0 : i32
      %dma_start3A_38 = tpu.memref_slice %arg3[%get3A_4, %dma_start3A_36, %dma_start3A_37] : memref<8x768x1536xf32, #tpu.memory_space<hbm>> -> memref<1x768x1536xf32, #tpu.memory_space<hbm>>
      %dma_start3A_39 = tpu.memref_squeeze %dma_start3A_38 : memref<1x768x1536xf32, #tpu.memory_space<hbm>> -> memref<768x1536xf32, #tpu.memory_space<hbm>>
      tpu.enqueue_dma source(%dma_start3A_39 : memref<768x1536xf32, #tpu.memory_space<hbm>>) target(%dma_start3A_35 : memref<768x1536xf32, #tpu.memory_space<vmem>>) target_semaphore(%dma_start3A_31 : memref<!tpu.dma_semaphore, #tpu.memory_space<semaphore_mem>>)
      %dma_start3A_40 = tpu.memref_slice %arg11[%rem3A_14] : memref<2x!tpu.dma_semaphore, #tpu.memory_space<semaphore_mem>> -> memref<1x!tpu.dma_semaphore, #tpu.memory_space<semaphore_mem>>
      %dma_start3A_41 = tpu.memref_squeeze %dma_start3A_40 : memref<1x!tpu.dma_semaphore, #tpu.memory_space<semaphore_mem>> -> memref<!tpu.dma_semaphore, #tpu.memory_space<semaphore_mem>>
      %dma_start3A_42 = arith.constant 0 : i32
      %dma_start3A_43 = arith.constant 0 : i32
      %dma_start3A_44 = tpu.memref_slice %arg9[%rem3A_14, %dma_start3A_42, %dma_start3A_43] : memref<2x1536x768xf32, #tpu.memory_space<vmem>> -> memref<1x1536x768xf32, #tpu.memory_space<vmem>>
      %dma_start3A_45 = tpu.memref_squeeze %dma_start3A_44 : memref<1x1536x768xf32, #tpu.memory_space<vmem>> -> memref<1536x768xf32, #tpu.memory_space<vmem>>
      %dma_start3A_46 = arith.constant 0 : i32
      %dma_start3A_47 = arith.constant 0 : i32
      %dma_start3A_48 = tpu.memref_slice %arg5[%get3A_4, %dma_start3A_46, %dma_start3A_47] : memref<8x1536x768xf32, #tpu.memory_space<hbm>> -> memref<1x1536x768xf32, #tpu.memory_space<hbm>>
      %dma_start3A_49 = tpu.memref_squeeze %dma_start3A_48 : memref<1x1536x768xf32, #tpu.memory_space<hbm>> -> memref<1536x768xf32, #tpu.memory_space<hbm>>
      tpu.enqueue_dma source(%dma_start3A_49 : memref<1536x768xf32, #tpu.memory_space<hbm>>) target(%dma_start3A_45 : memref<1536x768xf32, #tpu.memory_space<vmem>>) target_semaphore(%dma_start3A_41 : memref<!tpu.dma_semaphore, #tpu.memory_space<semaphore_mem>>)
      %ne3A = arith.cmpi ne, %get3A_10, %get3A_4 : i32
      %convert_element_type3A_50 = arith.extui %ne3A : i1 to i32
      %cond3A_51 = arith.constant 0 : i32
      %cond3A_52 = arith.cmpi ne, %convert_element_type3A_50, %cond3A_51 : i32
      scf.if %cond3A_52 {
        %dma_start3A_74 = tpu.memref_slice %arg10[%rem3A_17] : memref<2x!tpu.dma_semaphore, #tpu.memory_space<semaphore_mem>> -> memref<1x!tpu.dma_semaphore, #tpu.memory_space<semaphore_mem>>
        %dma_start3A_75 = tpu.memref_squeeze %dma_start3A_74 : memref<1x!tpu.dma_semaphore, #tpu.memory_space<semaphore_mem>> -> memref<!tpu.dma_semaphore, #tpu.memory_space<semaphore_mem>>
        %dma_start3A_76 = arith.constant 0 : i32
        %dma_start3A_77 = arith.constant 0 : i32
        %dma_start3A_78 = tpu.memref_slice %arg8[%rem3A_17, %dma_start3A_76, %dma_start3A_77] : memref<2x768x1536xf32, #tpu.memory_space<vmem>> -> memref<1x768x1536xf32, #tpu.memory_space<vmem>>
        %dma_start3A_79 = tpu.memref_squeeze %dma_start3A_78 : memref<1x768x1536xf32, #tpu.memory_space<vmem>> -> memref<768x1536xf32, #tpu.memory_space<vmem>>
        %dma_start3A_80 = arith.constant 0 : i32
        %dma_start3A_81 = arith.constant 0 : i32
        %dma_start3A_82 = tpu.memref_slice %arg3[%get3A_10, %dma_start3A_80, %dma_start3A_81] : memref<8x768x1536xf32, #tpu.memory_space<hbm>> -> memref<1x768x1536xf32, #tpu.memory_space<hbm>>
        %dma_start3A_83 = tpu.memref_squeeze %dma_start3A_82 : memref<1x768x1536xf32, #tpu.memory_space<hbm>> -> memref<768x1536xf32, #tpu.memory_space<hbm>>
        tpu.enqueue_dma source(%dma_start3A_83 : memref<768x1536xf32, #tpu.memory_space<hbm>>) target(%dma_start3A_79 : memref<768x1536xf32, #tpu.memory_space<vmem>>) target_semaphore(%dma_start3A_75 : memref<!tpu.dma_semaphore, #tpu.memory_space<semaphore_mem>>)
        %dma_start3A_84 = tpu.memref_slice %arg11[%rem3A_17] : memref<2x!tpu.dma_semaphore, #tpu.memory_space<semaphore_mem>> -> memref<1x!tpu.dma_semaphore, #tpu.memory_space<semaphore_mem>>
        %dma_start3A_85 = tpu.memref_squeeze %dma_start3A_84 : memref<1x!tpu.dma_semaphore, #tpu.memory_space<semaphore_mem>> -> memref<!tpu.dma_semaphore, #tpu.memory_space<semaphore_mem>>
        %dma_start3A_86 = arith.constant 0 : i32
        %dma_start3A_87 = arith.constant 0 : i32
        %dma_start3A_88 = tpu.memref_slice %arg9[%rem3A_17, %dma_start3A_86, %dma_start3A_87] : memref<2x1536x768xf32, #tpu.memory_space<vmem>> -> memref<1x1536x768xf32, #tpu.memory_space<vmem>>
        %dma_start3A_89 = tpu.memref_squeeze %dma_start3A_88 : memref<1x1536x768xf32, #tpu.memory_space<vmem>> -> memref<1536x768xf32, #tpu.memory_space<vmem>>
        %dma_start3A_90 = arith.constant 0 : i32
        %dma_start3A_91 = arith.constant 0 : i32
        %dma_start3A_92 = tpu.memref_slice %arg5[%get3A_10, %dma_start3A_90, %dma_start3A_91] : memref<8x1536x768xf32, #tpu.memory_space<hbm>> -> memref<1x1536x768xf32, #tpu.memory_space<hbm>>
        %dma_start3A_93 = tpu.memref_squeeze %dma_start3A_92 : memref<1x1536x768xf32, #tpu.memory_space<hbm>> -> memref<1536x768xf32, #tpu.memory_space<hbm>>
        tpu.enqueue_dma source(%dma_start3A_93 : memref<1536x768xf32, #tpu.memory_space<hbm>>) target(%dma_start3A_89 : memref<1536x768xf32, #tpu.memory_space<vmem>>) target_semaphore(%dma_start3A_85 : memref<!tpu.dma_semaphore, #tpu.memory_space<semaphore_mem>>)
      } else {
      }
      %dma_wait3A = arith.constant 0 : i32
      %dma_wait3A_53 = tpu.memref_slice %arg10[%rem3A_14] : memref<2x!tpu.dma_semaphore, #tpu.memory_space<semaphore_mem>> -> memref<1x!tpu.dma_semaphore, #tpu.memory_space<semaphore_mem>>
      %dma_wait3A_54 = tpu.memref_squeeze %dma_wait3A_53 : memref<1x!tpu.dma_semaphore, #tpu.memory_space<semaphore_mem>> -> memref<!tpu.dma_semaphore, #tpu.memory_space<semaphore_mem>>
      %dma_wait3A_55 = arith.constant 0 : i32
      %dma_wait3A_56 = arith.constant 0 : i32
      %dma_wait3A_57 = tpu.memref_slice %arg8[%rem3A_14, %dma_wait3A_55, %dma_wait3A_56] : memref<2x768x1536xf32, #tpu.memory_space<vmem>> -> memref<1x768x1536xf32, #tpu.memory_space<vmem>>
      %dma_wait3A_58 = tpu.memref_squeeze %dma_wait3A_57 : memref<1x768x1536xf32, #tpu.memory_space<vmem>> -> memref<768x1536xf32, #tpu.memory_space<vmem>>
      %dma_wait3A_59 = arith.constant 0 : i32
      %dma_wait3A_60 = arith.constant 0 : i32
      %dma_wait3A_61 = tpu.memref_slice %arg3[%dma_wait3A, %dma_wait3A_59, %dma_wait3A_60] : memref<8x768x1536xf32, #tpu.memory_space<hbm>> -> memref<1x768x1536xf32, #tpu.memory_space<hbm>>
      %dma_wait3A_62 = tpu.memref_squeeze %dma_wait3A_61 : memref<1x768x1536xf32, #tpu.memory_space<hbm>> -> memref<768x1536xf32, #tpu.memory_space<hbm>>
      tpu.wait_dma2 semaphore(%dma_wait3A_54 : memref<!tpu.dma_semaphore, #tpu.memory_space<semaphore_mem>>) src(%dma_wait3A_62 : memref<768x1536xf32, #tpu.memory_space<hbm>>) dst(%dma_wait3A_58 : memref<768x1536xf32, #tpu.memory_space<vmem>>)
      %dma_wait3A_63 = arith.constant 0 : i32
      %dma_wait3A_64 = tpu.memref_slice %arg11[%rem3A_14] : memref<2x!tpu.dma_semaphore, #tpu.memory_space<semaphore_mem>> -> memref<1x!tpu.dma_semaphore, #tpu.memory_space<semaphore_mem>>
      %dma_wait3A_65 = tpu.memref_squeeze %dma_wait3A_64 : memref<1x!tpu.dma_semaphore, #tpu.memory_space<semaphore_mem>> -> memref<!tpu.dma_semaphore, #tpu.memory_space<semaphore_mem>>
      %dma_wait3A_66 = arith.constant 0 : i32
      %dma_wait3A_67 = arith.constant 0 : i32
      %dma_wait3A_68 = tpu.memref_slice %arg9[%rem3A_14, %dma_wait3A_66, %dma_wait3A_67] : memref<2x1536x768xf32, #tpu.memory_space<vmem>> -> memref<1x1536x768xf32, #tpu.memory_space<vmem>>
      %dma_wait3A_69 = tpu.memref_squeeze %dma_wait3A_68 : memref<1x1536x768xf32, #tpu.memory_space<vmem>> -> memref<1536x768xf32, #tpu.memory_space<vmem>>
      %dma_wait3A_70 = arith.constant 0 : i32
      %dma_wait3A_71 = arith.constant 0 : i32
      %dma_wait3A_72 = tpu.memref_slice %arg5[%dma_wait3A_63, %dma_wait3A_70, %dma_wait3A_71] : memref<8x1536x768xf32, #tpu.memory_space<hbm>> -> memref<1x1536x768xf32, #tpu.memory_space<hbm>>
      %dma_wait3A_73 = tpu.memref_squeeze %dma_wait3A_72 : memref<1x1536x768xf32, #tpu.memory_space<hbm>> -> memref<1536x768xf32, #tpu.memory_space<hbm>>
      tpu.wait_dma2 semaphore(%dma_wait3A_65 : memref<!tpu.dma_semaphore, #tpu.memory_space<semaphore_mem>>) src(%dma_wait3A_73 : memref<1536x768xf32, #tpu.memory_space<hbm>>) dst(%dma_wait3A_69 : memref<1536x768xf32, #tpu.memory_space<vmem>>)
    } else {
    }
    %gt3A = arith.constant 0 : i32
    %gt3A_20 = arith.cmpi sgt, %arg0, %gt3A : i32
    %eq3A_21 = arith.constant 1 : i32
    %eq3A_22 = arith.cmpi eq, %get3A_13, %eq3A_21 : i32
    %lt3A = arith.cmpi slt, %arg0, %get3A_1 : i32
    %and3A = arith.andi %eq3A_22, %lt3A : i1
    %and3A_23 = arith.andi %gt3A_20, %and3A : i1
    %convert_element_type3A_24 = arith.extui %and3A_23 : i1 to i32
    %cond3A_25 = arith.constant 0 : i32
    %cond3A_26 = arith.cmpi ne, %convert_element_type3A_24, %cond3A_25 : i32
    scf.if %cond3A_26 {
      %dma_wait3A = arith.constant 0 : i32
      %dma_wait3A_31 = tpu.memref_slice %arg10[%rem3A_14] : memref<2x!tpu.dma_semaphore, #tpu.memory_space<semaphore_mem>> -> memref<1x!tpu.dma_semaphore, #tpu.memory_space<semaphore_mem>>
      %dma_wait3A_32 = tpu.memref_squeeze %dma_wait3A_31 : memref<1x!tpu.dma_semaphore, #tpu.memory_space<semaphore_mem>> -> memref<!tpu.dma_semaphore, #tpu.memory_space<semaphore_mem>>
      %dma_wait3A_33 = arith.constant 0 : i32
      %dma_wait3A_34 = arith.constant 0 : i32
      %dma_wait3A_35 = tpu.memref_slice %arg8[%rem3A_14, %dma_wait3A_33, %dma_wait3A_34] : memref<2x768x1536xf32, #tpu.memory_space<vmem>> -> memref<1x768x1536xf32, #tpu.memory_space<vmem>>
      %dma_wait3A_36 = tpu.memref_squeeze %dma_wait3A_35 : memref<1x768x1536xf32, #tpu.memory_space<vmem>> -> memref<768x1536xf32, #tpu.memory_space<vmem>>
      %dma_wait3A_37 = arith.constant 0 : i32
      %dma_wait3A_38 = arith.constant 0 : i32
      %dma_wait3A_39 = tpu.memref_slice %arg3[%dma_wait3A, %dma_wait3A_37, %dma_wait3A_38] : memref<8x768x1536xf32, #tpu.memory_space<hbm>> -> memref<1x768x1536xf32, #tpu.memory_space<hbm>>
      %dma_wait3A_40 = tpu.memref_squeeze %dma_wait3A_39 : memref<1x768x1536xf32, #tpu.memory_space<hbm>> -> memref<768x1536xf32, #tpu.memory_space<hbm>>
      tpu.wait_dma2 semaphore(%dma_wait3A_32 : memref<!tpu.dma_semaphore, #tpu.memory_space<semaphore_mem>>) src(%dma_wait3A_40 : memref<768x1536xf32, #tpu.memory_space<hbm>>) dst(%dma_wait3A_36 : memref<768x1536xf32, #tpu.memory_space<vmem>>)
      %dma_wait3A_41 = arith.constant 0 : i32
      %dma_wait3A_42 = tpu.memref_slice %arg11[%rem3A_14] : memref<2x!tpu.dma_semaphore, #tpu.memory_space<semaphore_mem>> -> memref<1x!tpu.dma_semaphore, #tpu.memory_space<semaphore_mem>>
      %dma_wait3A_43 = tpu.memref_squeeze %dma_wait3A_42 : memref<1x!tpu.dma_semaphore, #tpu.memory_space<semaphore_mem>> -> memref<!tpu.dma_semaphore, #tpu.memory_space<semaphore_mem>>
      %dma_wait3A_44 = arith.constant 0 : i32
      %dma_wait3A_45 = arith.constant 0 : i32
      %dma_wait3A_46 = tpu.memref_slice %arg9[%rem3A_14, %dma_wait3A_44, %dma_wait3A_45] : memref<2x1536x768xf32, #tpu.memory_space<vmem>> -> memref<1x1536x768xf32, #tpu.memory_space<vmem>>
      %dma_wait3A_47 = tpu.memref_squeeze %dma_wait3A_46 : memref<1x1536x768xf32, #tpu.memory_space<vmem>> -> memref<1536x768xf32, #tpu.memory_space<vmem>>
      %dma_wait3A_48 = arith.constant 0 : i32
      %dma_wait3A_49 = arith.constant 0 : i32
      %dma_wait3A_50 = tpu.memref_slice %arg5[%dma_wait3A_41, %dma_wait3A_48, %dma_wait3A_49] : memref<8x1536x768xf32, #tpu.memory_space<hbm>> -> memref<1x1536x768xf32, #tpu.memory_space<hbm>>
      %dma_wait3A_51 = tpu.memref_squeeze %dma_wait3A_50 : memref<1x1536x768xf32, #tpu.memory_space<hbm>> -> memref<1536x768xf32, #tpu.memory_space<hbm>>
      tpu.wait_dma2 semaphore(%dma_wait3A_43 : memref<!tpu.dma_semaphore, #tpu.memory_space<semaphore_mem>>) src(%dma_wait3A_51 : memref<1536x768xf32, #tpu.memory_space<hbm>>) dst(%dma_wait3A_47 : memref<1536x768xf32, #tpu.memory_space<vmem>>)
      %ne3A = arith.cmpi ne, %get3A_10, %get3A_4 : i32
      %convert_element_type3A_52 = arith.extui %ne3A : i1 to i32
      %cond3A_53 = arith.constant 0 : i32
      %cond3A_54 = arith.cmpi ne, %convert_element_type3A_52, %cond3A_53 : i32
      scf.if %cond3A_54 {
        %dma_start3A = tpu.memref_slice %arg10[%rem3A_17] : memref<2x!tpu.dma_semaphore, #tpu.memory_space<semaphore_mem>> -> memref<1x!tpu.dma_semaphore, #tpu.memory_space<semaphore_mem>>
        %dma_start3A_55 = tpu.memref_squeeze %dma_start3A : memref<1x!tpu.dma_semaphore, #tpu.memory_space<semaphore_mem>> -> memref<!tpu.dma_semaphore, #tpu.memory_space<semaphore_mem>>
        %dma_start3A_56 = arith.constant 0 : i32
        %dma_start3A_57 = arith.constant 0 : i32
        %dma_start3A_58 = tpu.memref_slice %arg8[%rem3A_17, %dma_start3A_56, %dma_start3A_57] : memref<2x768x1536xf32, #tpu.memory_space<vmem>> -> memref<1x768x1536xf32, #tpu.memory_space<vmem>>
        %dma_start3A_59 = tpu.memref_squeeze %dma_start3A_58 : memref<1x768x1536xf32, #tpu.memory_space<vmem>> -> memref<768x1536xf32, #tpu.memory_space<vmem>>
        %dma_start3A_60 = arith.constant 0 : i32
        %dma_start3A_61 = arith.constant 0 : i32
        %dma_start3A_62 = tpu.memref_slice %arg3[%get3A_10, %dma_start3A_60, %dma_start3A_61] : memref<8x768x1536xf32, #tpu.memory_space<hbm>> -> memref<1x768x1536xf32, #tpu.memory_space<hbm>>
        %dma_start3A_63 = tpu.memref_squeeze %dma_start3A_62 : memref<1x768x1536xf32, #tpu.memory_space<hbm>> -> memref<768x1536xf32, #tpu.memory_space<hbm>>
        tpu.enqueue_dma source(%dma_start3A_63 : memref<768x1536xf32, #tpu.memory_space<hbm>>) target(%dma_start3A_59 : memref<768x1536xf32, #tpu.memory_space<vmem>>) target_semaphore(%dma_start3A_55 : memref<!tpu.dma_semaphore, #tpu.memory_space<semaphore_mem>>)
        %dma_start3A_64 = tpu.memref_slice %arg11[%rem3A_17] : memref<2x!tpu.dma_semaphore, #tpu.memory_space<semaphore_mem>> -> memref<1x!tpu.dma_semaphore, #tpu.memory_space<semaphore_mem>>
        %dma_start3A_65 = tpu.memref_squeeze %dma_start3A_64 : memref<1x!tpu.dma_semaphore, #tpu.memory_space<semaphore_mem>> -> memref<!tpu.dma_semaphore, #tpu.memory_space<semaphore_mem>>
        %dma_start3A_66 = arith.constant 0 : i32
        %dma_start3A_67 = arith.constant 0 : i32
        %dma_start3A_68 = tpu.memref_slice %arg9[%rem3A_17, %dma_start3A_66, %dma_start3A_67] : memref<2x1536x768xf32, #tpu.memory_space<vmem>> -> memref<1x1536x768xf32, #tpu.memory_space<vmem>>
        %dma_start3A_69 = tpu.memref_squeeze %dma_start3A_68 : memref<1x1536x768xf32, #tpu.memory_space<vmem>> -> memref<1536x768xf32, #tpu.memory_space<vmem>>
        %dma_start3A_70 = arith.constant 0 : i32
        %dma_start3A_71 = arith.constant 0 : i32
        %dma_start3A_72 = tpu.memref_slice %arg5[%get3A_10, %dma_start3A_70, %dma_start3A_71] : memref<8x1536x768xf32, #tpu.memory_space<hbm>> -> memref<1x1536x768xf32, #tpu.memory_space<hbm>>
        %dma_start3A_73 = tpu.memref_squeeze %dma_start3A_72 : memref<1x1536x768xf32, #tpu.memory_space<hbm>> -> memref<1536x768xf32, #tpu.memory_space<hbm>>
        tpu.enqueue_dma source(%dma_start3A_73 : memref<1536x768xf32, #tpu.memory_space<hbm>>) target(%dma_start3A_69 : memref<1536x768xf32, #tpu.memory_space<vmem>>) target_semaphore(%dma_start3A_65 : memref<!tpu.dma_semaphore, #tpu.memory_space<semaphore_mem>>)
      } else {
      }
    } else {
    }
    %lt3A_27 = arith.cmpi slt, %arg0, %get3A_1 : i32
    %convert_element_type3A_28 = arith.extui %lt3A_27 : i1 to i32
    %cond3A_29 = arith.constant 0 : i32
    %cond3A_30 = arith.cmpi ne, %convert_element_type3A_28, %cond3A_29 : i32
    scf.if %cond3A_30 {
      %get3A_31 = arith.constant 0 : index
      %get3A_32 = arith.constant 0 : index
      %get3A_33 = vector.load %arg2[%get3A_31, %get3A_32] : memref<256x768xf32, #tpu.memory_space<vmem>>, vector<256x768xf32>
      %get3A_34 = arith.index_cast %rem3A_14 : i32 to index
      %get3A_35 = arith.constant 0 : index
      %get3A_36 = arith.constant 0 : index
      %get3A_37 = vector.load %arg8[%get3A_34, %get3A_35, %get3A_36] : memref<2x768x1536xf32, #tpu.memory_space<vmem>>, vector<1x768x1536xf32>
      %get3A_38 = vector.shape_cast %get3A_37 : vector<1x768x1536xf32> to vector<768x1536xf32>
      %dot_general3A = arith.constant dense<0.000000e+00> : vector<256x1536xf32>
      %dot_general3A_39 = tpu.matmul %get3A_33, %get3A_38, %dot_general3A {dimension_numbers = #tpu.dot_dimension_numbers<[1], [0], [0], [1], [0, 0, 1, 1], [], []>, transpose_lhs_hint = false} : vector<256x768xf32>, vector<768x1536xf32>, vector<256x1536xf32> -> vector<256x1536xf32>
      %get3A_40 = arith.constant 0 : index
      %get3A_41 = arith.constant 0 : index
      %get3A_42 = arith.constant 0 : index
      %get3A_43 = vector.load %arg4[%get3A_40, %get3A_41, %get3A_42] : memref<1x1x1536xf32, #tpu.memory_space<vmem>>, vector<1x1x1536xf32>
      %get3A_44 = vector.shape_cast %get3A_43 : vector<1x1x1536xf32> to vector<1x1536xf32>
      %add3A_45 = vector.broadcast %get3A_44 : vector<1x1536xf32> to vector<256x1536xf32>
      %add3A_46 = arith.addf %dot_general3A_39, %add3A_45 : vector<256x1536xf32>
      %max3A = arith.constant 0.000000e+00 : f32
      %max3A_47 = vector.broadcast %max3A : f32 to vector<256x1536xf32>
      %max3A_48 = arith.maximumf %add3A_46, %max3A_47 : vector<256x1536xf32>
      %get3A_49 = arith.index_cast %rem3A_14 : i32 to index
      %get3A_50 = arith.constant 0 : index
      %get3A_51 = arith.constant 0 : index
      %get3A_52 = vector.load %arg9[%get3A_49, %get3A_50, %get3A_51] : memref<2x1536x768xf32, #tpu.memory_space<vmem>>, vector<1x1536x768xf32>
      %get3A_53 = vector.shape_cast %get3A_52 : vector<1x1536x768xf32> to vector<1536x768xf32>
      %dot_general3A_54 = arith.constant dense<0.000000e+00> : vector<256x768xf32>
      %dot_general3A_55 = tpu.matmul %max3A_48, %get3A_53, %dot_general3A_54 {dimension_numbers = #tpu.dot_dimension_numbers<[1], [0], [0], [1], [0, 0, 1, 1], [], []>, transpose_lhs_hint = false} : vector<256x1536xf32>, vector<1536x768xf32>, vector<256x768xf32> -> vector<256x768xf32>
      %get3A_56 = arith.constant 0 : index
      %get3A_57 = arith.constant 0 : index
      %get3A_58 = arith.constant 0 : index
      %get3A_59 = vector.load %arg6[%get3A_56, %get3A_57, %get3A_58] : memref<1x1x768xf32, #tpu.memory_space<vmem>>, vector<1x1x768xf32>
      %get3A_60 = vector.shape_cast %get3A_59 : vector<1x1x768xf32> to vector<1x768xf32>
      %add3A_61 = vector.broadcast %get3A_60 : vector<1x768xf32> to vector<256x768xf32>
      %add3A_62 = arith.addf %dot_general3A_55, %add3A_61 : vector<256x768xf32>
      %swap3A = arith.constant 0 : index
      %swap3A_63 = arith.constant 0 : index
      %swap3A_64 = vector.load %arg7[%swap3A, %swap3A_63] : memref<256x768xf32, #tpu.memory_space<vmem>>, vector<256x768xf32>
      tpu.vector_store %arg7[%swap3A, %swap3A_63], %add3A_62 {strides = array<i32>} : memref<256x768xf32, #tpu.memory_space<vmem>>, vector<256x768xf32>,
    } else {
    }
    return
  }
  func.func @transform_0(%arg0: i32, %arg1: memref<4x128xi32, #tpu.memory_space<smem>>) -> (i32, i32) {
    %get3A = arith.constant 0 : index
    %get3A_0 = arith.constant 127 : index
    %get3A_1 = memref.load %arg1[%get3A, %get3A_0] : memref<4x128xi32, #tpu.memory_space<smem>>
    %sub3A = arith.constant 1 : i32
    %sub3A_2 = arith.subi %get3A_1, %sub3A : i32
    %min3A = arith.minsi %arg0, %sub3A_2 : i32
    %c0_i32 = arith.constant 0 : i32
    %c0_i32_3 = arith.constant 0 : i32
    return %min3A, %c0_i32 : i32, i32
  }
  func.func @transform_2(%arg0: i32, %arg1: memref<4x128xi32, #tpu.memory_space<smem>>) -> (i32, i32, i32) {
    %get3A = arith.constant 0 : index
    %get3A_0 = arith.index_cast %arg0 : i32 to index
    %get3A_1 = memref.load %arg1[%get3A, %get3A_0] : memref<4x128xi32, #tpu.memory_space<smem>>
    %c0_i32 = arith.constant 0 : i32
    %c0_i32_2 = arith.constant 0 : i32
    %c0_i32_3 = arith.constant 0 : i32
    return %get3A_1, %c0_i32, %c0_i32_2 : i32, i32, i32
  }
  func.func @transform_4(%arg0: i32, %arg1: memref<4x128xi32, #tpu.memory_space<smem>>) -> (i32, i32, i32) {
    %get3A = arith.constant 0 : index
    %get3A_0 = arith.index_cast %arg0 : i32 to index
    %get3A_1 = memref.load %arg1[%get3A, %get3A_0] : memref<4x128xi32, #tpu.memory_space<smem>>
    %c0_i32 = arith.constant 0 : i32
    %c0_i32_2 = arith.constant 0 : i32
    %c0_i32_3 = arith.constant 0 : i32
    return %get3A_1, %c0_i32, %c0_i32_2 : i32, i32, i32
  }
  func.func @transform_5(%arg0: i32, %arg1: memref<4x128xi32, #tpu.memory_space<smem>>) -> (i32, i32) {
    %get3A = arith.constant 0 : index
    %get3A_0 = arith.constant 127 : index
    %get3A_1 = memref.load %arg1[%get3A, %get3A_0] : memref<4x128xi32, #tpu.memory_space<smem>>
    %sub3A = arith.constant 1 : i32
    %sub3A_2 = arith.subi %get3A_1, %sub3A : i32
    %min3A = arith.minsi %arg0, %sub3A_2 : i32
    %c0_i32 = arith.constant 0 : i32
    %c0_i32_3 = arith.constant 0 : i32
    return %min3A, %c0_i32 : i32, i32
  }
}

</mosaic_0001>

<sc_bundles>
// kernel: kernel.6.cloned.1.call-start
scs
__scs_entry_jumppad:
0x0: {  	(pc) =	sbr.rel $0x88, $3  }
0x1: {  	(tag) =	ssettag $0x0;
	lr =	simm.s32 $0x1  }
0x2: {  	[smem:$0x3F9B] =	sst lr;
	_ =	strace $0xD0000000  }
0x3: {  	_ = 	snop  }
0x4: {  	_ = 	snop  }
0x5: {  	_ = 	snop  }
0x6: {  	_ = 	snop  }
0x7: {  	_ = 	snop  }
__scs_overlays_trampoline_lowered:
0x8: {  	[smem:$0x3FAA] =	sst s0  }
0x9: {  	[smem:$0x3FAB] =	sst s1  }
0xa: {  	[smem:$0x3FAC] =	sst s2  }
0xb: {  	[smem:$0x3FAD] =	sst s3  }
0xc: {  	[smem:$0x3FAE] =	sst s4  }
0xd: {  	[smem:$0x3FAF] =	sst s5  }
0xe: {  	[smem:$0x3FB0] =	sst s6  }
0xf: {  	[smem:$0x3FB1] =	sst s7  }
0x10: {  	[smem:$0x3FB2] =	sst s8  }
0x11: {  	[smem:$0x3FB3] =	sst s9;
	s0 =	simm.s32 @!p0 $0x0  }
0x12: {  	s1 =	sld [smem:$0x3F99];
	s0 =	simm.s32 @p0 $0x1  }
0x13: {  	[smem:$0x3FB4] =	sst s0;
	s0 =	simm.s32 @!p1 $0x0  }
0x14: {  	s2 =	sld [smem:$0x3F98];
	s0 =	simm.s32 @p1 $0x1  }
0x15: {  	[smem:$0x3FB5] =	sst s0;
	s0 =	simm.s32 @!p2 $0x0  }
0x16: {  	s3 =	sld [smem:$0x3FDB];
	s0 =	simm.s32 @p2 $0x1  }
0x17: {  	s4 =	simm.s32 $0x1BF5;
	[smem:$0x3FB7] =	sst s0  }
0x18: {  	s0 =	sld [smem:$0x3F9A];
	_ =	swait.ge [sflag:s4], $0x0  }
0x19: {  	s7 =	sld [smem:$0x3F9B]  }
0x1a: {  	s8 =	sadd.s32 $0xFFFFE003, lr  }
0x1b: {  	s9 =	sadd.s32 $0xFFFFFEF7, lr;
	s5 =	simm.s32 $0xFFFFFFFF;
	p2 =	slt.u32 s8, $0xFFFFF086  }
0x1c: {  	p1 =	slt.u32 s9, $0xF7A;
	s5 =	simm.s32 @!p2 $0x0  }
0x1d: {  	s5 =	simm.s32 @p1 $0x1;
	p0 =	seq.s32 s7, s2  }
0x1e: {  	s7 =	smul.u32 @!p0 $0xF7A, s2;
	p2 =	seq.s32 @!p0 s5, $0x0  }
0x1f: {  	s9 =	smul.u32 $0xF7A, s1;
	s8 =	simm.s32 @!p0 $0x1BF5;
	p2 =	por !p2, p0  }
0x20: {  	[sflag:s8] =	ssyncset.s32 @!p0 $0xFFFFF086;
	s6 =	sadd.s32 @!p0 s3, s7;
	s7 =	simm.s32 @!p0 $0x108  }
0x21: {  	s3 =	sadd.s32 s3, s9;
	s6 =	sadd.s32 @!p0 $0x88, s6;
	s7 =	simm.s32 @p2 $0x1082  }
0x22: {  	[simem:s7], [sflag:s8] =	dma.local @!p0 [hbm:s6], $0xF7A  }
0x23: {  	s9 =	sor.u32 $0xD0000000, s2;
	s6 =	simm.s32 $0x108;
	_ =	swait.ge @!p0 [sflag:s8], $0x0  }
0x24: {  	s3 =	sadd.s32 $0x88, s3;
	s6 =	simm.s32 @!p1 $0x1082;
	[sflag:s4] =	ssyncset.s32 $0xFFFFF086  }
0x25: {  	[simem:s6], [sflag:s4] =	dma.local [hbm:s3], $0xF7A  }
0x26: {  	[smem:$0x3F9B] =	sst s1;
	(tag) =	ssettag s2;
	_ =	strace s9  }
0x27: {  	s1 =	sld [smem:$0x3FAB]  }
0x28: {  	s2 =	sld [smem:$0x3FAC]  }
0x29: {  	s4 =	sld [smem:$0x3FAE]  }
0x2a: {  	p0 =	seq.s32 s5, $0x0;
	s5 =	sld [smem:$0x3FAF]  }
0x2b: {  	s6 =	sld [smem:$0x3FB0]  }
0x2c: {  	s7 =	sld [smem:$0x3FB1]  }
0x2d: {  	s3 =	simm.s32 $0x108;
	s8 =	sld [smem:$0x3FB2]  }
0x2e: {  	s3 =	simm.s32 @!p0 $0x1082;
	s9 =	sld [smem:$0x3FB3]  }
0x2f: {  	lr =	sadd.s32 s0, s3;
	s0 =	sld [smem:$0x3FAA]  }
0x30: {  	s3 =	sld [smem:$0x3FAD]  }
0x31: {  	[smem:$0x3FB6] =	sst s10  }
0x32: {  	s10 =	sld [smem:$0x3FB4];
	_ =	sdelay $0x3  }
0x33: {  	p0 =	seq.s32 s10, $0x1;
	s10 =	sld [smem:$0x3FB6];
	_ =	sdelay $0x3  }
0x34: {  	[smem:$0x3FB6] =	sst s10  }
0x35: {  	s10 =	sld [smem:$0x3FB5];
	_ =	sdelay $0x3  }
0x36: {  	p1 =	seq.s32 s10, $0x1;
	s10 =	sld [smem:$0x3FB6];
	_ =	sdelay $0x3  }
0x37: {  	[smem:$0x3FB6] =	sst s10  }
0x38: {  	s10 =	sld [smem:$0x3FB7]  }
0x39: {  	_ = 	snop;
	(pc) =	sbr.ind lr, $3  }
0x3a: {  	_ = 	snop  }
0x3b: {  	_ = 	snop  }
0x3c: {  	p2 =	seq.s32 s10, $0x1;
	s10 =	sld [smem:$0x3FB6]  }
0x3d: {  	_ =	shalt  }
0x3e: {  	_ =	shalt  }
0x3f: {  	_ =	shalt  }
0x40: {  	_ =	shalt  }
0x41: {  	_ =	shalt  }
0x42: {  	_ =	shalt  }
0x43: {  	_ =	shalt  }
0x44: {  	_ =	shalt  }
0x45: {  	_ =	shalt  }
0x46: {  	_ =	shalt  }
0x47: {  	_ =	shalt  }
0x48: {  	_ =	shalt  }
0x49: {  	_ =	shalt  }
0x4a: {  	_ =	shalt  }
0x4b: {  	_ =	shalt  }
0x4c: {  	_ =	shalt  }
0x4d: {  	_ =	shalt  }
0x4e: {  	_ =	shalt  }
0x4f: {  	_ =	shalt  }
0x50: {  	_ =	shalt  }
0x51: {  	_ =	shalt  }
0x52: {  	_ =	shalt  }
0x53: {  	_ =	shalt  }
0x54: {  	_ =	shalt  }
0x55: {  	_ =	shalt  }
0x56: {  	_ =	shalt  }
0x57: {  	_ =	shalt  }
0x58: {  	_ =	shalt  }
0x59: {  	_ =	shalt  }
0x5a: {  	_ =	shalt  }
0x5b: {  	_ =	shalt  }
0x5c: {  	_ =	shalt  }
0x5d: {  	_ =	shalt  }
0x5e: {  	_ =	shalt  }
0x5f: {  	_ =	shalt  }
0x60: {  	_ =	shalt  }
0x61: {  	_ =	shalt  }
0x62: {  	_ =	shalt  }
0x63: {  	_ =	shalt  }
0x64: {  	_ =	shalt  }
0x65: {  	_ =	shalt  }
0x66: {  	_ =	shalt  }
0x67: {  	_ =	shalt  }
0x68: {  	_ =	shalt  }
0x69: {  	_ =	shalt  }
0x6a: {  	_ =	shalt  }
0x6b: {  	_ =	shalt  }
0x6c: {  	_ =	shalt  }
0x6d: {  	_ =	shalt  }
0x6e: {  	_ =	shalt  }
0x6f: {  	_ =	shalt  }
0x70: {  	_ =	shalt  }
0x71: {  	_ =	shalt  }
0x72: {  	_ =	shalt  }
0x73: {  	_ =	shalt  }
0x74: {  	_ =	shalt  }
0x75: {  	_ =	shalt  }
0x76: {  	_ =	shalt  }
0x77: {  	_ =	shalt  }
0x78: {  	_ =	shalt  }
0x79: {  	_ =	shalt  }
0x7a: {  	_ =	shalt  }
0x7b: {  	_ =	shalt  }
0x7c: {  	_ =	shalt  }
0x7d: {  	_ =	shalt  }
0x7e: {  	_ =	shalt  }
0x7f: {  	_ =	shalt  }
0x80: {  	_ =	shalt  }
0x81: {  	_ =	shalt  }
0x82: {  	_ =	shalt  }
0x83: {  	_ =	shalt  }
0x84: {  	_ =	shalt  }
0x85: {  	_ =	shalt  }
0x86: {  	_ =	shalt  }
0x87: {  	_ =	shalt  }
.Lfunc_end0:
.L_simem_size_0:
called_computation_lowered:
.L_overlay_start_0:
0x88: {  	s2 =	sld [smem:$0x3FD9]  }
0x89: {  	s3 =	sld [smem:$0x3FFE];
	_ =	sdelay $0x1  }
0x8a: {  	s1 =	srdreg.scid  }
0x8b: {  	s0 =	sand.u32 $0x1, s1  }
0x8c: {  	s17 =	sshll.u32 s0, $0xA;
	s2 =	sadd.s32 s3, s2  }
0x8d: {  	s2 =	sadd.s32 s2, s17  }
0x8e: {  	[smem:$0x3FC2] =	sst s2  }
0x8f: {  	_ = 	snop  }
0x90: {  	s2 =	sld [smem:$0x3FC9];
	(tm) =	ssettm $0x1  }
0x91: {  	s18 =	sld [smem:$0x3FFB];
	_ =	sdelay $0x3  }
0x92: {  	_ =	strace s18  }
0x93: {  	s3 =	sld [smem:$0x3FFC];
	_ =	sdelay $0x3  }
0x94: {  	_ =	strace s3  }
0x95: {  	s3 =	sld [smem:$0x3FFD];
	_ =	sdelay $0x3  }
0x96: {  	_ =	strace s3  }
0x97: {  	_ =	strace $0x8FFFFFFF  }
0x98: {  	s19 =	sld [smem:$0x3FDB];
	_ =	sdelay $0x1  }
0x99: {  	s4 =	simm.s32 $_scs_section_size  }
0x9a: {  	s5 =	simm.s32 $_size__tile_overlayer_lowered;
	s6 =	simm.s32 $_tile_overlayer_lowered  }
0x9b: {  	s22 =	simm.s32 $0x1BFF;
	s21 =	sshll.u32 s6, $0x1;
	s3 =	sadd.s32 s4, s19  }
0x9c: {  	s7 =	simm.s32 $0x0;
	s20 =	sshll.u32 s5, $0x1;
	s5 =	sadd.s32 s21, s3  }
0x9d: {  	[timem:s7], [sflag:s22] =	dma.local [hbm:s5], s20  }
0x9e: {  	_ =	swait.ge [sflag:s22], s20  }
0x9f: {  	s4 =	ssub.s32 $0x0, s20;
	[sflag:s22] =	ssyncset.done $0x0  }
0xa0: {  	[sflag:s22] =	ssyncadd.s32 s4;
	_ =	sdelay $0x1  }
0xa1: {  	s23 =	simm.s32 $0x1B8B  }
0xa2: {  	_ =	swait.ge [sflag:s23], $0x1  }
0xa3: {  	[sflag:s23] =	ssyncset.done $0x0  }
0xa4: {  	s25 =	simm.s32 $0x1B8E;
	s24 =	sld [smem:$0x3FFE];
	[sflag:s23] =	ssyncadd.s32 $0xFFFFFFFF  }
0xa5: {  	s26 =	simm.s32 $execute0_lowered;
	[smem:$0x3FD2] =	sst s25  }
0xa6: {  	s5 =	sshll.u32 s26, $0x1;
	_ =	strace $0x80000046;
	[dreg:$0x1] =	wrdreg $0xFFFFFFFF  }
0xa7: {  	s28 =	simm.s32 $_size_execute0_lowered;
	s3 =	sadd.s32 s3, s5;
	[dreg:$0x0] =	wrdreg $0x0  }
0xa8: {  	s5 =	sshll.u32 s28, $0x1;
	[dreg:$0x2] =	wrdreg s3  }
0xa9: {  	[dreg:$0x3] =	wrdreg s5  }
0xaa: {  	[dreg:$0x4] =	wrdreg $0xC0  }
0xab: {  	_ =	task [dreg:s7], $0x5FFFF  }
0xac: {  	[dreg:$0x1] =	wrdreg $0xFFFFFFFF  }
0xad: {  	[dreg:$0x0] =	wrdreg $0x60  }
0xae: {  	[dreg:$0x2] =	wrdreg s2  }
0xaf: {  	[dreg:$0x3] =	wrdreg s24  }
0xb0: {  	[dreg:$0x4] =	wrdreg $0x9  }
0xb1: {  	_ =	task.clear_ibuf [dreg:s7], $0x5FFFF;
	_ =	strace $0x90000046  }
0xb2: {  	s29 =	simm.s32 $0x9;
	_ =	strace $0x80000048  }
0xb3: {  	_ =	swait.ge [sflag:s29], $0x1  }
0xb4: {  	[sflag:s29] =	ssyncadd.s32 $0xFFFFFFFF  }
0xb5: {  	_ =	strace $0x90000048  }
0xb6: {  	_ =	sfence  }
0xb7: {  	s30 =	sld [smem:$0x0];
	_ =	sdelay $0x2  }
0xb8: {  	s31 =	sshll.u32 s1, $0xD;
	s1 =	sshrl.u32 s1, $0x2  }
0xb9: {  	s3 =	sand.u32 $0x4000, s31;
	s1 =	sadd.s32 s1, s30  }
0xba: {  	s0 =	sor.u32 s3, s0;
	s1 =	sshll.u32 s1, $0x11  }
0xbb: {  	s0 =	sor.u32 s1, s0  }
0xbc: {  	s0 =	sadd.s32 $0x8F2B, s0  }
0xbd: {  	[sflag:s0] =	ssyncadd.remote.s32 $0x1  }
0xbe: {  	_ =	sfence.sel $0xFFFF  }
0xbf: {  	[dreg:$0x0] =	wrdreg $0xFFFFFFFF;
	(pc) =	sbr.abs _section_cstart, $3  }
0xc0: {  	[dreg:$0x1] =	wrdreg $0xFFFFFFFF  }
0xc1: {  	_ =	task.clear_ibuf [dreg:s7], $0x2FFFF;
	_ =	strace $0x9FFFFFFF  }
0xc2: {  	(tm) =	ssettm $0x7FFFFFFF  }
0xc3: {  	_ =	shalt  }
tec
execute0_lowered:
.L_overlay_start_1:
0x0: {  	(tag) =	ssettag $0x1  }
0x1: {  	s1 =	srdreg.scid  }
0x2: {  	s3 =	rddreg [dreg:$0x0];
	s0 =	stileid.u32  }
0x3: {  	s5 =	rddreg [dreg:$0x1];
	s2 =	simm.s32 $0x0;
	s26 =	simm.s32 $0x80  }
0x4: {  	s8 =	simm.s32 $0x1;
	s11 =	simm.s32 $0x1900;
	s12 =	simm.s32 $0x2100  }
0x5: {  	s13 =	simm.s32 $0x2900;
	s14 =	simm.s32 $0x3100;
	s15 =	simm.s32 $0x3900  }
0x6: {  	s16 =	simm.s32 $0x4100;
	s17 =	simm.s32 $0x4900;
	s18 =	simm.s32 $0x5100  }
0x7: {  	s19 =	simm.s32 $0x5900;
	s20 =	simm.s32 $0x6100;
	s21 =	simm.s32 $0x6900  }
0x8: {  	s22 =	simm.s32 $0x7100;
	s23 =	simm.s32 $0x7900;
	s24 =	simm.s32 $0x8100  }
0x9: {  	s28 =	simm.s32 $0x9900;
	s29 =	simm.s32 $0xA100;
	s30 =	simm.s32 $0xA900  }
0xa: {  	s31 =	simm.s32 $0xB100;
	s1 =	sand.u32 $0x1, s1;
	[smem:$0x7FF] =	sst s2  }
0xb: {  	s4 =	sshll.u32 s0, $0x4;
	s6 =	sshll.u32 s1, $0x3;
	_ =	strace $0x80000047  }
0xc: {  	s1 =	ssub.s32 $0x2, s1;
	[dreg:$0x6] =	wrdreg s26;
	s4 =	sor.u32 s6, s4  }
0xd: {  	s26 =	simm.s32 $0x9100;
	s25 =	sshrl.u32 s1, $0x1;
	s6 =	sadd.s32 s4, s5  }
0xe: {  	s4 =	smul.u32 $0x300, s4;
	s1 =	ssub.s32 s1, s25;
	s7 =	sadd.s32 $0x10C00, s6  }
0xf: {  	s25 =	simm.s32 $0x8900;
	s6 =	sadd.s32 $0x10E00, s6;
	[dreg:$0x3] =	wrdreg s7  }
0x10: {  	v2 =	vlaneseq.u32;
	[dreg:$0x4] =	wrdreg s6;
	s4 =	sadd.s32 s3, s4;
	s3 =	sadd.s32 $0x11000, s5  }
0x11: {  	vm0 =	vmmov $0xffff;
	v1 =	vshrl.u32 v2, $0x3;
	s6 =	smax.u32 s1, $0x1;
	s7 =	simm.s32 $0x100;
	s1 =	simm.s32 $0xB900  }
0x12: {  	v0 =	vand.u32 $0x7, v2;
	v2 =	vor.u32 $0x8, v2;
	v1 =	vmul.u32 $0x8, v1;
	[dreg:$0x5] =	wrdreg s4;
	s4 =	sadd.s32 $0x11100, s5;
	s5 =	sadd.s32 $0x11200, s5  }
.LBB2_1:
0x13: {  	s0 =	rddreg [dreg:$0x3]  }
0x14: {  	s9 =	rddreg [dreg:$0x4]  }
0x15: {  	[tilespmem:s2], [sflag:$0x1] =	stream.linear.gather [hbm4b:s0+s2], $0x40, $0x38;
	[tilespmem:$0xC100] =	vst v63  }
0x16: {  	s10 =	rddreg [dreg:$0x6]  }
0x17: {  	[tilespmem:s10], [sflag:$0x1] =	stream.linear.gather [hbm4b:s9+s2], $0x40, $0x38;
	[tilespmem:$0xC100] =	vst v63  }
0x18: {  	s0 =	rddreg [dreg:$0x5]  }
0x19: {  	[tilespmem:s7], [sflag:$0x1] =	stream.linear.gather [hbm4b:s0+s2], $0xC000, $0x38;
	[tilespmem:$0xC100] =	vst v63  }
0x1a: {  	_ =	swait.ge [sflag:s8], $0x40  }
0x1b: {  	[sflag:s8] =	ssyncset.done $0x0  }
0x1c: {  	[sflag:s8] =	ssyncadd.s32 $0xFFFFFFC0  }
0x1d: {  	_ =	swait.ge [sflag:s8], $0x40  }
0x1e: {  	[sflag:s8] =	ssyncset.done $0x0  }
0x1f: {  	[sflag:s8] =	ssyncadd.s32 $0xFFFFFFC0  }
0x20: {  	_ =	swait.ge [sflag:s8], $0xC000  }
0x21: {  	[sflag:s8] =	ssyncset.done $0x0  }
0x22: {  	[sflag:s8] =	ssyncadd.s32 $0xFFFF4000  }
0x23: {  	v3 =	vld [tilespmem:$0x0];
	_ =	sdelay $0x4  }
0x24: {  	v4 =	vshrl.u32 v3, $0x3  }
0x25: {  	v4 =	vmul.u32 $0x30, v4  }
0x26: {  	v3 =	vand.u32 $0x7, v3  }
0x27: {  	v3 =	vor.u32 v3, v4  }
0x28: {  	v4 =	vperm.xlane v3, v0;
	_ =	sdelay $0x1  }
0x29: {  	v4 =	vadd.s32 v1, v4;
	_ =	sdelay $0x3  }
0x2a: {  	v3 =	vperm.xlane v3, v2  }
0x2b: {  	[hbm4b:s3+s2] =	stream.indirect_vreg.scatter [tilespmem:s7], [sflag:$0x1], $0x80, v4, vm0, $0xb8;
	[tilespmem:$0xC100] =	vst v63  }
0x2c: {  	s9 =	simm.s32 $0x900;
	v3 =	vadd.s32 v1, v3  }
0x2d: {  	[hbm4b:s4+s2] =	stream.indirect_vreg.scatter [tilespmem:s9], [sflag:$0x1], $0x80, v4, vm0, $0xb8;
	[tilespmem:$0xC100] =	vst v63  }
0x2e: {  	s10 =	simm.s32 $0x1100  }
0x2f: {  	[hbm4b:s5+s2] =	stream.indirect_vreg.scatter [tilespmem:s10], [sflag:$0x1], $0x80, v4, vm0, $0xb8;
	[tilespmem:$0xC100] =	vst v63  }
0x30: {  	_ = 	snop  }
0x31: {  	[hbm4b:s3+s2] =	stream.indirect_vreg.scatter [tilespmem:s11], [sflag:$0x1], $0x80, v3, vm0, $0xb8;
	[tilespmem:$0xC100] =	vst v63  }
0x32: {  	_ = 	snop  }
0x33: {  	[hbm4b:s4+s2] =	stream.indirect_vreg.scatter [tilespmem:s12], [sflag:$0x1], $0x80, v3, vm0, $0xb8;
	[tilespmem:$0xC100] =	vst v63  }
0x34: {  	_ = 	snop  }
0x35: {  	[hbm4b:s5+s2] =	stream.indirect_vreg.scatter [tilespmem:s13], [sflag:$0x1], $0x80, v3, vm0, $0xb8;
	[tilespmem:$0xC100] =	vst v63  }
0x36: {  	v3 =	vld [tilespmem:$0x10];
	_ =	sdelay $0x4  }
0x37: {  	v57 =	vshrl.u32 v3, $0x3  }
0x38: {  	v4 =	vmul.u32 $0x30, v57  }
0x39: {  	v3 =	vand.u32 $0x7, v3  }
0x3a: {  	v3 =	vor.u32 v3, v4  }
0x3b: {  	v4 =	vperm.xlane v3, v0;
	_ =	sdelay $0x1  }
0x3c: {  	v4 =	vadd.s32 v1, v4;
	_ =	sdelay $0x3  }
0x3d: {  	v3 =	vperm.xlane v3, v2  }
0x3e: {  	[hbm4b:s3+s2] =	stream.indirect_vreg.scatter [tilespmem:s14], [sflag:$0x1], $0x80, v4, vm0, $0xb8;
	[tilespmem:$0xC100] =	vst v63  }
0x3f: {  	v3 =	vadd.s32 v1, v3  }
0x40: {  	[hbm4b:s4+s2] =	stream.indirect_vreg.scatter [tilespmem:s15], [sflag:$0x1], $0x80, v4, vm0, $0xb8;
	[tilespmem:$0xC100] =	vst v63  }
0x41: {  	_ = 	snop  }
0x42: {  	[hbm4b:s5+s2] =	stream.indirect_vreg.scatter [tilespmem:s16], [sflag:$0x1], $0x80, v4, vm0, $0xb8;
	[tilespmem:$0xC100] =	vst v63  }
0x43: {  	_ = 	snop  }
0x44: {  	[hbm4b:s3+s2] =	stream.indirect_vreg.scatter [tilespmem:s17], [sflag:$0x1], $0x80, v3, vm0, $0xb8;
	[tilespmem:$0xC100] =	vst v63  }
0x45: {  	_ = 	snop  }
0x46: {  	[hbm4b:s4+s2] =	stream.indirect_vreg.scatter [tilespmem:s18], [sflag:$0x1], $0x80, v3, vm0, $0xb8;
	[tilespmem:$0xC100] =	vst v63  }
0x47: {  	_ = 	snop  }
0x48: {  	[hbm4b:s5+s2] =	stream.indirect_vreg.scatter [tilespmem:s19], [sflag:$0x1], $0x80, v3, vm0, $0xb8;
	[tilespmem:$0xC100] =	vst v63  }
0x49: {  	v3 =	vld [tilespmem:$0x20];
	_ =	sdelay $0x4  }
0x4a: {  	v58 =	vshrl.u32 v3, $0x3  }
0x4b: {  	v4 =	vmul.u32 $0x30, v58  }
0x4c: {  	v3 =	vand.u32 $0x7, v3  }
0x4d: {  	v3 =	vor.u32 v3, v4  }
0x4e: {  	v4 =	vperm.xlane v3, v0;
	_ =	sdelay $0x1  }
0x4f: {  	v4 =	vadd.s32 v1, v4;
	_ =	sdelay $0x3  }
0x50: {  	v3 =	vperm.xlane v3, v2  }
0x51: {  	[hbm4b:s3+s2] =	stream.indirect_vreg.scatter [tilespmem:s20], [sflag:$0x1], $0x80, v4, vm0, $0xb8;
	[tilespmem:$0xC100] =	vst v63  }
0x52: {  	v3 =	vadd.s32 v1, v3  }
0x53: {  	[hbm4b:s4+s2] =	stream.indirect_vreg.scatter [tilespmem:s21], [sflag:$0x1], $0x80, v4, vm0, $0xb8;
	[tilespmem:$0xC100] =	vst v63  }
0x54: {  	_ = 	snop  }
0x55: {  	[hbm4b:s5+s2] =	stream.indirect_vreg.scatter [tilespmem:s22], [sflag:$0x1], $0x80, v4, vm0, $0xb8;
	[tilespmem:$0xC100] =	vst v63  }
0x56: {  	_ = 	snop  }
0x57: {  	[hbm4b:s3+s2] =	stream.indirect_vreg.scatter [tilespmem:s23], [sflag:$0x1], $0x80, v3, vm0, $0xb8;
	[tilespmem:$0xC100] =	vst v63  }
0x58: {  	_ = 	snop  }
0x59: {  	[hbm4b:s4+s2] =	stream.indirect_vreg.scatter [tilespmem:s24], [sflag:$0x1], $0x80, v3, vm0, $0xb8;
	[tilespmem:$0xC100] =	vst v63  }
0x5a: {  	_ = 	snop  }
0x5b: {  	[hbm4b:s5+s2] =	stream.indirect_vreg.scatter [tilespmem:s25], [sflag:$0x1], $0x80, v3, vm0, $0xb8;
	[tilespmem:$0xC100] =	vst v63  }
0x5c: {  	v3 =	vld [tilespmem:$0x30];
	_ =	sdelay $0x4  }
0x5d: {  	v59 =	vshrl.u32 v3, $0x3  }
0x5e: {  	v4 =	vmul.u32 $0x30, v59  }
0x5f: {  	v3 =	vand.u32 $0x7, v3  }
0x60: {  	v3 =	vor.u32 v3, v4  }
0x61: {  	v4 =	vperm.xlane v3, v0;
	_ =	sdelay $0x1  }
0x62: {  	v4 =	vadd.s32 v1, v4;
	_ =	sdelay $0x3  }
0x63: {  	v3 =	vperm.xlane v3, v2  }
0x64: {  	[hbm4b:s3+s2] =	stream.indirect_vreg.scatter [tilespmem:s26], [sflag:$0x1], $0x80, v4, vm0, $0xb8;
	[tilespmem:$0xC100] =	vst v63  }
0x65: {  	v3 =	vadd.s32 v1, v3  }
0x66: {  	[hbm4b:s4+s2] =	stream.indirect_vreg.scatter [tilespmem:s28], [sflag:$0x1], $0x80, v4, vm0, $0xb8;
	[tilespmem:$0xC100] =	vst v63  }
0x67: {  	_ = 	snop  }
0x68: {  	[hbm4b:s5+s2] =	stream.indirect_vreg.scatter [tilespmem:s29], [sflag:$0x1], $0x80, v4, vm0, $0xb8;
	[tilespmem:$0xC100] =	vst v63  }
0x69: {  	_ = 	snop  }
0x6a: {  	[hbm4b:s3+s2] =	stream.indirect_vreg.scatter [tilespmem:s30], [sflag:$0x1], $0x80, v3, vm0, $0xb8;
	[tilespmem:$0xC100] =	vst v63  }
0x6b: {  	_ = 	snop  }
0x6c: {  	[hbm4b:s4+s2] =	stream.indirect_vreg.scatter [tilespmem:s31], [sflag:$0x1], $0x80, v3, vm0, $0xb8;
	[tilespmem:$0xC100] =	vst v63  }
0x6d: {  	_ = 	snop  }
0x6e: {  	[hbm4b:s5+s2] =	stream.indirect_vreg.scatter [tilespmem:s1], [sflag:$0x1], $0x80, v3, vm0, $0xb8;
	[tilespmem:$0xC100] =	vst v63  }
0x6f: {  	v3 =	vld [tilespmem:$0x80];
	_ =	sdelay $0x4  }
0x70: {  	v60 =	vshrl.u32 v3, $0x3  }
0x71: {  	v4 =	vmul.u32 $0x30, v60  }
0x72: {  	v3 =	vand.u32 $0x7, v3  }
0x73: {  	v3 =	vor.u32 v3, v4  }
0x74: {  	v4 =	vperm.xlane v3, v0;
	_ =	sdelay $0x1  }
0x75: {  	v4 =	vadd.s32 v1, v4;
	_ =	sdelay $0x3  }
0x76: {  	v3 =	vperm.xlane v3, v2  }
0x77: {  	[hbm4b:s3+s2] =	stream.indirect_vreg.scatter [tilespmem:s7], [sflag:$0x1], $0x80, v4, vm0, $0xb8;
	[tilespmem:$0xC100] =	vst v63  }
0x78: {  	v3 =	vadd.s32 v1, v3  }
0x79: {  	[hbm4b:s4+s2] =	stream.indirect_vreg.scatter [tilespmem:s9], [sflag:$0x1], $0x80, v4, vm0, $0xb8;
	[tilespmem:$0xC100] =	vst v63  }
0x7a: {  	_ = 	snop  }
0x7b: {  	[hbm4b:s5+s2] =	stream.indirect_vreg.scatter [tilespmem:s10], [sflag:$0x1], $0x80, v4, vm0, $0xb8;
	[tilespmem:$0xC100] =	vst v63  }
0x7c: {  	_ = 	snop  }
0x7d: {  	[hbm4b:s3+s2] =	stream.indirect_vreg.scatter [tilespmem:s11], [sflag:$0x1], $0x80, v3, vm0, $0xb8;
	[tilespmem:$0xC100] =	vst v63  }
0x7e: {  	_ = 	snop  }
0x7f: {  	[hbm4b:s4+s2] =	stream.indirect_vreg.scatter [tilespmem:s12], [sflag:$0x1], $0x80, v3, vm0, $0xb8;
	[tilespmem:$0xC100] =	vst v63  }
0x80: {  	_ = 	snop  }
0x81: {  	[hbm4b:s5+s2] =	stream.indirect_vreg.scatter [tilespmem:s13], [sflag:$0x1], $0x80, v3, vm0, $0xb8;
	[tilespmem:$0xC100] =	vst v63  }
0x82: {  	v3 =	vld [tilespmem:$0x90];
	_ =	sdelay $0x4  }
0x83: {  	v61 =	vshrl.u32 v3, $0x3  }
0x84: {  	v4 =	vmul.u32 $0x30, v61  }
0x85: {  	v3 =	vand.u32 $0x7, v3  }
0x86: {  	v3 =	vor.u32 v3, v4  }
0x87: {  	v4 =	vperm.xlane v3, v0;
	_ =	sdelay $0x1  }
0x88: {  	v4 =	vadd.s32 v1, v4;
	_ =	sdelay $0x3  }
0x89: {  	v3 =	vperm.xlane v3, v2  }
0x8a: {  	[hbm4b:s3+s2] =	stream.indirect_vreg.scatter [tilespmem:s14], [sflag:$0x1], $0x80, v4, vm0, $0xb8;
	[tilespmem:$0xC100] =	vst v63  }
0x8b: {  	v3 =	vadd.s32 v1, v3  }
0x8c: {  	[hbm4b:s4+s2] =	stream.indirect_vreg.scatter [tilespmem:s15], [sflag:$0x1], $0x80, v4, vm0, $0xb8;
	[tilespmem:$0xC100] =	vst v63  }
0x8d: {  	_ = 	snop  }
0x8e: {  	[hbm4b:s5+s2] =	stream.indirect_vreg.scatter [tilespmem:s16], [sflag:$0x1], $0x80, v4, vm0, $0xb8;
	[tilespmem:$0xC100] =	vst v63  }
0x8f: {  	_ = 	snop  }
0x90: {  	[hbm4b:s3+s2] =	stream.indirect_vreg.scatter [tilespmem:s17], [sflag:$0x1], $0x80, v3, vm0, $0xb8;
	[tilespmem:$0xC100] =	vst v63  }
0x91: {  	_ = 	snop  }
0x92: {  	[hbm4b:s4+s2] =	stream.indirect_vreg.scatter [tilespmem:s18], [sflag:$0x1], $0x80, v3, vm0, $0xb8;
	[tilespmem:$0xC100] =	vst v63  }
0x93: {  	_ = 	snop  }
0x94: {  	[hbm4b:s5+s2] =	stream.indirect_vreg.scatter [tilespmem:s19], [sflag:$0x1], $0x80, v3, vm0, $0xb8;
	[tilespmem:$0xC100] =	vst v63  }
0x95: {  	v3 =	vld [tilespmem:$0xA0];
	_ =	sdelay $0x4  }
0x96: {  	v62 =	vshrl.u32 v3, $0x3  }
0x97: {  	v4 =	vmul.u32 $0x30, v62  }
0x98: {  	v3 =	vand.u32 $0x7, v3  }
0x99: {  	v3 =	vor.u32 v3, v4  }
0x9a: {  	v4 =	vperm.xlane v3, v0;
	_ =	sdelay $0x1  }
0x9b: {  	v4 =	vadd.s32 v1, v4;
	_ =	sdelay $0x3  }
0x9c: {  	v3 =	vperm.xlane v3, v2  }
0x9d: {  	[hbm4b:s3+s2] =	stream.indirect_vreg.scatter [tilespmem:s20], [sflag:$0x1], $0x80, v4, vm0, $0xb8;
	[tilespmem:$0xC100] =	vst v63  }
0x9e: {  	v3 =	vadd.s32 v1, v3  }
0x9f: {  	[hbm4b:s4+s2] =	stream.indirect_vreg.scatter [tilespmem:s21], [sflag:$0x1], $0x80, v4, vm0, $0xb8;
	[tilespmem:$0xC100] =	vst v63  }
0xa0: {  	_ = 	snop  }
0xa1: {  	[hbm4b:s5+s2] =	stream.indirect_vreg.scatter [tilespmem:s22], [sflag:$0x1], $0x80, v4, vm0, $0xb8;
	[tilespmem:$0xC100] =	vst v63  }
0xa2: {  	_ = 	snop  }
0xa3: {  	[hbm4b:s3+s2] =	stream.indirect_vreg.scatter [tilespmem:s23], [sflag:$0x1], $0x80, v3, vm0, $0xb8;
	[tilespmem:$0xC100] =	vst v63  }
0xa4: {  	_ = 	snop  }
0xa5: {  	[hbm4b:s4+s2] =	stream.indirect_vreg.scatter [tilespmem:s24], [sflag:$0x1], $0x80, v3, vm0, $0xb8;
	[tilespmem:$0xC100] =	vst v63  }
0xa6: {  	_ = 	snop  }
0xa7: {  	[hbm4b:s5+s2] =	stream.indirect_vreg.scatter [tilespmem:s25], [sflag:$0x1], $0x80, v3, vm0, $0xb8;
	[tilespmem:$0xC100] =	vst v63  }
0xa8: {  	v3 =	vld [tilespmem:$0xB0];
	_ =	sdelay $0x4  }
0xa9: {  	v63 =	vshrl.u32 v3, $0x3  }
0xaa: {  	v4 =	vmul.u32 $0x30, v63  }
0xab: {  	v3 =	vand.u32 $0x7, v3  }
0xac: {  	v3 =	vor.u32 v3, v4  }
0xad: {  	v4 =	vperm.xlane v3, v0;
	_ =	sdelay $0x1  }
0xae: {  	v4 =	vadd.s32 v1, v4;
	_ =	sdelay $0x3  }
0xaf: {  	v3 =	vperm.xlane v3, v2  }
0xb0: {  	[hbm4b:s3+s2] =	stream.indirect_vreg.scatter [tilespmem:s26], [sflag:$0x1], $0x80, v4, vm0, $0xb8;
	[tilespmem:$0xC100] =	vst v63  }
0xb1: {  	v3 =	vadd.s32 v1, v3  }
0xb2: {  	[hbm4b:s4+s2] =	stream.indirect_vreg.scatter [tilespmem:s28], [sflag:$0x1], $0x80, v4, vm0, $0xb8;
	[tilespmem:$0xC100] =	vst v63  }
0xb3: {  	_ = 	snop  }
0xb4: {  	[hbm4b:s5+s2] =	stream.indirect_vreg.scatter [tilespmem:s29], [sflag:$0x1], $0x80, v4, vm0, $0xb8;
	[tilespmem:$0xC100] =	vst v63  }
0xb5: {  	_ = 	snop  }
0xb6: {  	[hbm4b:s3+s2] =	stream.indirect_vreg.scatter [tilespmem:s30], [sflag:$0x1], $0x80, v3, vm0, $0xb8;
	[tilespmem:$0xC100] =	vst v63  }
0xb7: {  	_ = 	snop  }
0xb8: {  	[hbm4b:s4+s2] =	stream.indirect_vreg.scatter [tilespmem:s31], [sflag:$0x1], $0x80, v3, vm0, $0xb8;
	[tilespmem:$0xC100] =	vst v63  }
0xb9: {  	_ = 	snop  }
0xba: {  	[hbm4b:s5+s2] =	stream.indirect_vreg.scatter [tilespmem:s1], [sflag:$0x1], $0x80, v3, vm0, $0xb8;
	[tilespmem:$0xC100] =	vst v63  }
0xbb: {  	p0 =	sne.s32 s6, $0x1;
	_ =	swait.ge [sflag:s8], $0xC000  }
.Ltmp0:
0xbc: {  	[sflag:s8] =	ssyncset.done $0x0;
	(pc) =	sbr.rel @p0 .LBB2_1-.Ltmp0, $4  }
0xbd: {  	[sflag:s8] =	ssyncadd.s32 $0xFFFF4000  }
0xbe: {  	_ =	swait.ge [sflag:s8], $0xC000  }
0xbf: {  	[sflag:s8] =	ssyncset.done $0x0  }
0xc0: {  	s6 =	sadd.s32 $0xFFFFFFFF, s6;
	[sflag:s8] =	ssyncadd.s32 $0xFFFF4000  }
0xc1: {  	_ =	sfence.sel $0x180000  }
0xc2: {  	[bflag:$0x0] =	sbarrier.arrive $0xFFFF  }
0xc3: {  	_ =	strace $0x90000047  }
0xc4: {  	s0 =	stileid.u32;
	[bflag:$0x2] =	sbarrier.arrive $0xFFFF  }
0xc5: {  	p0 =	sne.s32 s0, $0x0;
	s0 =	rddreg [dreg:$0x2]  }
0xc6: {  	s0 =	sadd.s32 @!p0 $0x100000, s0  }
0xc7: {  	[sflag:s0] =	ssyncadd.tile.s32 @!p0 $0x1;
	_ =	shalt  }
.Lfunc_end2:
_tile_overlayer_lowered:
.L_overlay_start_2:
0xc8: {  	(tag) =	ssettag $0x2  }
0xc9: {  	s0 =	rddreg [dreg:$0x0];
	s2 =	stileid.u32  }
0xca: {  	s1 =	rddreg [dreg:$0x1];
	p0 =	sne.s32 s2, $0x0  }
0xcb: {  	s3 =	rddreg [dreg:$0x2];
	[bflag:$0x3] =	sbarrier.arrive $0xFFFF;
	s2 =	simm.s32 @!p0 $0x1C02  }
0xcc: {  	[timem:s3], [sflag:s2] =	dma.local @!p0 [hbm:s0], s1  }
0xcd: {  	s0 =	simm.s32 @!p0 $0x2  }
0xce: {  	_ =	swait.ge @!p0 [sflag:s0], s1  }
0xcf: {  	s1 =	ssub.s32 @!p0 $0x0, s1;
	[sflag:s0] =	ssyncset.done @!p0 $0x0  }
0xd0: {  	[sflag:s0] =	ssyncadd.s32 @!p0 s1  }
0xd1: {  	[bflag:$0x3] =	sbarrier.arrive $0xFFFF  }
0xd2: {  	_ =	shalt  }

// kernel: kernel.9.cloned.1.call-start
scs
__scs_entry_jumppad:
0x0: {  	(pc) =	sbr.rel $0x88, $3  }
0x1: {  	(tag) =	ssettag $0x0;
	lr =	simm.s32 $0x1  }
0x2: {  	[smem:$0x3F9B] =	sst lr;
	_ =	strace $0xD0000000  }
0x3: {  	_ = 	snop  }
0x4: {  	_ = 	snop  }
0x5: {  	_ = 	snop  }
0x6: {  	_ = 	snop  }
0x7: {  	_ = 	snop  }
__scs_overlays_trampoline_lowered:
0x8: {  	[smem:$0x3FAA] =	sst s0  }
0x9: {  	[smem:$0x3FAB] =	sst s1  }
0xa: {  	[smem:$0x3FAC] =	sst s2  }
0xb: {  	[smem:$0x3FAD] =	sst s3  }
0xc: {  	[smem:$0x3FAE] =	sst s4  }
0xd: {  	[smem:$0x3FAF] =	sst s5  }
0xe: {  	[smem:$0x3FB0] =	sst s6  }
0xf: {  	[smem:$0x3FB1] =	sst s7  }
0x10: {  	[smem:$0x3FB2] =	sst s8  }
0x11: {  	[smem:$0x3FB3] =	sst s9;
	s0 =	simm.s32 @!p0 $0x0  }
0x12: {  	s1 =	sld [smem:$0x3F99];
	s0 =	simm.s32 @p0 $0x1  }
0x13: {  	[smem:$0x3FB4] =	sst s0;
	s0 =	simm.s32 @!p1 $0x0  }
0x14: {  	s2 =	sld [smem:$0x3F98];
	s0 =	simm.s32 @p1 $0x1  }
0x15: {  	[smem:$0x3FB5] =	sst s0;
	s0 =	simm.s32 @!p2 $0x0  }
0x16: {  	s3 =	sld [smem:$0x3FDB];
	s0 =	simm.s32 @p2 $0x1  }
0x17: {  	s4 =	simm.s32 $0x1BF5;
	[smem:$0x3FB7] =	sst s0  }
0x18: {  	s0 =	sld [smem:$0x3F9A];
	_ =	swait.ge [sflag:s4], $0x0  }
0x19: {  	s7 =	sld [smem:$0x3F9B]  }
0x1a: {  	s8 =	sadd.s32 $0xFFFFE003, lr  }
0x1b: {  	s9 =	sadd.s32 $0xFFFFFEF7, lr;
	s5 =	simm.s32 $0xFFFFFFFF;
	p2 =	slt.u32 s8, $0xFFFFF086  }
0x1c: {  	p1 =	slt.u32 s9, $0xF7A;
	s5 =	simm.s32 @!p2 $0x0  }
0x1d: {  	s5 =	simm.s32 @p1 $0x1;
	p0 =	seq.s32 s7, s2  }
0x1e: {  	s7 =	smul.u32 @!p0 $0xF7A, s2;
	p2 =	seq.s32 @!p0 s5, $0x0  }
0x1f: {  	s9 =	smul.u32 $0xF7A, s1;
	s8 =	simm.s32 @!p0 $0x1BF5;
	p2 =	por !p2, p0  }
0x20: {  	[sflag:s8] =	ssyncset.s32 @!p0 $0xFFFFF086;
	s6 =	sadd.s32 @!p0 s3, s7;
	s7 =	simm.s32 @!p0 $0x108  }
0x21: {  	s3 =	sadd.s32 s3, s9;
	s6 =	sadd.s32 @!p0 $0x88, s6;
	s7 =	simm.s32 @p2 $0x1082  }
0x22: {  	[simem:s7], [sflag:s8] =	dma.local @!p0 [hbm:s6], $0xF7A  }
0x23: {  	s9 =	sor.u32 $0xD0000000, s2;
	s6 =	simm.s32 $0x108;
	_ =	swait.ge @!p0 [sflag:s8], $0x0  }
0x24: {  	s3 =	sadd.s32 $0x88, s3;
	s6 =	simm.s32 @!p1 $0x1082;
	[sflag:s4] =	ssyncset.s32 $0xFFFFF086  }
0x25: {  	[simem:s6], [sflag:s4] =	dma.local [hbm:s3], $0xF7A  }
0x26: {  	[smem:$0x3F9B] =	sst s1;
	(tag) =	ssettag s2;
	_ =	strace s9  }
0x27: {  	s1 =	sld [smem:$0x3FAB]  }
0x28: {  	s2 =	sld [smem:$0x3FAC]  }
0x29: {  	s4 =	sld [smem:$0x3FAE]  }
0x2a: {  	p0 =	seq.s32 s5, $0x0;
	s5 =	sld [smem:$0x3FAF]  }
0x2b: {  	s6 =	sld [smem:$0x3FB0]  }
0x2c: {  	s7 =	sld [smem:$0x3FB1]  }
0x2d: {  	s3 =	simm.s32 $0x108;
	s8 =	sld [smem:$0x3FB2]  }
0x2e: {  	s3 =	simm.s32 @!p0 $0x1082;
	s9 =	sld [smem:$0x3FB3]  }
0x2f: {  	lr =	sadd.s32 s0, s3;
	s0 =	sld [smem:$0x3FAA]  }
0x30: {  	s3 =	sld [smem:$0x3FAD]  }
0x31: {  	[smem:$0x3FB6] =	sst s10  }
0x32: {  	s10 =	sld [smem:$0x3FB4];
	_ =	sdelay $0x3  }
0x33: {  	p0 =	seq.s32 s10, $0x1;
	s10 =	sld [smem:$0x3FB6];
	_ =	sdelay $0x3  }
0x34: {  	[smem:$0x3FB6] =	sst s10  }
0x35: {  	s10 =	sld [smem:$0x3FB5];
	_ =	sdelay $0x3  }
0x36: {  	p1 =	seq.s32 s10, $0x1;
	s10 =	sld [smem:$0x3FB6];
	_ =	sdelay $0x3  }
0x37: {  	[smem:$0x3FB6] =	sst s10  }
0x38: {  	s10 =	sld [smem:$0x3FB7]  }
0x39: {  	_ = 	snop;
	(pc) =	sbr.ind lr, $3  }
0x3a: {  	_ = 	snop  }
0x3b: {  	_ = 	snop  }
0x3c: {  	p2 =	seq.s32 s10, $0x1;
	s10 =	sld [smem:$0x3FB6]  }
0x3d: {  	_ =	shalt  }
0x3e: {  	_ =	shalt  }
0x3f: {  	_ =	shalt  }
0x40: {  	_ =	shalt  }
0x41: {  	_ =	shalt  }
0x42: {  	_ =	shalt  }
0x43: {  	_ =	shalt  }
0x44: {  	_ =	shalt  }
0x45: {  	_ =	shalt  }
0x46: {  	_ =	shalt  }
0x47: {  	_ =	shalt  }
0x48: {  	_ =	shalt  }
0x49: {  	_ =	shalt  }
0x4a: {  	_ =	shalt  }
0x4b: {  	_ =	shalt  }
0x4c: {  	_ =	shalt  }
0x4d: {  	_ =	shalt  }
0x4e: {  	_ =	shalt  }
0x4f: {  	_ =	shalt  }
0x50: {  	_ =	shalt  }
0x51: {  	_ =	shalt  }
0x52: {  	_ =	shalt  }
0x53: {  	_ =	shalt  }
0x54: {  	_ =	shalt  }
0x55: {  	_ =	shalt  }
0x56: {  	_ =	shalt  }
0x57: {  	_ =	shalt  }
0x58: {  	_ =	shalt  }
0x59: {  	_ =	shalt  }
0x5a: {  	_ =	shalt  }
0x5b: {  	_ =	shalt  }
0x5c: {  	_ =	shalt  }
0x5d: {  	_ =	shalt  }
0x5e: {  	_ =	shalt  }
0x5f: {  	_ =	shalt  }
0x60: {  	_ =	shalt  }
0x61: {  	_ =	shalt  }
0x62: {  	_ =	shalt  }
0x63: {  	_ =	shalt  }
0x64: {  	_ =	shalt  }
0x65: {  	_ =	shalt  }
0x66: {  	_ =	shalt  }
0x67: {  	_ =	shalt  }
0x68: {  	_ =	shalt  }
0x69: {  	_ =	shalt  }
0x6a: {  	_ =	shalt  }
0x6b: {  	_ =	shalt  }
0x6c: {  	_ =	shalt  }
0x6d: {  	_ =	shalt  }
0x6e: {  	_ =	shalt  }
0x6f: {  	_ =	shalt  }
0x70: {  	_ =	shalt  }
0x71: {  	_ =	shalt  }
0x72: {  	_ =	shalt  }
0x73: {  	_ =	shalt  }
0x74: {  	_ =	shalt  }
0x75: {  	_ =	shalt  }
0x76: {  	_ =	shalt  }
0x77: {  	_ =	shalt  }
0x78: {  	_ =	shalt  }
0x79: {  	_ =	shalt  }
0x7a: {  	_ =	shalt  }
0x7b: {  	_ =	shalt  }
0x7c: {  	_ =	shalt  }
0x7d: {  	_ =	shalt  }
0x7e: {  	_ =	shalt  }
0x7f: {  	_ =	shalt  }
0x80: {  	_ =	shalt  }
0x81: {  	_ =	shalt  }
0x82: {  	_ =	shalt  }
0x83: {  	_ =	shalt  }
0x84: {  	_ =	shalt  }
0x85: {  	_ =	shalt  }
0x86: {  	_ =	shalt  }
0x87: {  	_ =	shalt  }
.Lfunc_end0:
.L_simem_size_0:
called_computation.1_lowered:
.L_overlay_start_0:
0x88: {  	s2 =	sld [smem:$0x3FD9]  }
0x89: {  	s3 =	sld [smem:$0x3FFE];
	_ =	sdelay $0x1  }
0x8a: {  	s1 =	srdreg.scid  }
0x8b: {  	s0 =	sand.u32 $0x1, s1  }
0x8c: {  	s14 =	sshll.u32 s0, $0xA;
	s2 =	sadd.s32 s3, s2  }
0x8d: {  	s2 =	sadd.s32 s2, s14  }
0x8e: {  	[smem:$0x3FC2] =	sst s2  }
0x8f: {  	_ = 	snop  }
0x90: {  	s2 =	sld [smem:$0x3FD0];
	_ =	sdelay $0x2  }
0x91: {  	s15 =	simm.s32 $0xA;
	s4 =	simm.s32 $0x10  }
0x92: {  	[smem:s4], [sflag:s15] =	dma.local [hbm:s2], $0x1  }
0x93: {  	_ =	swait.eq [sflag:s15], $0x1  }
0x94: {  	[sflag:s15] =	ssyncset.done $0x0  }
0x95: {  	[sflag:s15] =	ssyncadd.s32 $0xFFFFFFFF  }
0x96: {  	s16 =	sld [smem:$0x10];
	(tm) =	ssettm $0x1  }
0x97: {  	s17 =	sld [smem:$0x3FFB];
	_ =	sdelay $0x3  }
0x98: {  	_ =	strace s17  }
0x99: {  	s3 =	sld [smem:$0x3FFC];
	_ =	sdelay $0x3  }
0x9a: {  	_ =	strace s3  }
0x9b: {  	s3 =	sld [smem:$0x3FFD];
	_ =	sdelay $0x3  }
0x9c: {  	_ =	strace s3  }
0x9d: {  	_ =	strace $0x8FFFFFFF  }
0x9e: {  	s18 =	sld [smem:$0x3FDB];
	_ =	sdelay $0x1  }
0x9f: {  	s19 =	simm.s32 $_scs_section_size  }
0xa0: {  	s5 =	simm.s32 $_size__tile_overlayer_lowered;
	s6 =	simm.s32 $_tile_overlayer_lowered  }
0xa1: {  	s22 =	simm.s32 $0x1BFF;
	s21 =	sshll.u32 s6, $0x1;
	s3 =	sadd.s32 s19, s18  }
0xa2: {  	s7 =	simm.s32 $0x0;
	s20 =	sshll.u32 s5, $0x1;
	s5 =	sadd.s32 s21, s3  }
0xa3: {  	[timem:s7], [sflag:s22] =	dma.local [hbm:s5], s20  }
0xa4: {  	_ =	swait.ge [sflag:s22], s20  }
0xa5: {  	s4 =	ssub.s32 $0x0, s20;
	[sflag:s22] =	ssyncset.done $0x0  }
0xa6: {  	[sflag:s22] =	ssyncadd.s32 s4;
	_ =	sdelay $0x1  }
0xa7: {  	s23 =	simm.s32 $0x1B8B  }
0xa8: {  	_ =	swait.ge [sflag:s23], $0x1  }
0xa9: {  	[sflag:s23] =	ssyncset.done $0x0  }
0xaa: {  	s25 =	simm.s32 $0x1B8E;
	s24 =	sld [smem:$0x3FFE];
	[sflag:s23] =	ssyncadd.s32 $0xFFFFFFFF  }
0xab: {  	s26 =	simm.s32 $execute0_lowered;
	[smem:$0x3FD2] =	sst s25  }
0xac: {  	s5 =	sshll.u32 s26, $0x1;
	_ =	strace $0x80000049;
	[dreg:$0x1] =	wrdreg $0xFFFFFFFF  }
0xad: {  	s28 =	simm.s32 $_size_execute0_lowered;
	s3 =	sadd.s32 s3, s5;
	[dreg:$0x0] =	wrdreg $0x0  }
0xae: {  	s5 =	sshll.u32 s28, $0x1;
	[dreg:$0x2] =	wrdreg s3  }
0xaf: {  	[dreg:$0x3] =	wrdreg s5  }
0xb0: {  	[dreg:$0x4] =	wrdreg $0xC0  }
0xb1: {  	_ =	task [dreg:s7], $0x5FFFF  }
0xb2: {  	[dreg:$0x1] =	wrdreg $0xFFFFFFFF  }
0xb3: {  	[dreg:$0x0] =	wrdreg $0x60  }
0xb4: {  	[dreg:$0x2] =	wrdreg s24  }
0xb5: {  	[dreg:$0x3] =	wrdreg s16  }
0xb6: {  	[dreg:$0x4] =	wrdreg $0x9  }
0xb7: {  	_ =	task.clear_ibuf [dreg:s7], $0x5FFFF;
	_ =	strace $0x90000049  }
0xb8: {  	s29 =	simm.s32 $0x9;
	_ =	strace $0x8000004B  }
0xb9: {  	_ =	swait.ge [sflag:s29], $0x1  }
0xba: {  	[sflag:s29] =	ssyncadd.s32 $0xFFFFFFFF  }
0xbb: {  	_ =	strace $0x9000004B  }
0xbc: {  	_ =	sfence  }
0xbd: {  	s30 =	sld [smem:$0x0];
	_ =	sdelay $0x2  }
0xbe: {  	s31 =	sshll.u32 s1, $0xD;
	s1 =	sshrl.u32 s1, $0x2  }
0xbf: {  	s3 =	sand.u32 $0x4000, s31;
	s1 =	sadd.s32 s1, s30  }
0xc0: {  	s0 =	sor.u32 s3, s0;
	s1 =	sshll.u32 s1, $0x11  }
0xc1: {  	s0 =	sor.u32 s1, s0  }
0xc2: {  	s0 =	sadd.s32 $0x8F2B, s0  }
0xc3: {  	[sflag:s0] =	ssyncadd.remote.s32 $0x1  }
0xc4: {  	_ =	sfence.sel $0xFFFF  }
0xc5: {  	[dreg:$0x0] =	wrdreg $0xFFFFFFFF;
	(pc) =	sbr.abs _section_cstart, $3  }
0xc6: {  	[dreg:$0x1] =	wrdreg $0xFFFFFFFF  }
0xc7: {  	_ =	task.clear_ibuf [dreg:s7], $0x2FFFF;
	_ =	strace $0x9FFFFFFF  }
0xc8: {  	(tm) =	ssettm $0x7FFFFFFF  }
0xc9: {  	_ =	shalt  }
tec
execute0_lowered:
.L_overlay_start_1:
0x0: {  	(tag) =	ssettag $0x1  }
0x1: {  	s0 =	rddreg [dreg:$0x0]  }
0x2: {  	s1 =	rddreg [dreg:$0x1];
	s3 =	srdreg.scid  }
0x3: {  	s2 =	simm.s32 $0x0;
	s5 =	stileid.u32;
	s13 =	simm.s32 $0x1  }
0x4: {  	s14 =	simm.s32 $0x4100;
	s12 =	simm.s32 $0x17100;
	s15 =	simm.s32 $0x17900  }
0x5: {  	s16 =	simm.s32 $0x18100;
	s17 =	simm.s32 $0x18900;
	s18 =	simm.s32 $0x19100  }
0x6: {  	s19 =	simm.s32 $0x19900;
	s20 =	simm.s32 $0x1A100;
	s21 =	simm.s32 $0x1A900  }
0x7: {  	s22 =	simm.s32 $0x1B100;
	s23 =	simm.s32 $0x1B900;
	s24 =	simm.s32 $0x2  }
0x8: {  	s25 =	simm.s32 $0x0;
	s4 =	sand.u32 $0x1, s3;
	[smem:$0x7FF] =	sst s2  }
0x9: {  	s30 =	sshll.u32 s5, $0x7;
	s3 =	sadd.s32 $0x11000, s0;
	s31 =	sshll.u32 s4, $0x6  }
0xa: {  	_ =	strace $0x8000004A;
	s4 =	ssub.s32 $0x2, s4;
	s5 =	sor.u32 s31, s30  }
0xb: {  	s8 =	sshrl.u32 s4, $0x1;
	s7 =	sshrl.u32 s5, $0x3;
	s5 =	sshll.u32 s5, $0x4  }
0xc: {  	s11 =	ssub.s32 s4, s8;
	s8 =	sadd.s32 $0x11100, s0;
	s6 =	sadd.s32 s7, s0  }
0xd: {  	v2 =	vlaneseq.u32;
	s9 =	sadd.s32 s5, s0;
	s10 =	smul.u32 $0x300, s7;
	s11 =	smax.u32 s11, $0x1  }
0xe: {  	vm0 =	vmmov $0xffff;
	v1 =	vshrl.u32 v2, $0x3;
	s4 =	sadd.s32 $0x10C00, s6;
	s5 =	sadd.s32 $0x10E00, s6;
	s6 =	sadd.s32 $0xC00, s9  }
0xf: {  	v0 =	vand.u32 $0x7, v2;
	v2 =	vor.u32 $0x8, v2;
	v1 =	vmul.u32 $0x8, v1;
	s7 =	sadd.s32 $0x8C00, s9;
	s9 =	sadd.s32 $0x11200, s0;
	s10 =	sadd.s32 s1, s10  }
.LBB2_1:
0x10: {  	[tilespmem:s2], [sflag:$0x1] =	stream.linear.gather [hbm4b:s4+s2], $0x40, $0x38;
	[tilespmem:$0x1C100] =	vst v63  }
0x11: {  	s0 =	simm.s32 $0x80  }
0x12: {  	[tilespmem:s0], [sflag:$0x1] =	stream.linear.gather [hbm4b:s5+s2], $0x40, $0x38;
	[tilespmem:$0x1C100] =	vst v63  }
0x13: {  	s26 =	simm.s32 $0x100  }
0x14: {  	[tilespmem:s26], [sflag:$0x1] =	stream.linear.gather [hbm4b:s6+s2], $0x2000, $0x38;
	[tilespmem:$0x1C100] =	vst v63  }
0x15: {  	s28 =	simm.s32 $0x2100  }
0x16: {  	[tilespmem:s28], [sflag:$0x1] =	stream.linear.gather [hbm4b:s7+s2], $0x2000, $0x38;
	[tilespmem:$0x1C100] =	vst v63  }
0x17: {  	_ =	swait.ge [sflag:s13], $0x40  }
0x18: {  	[sflag:s13] =	ssyncset.done $0x0  }
0x19: {  	[sflag:s13] =	ssyncadd.s32 $0xFFFFFFC0  }
0x1a: {  	_ =	swait.ge [sflag:s13], $0x40  }
0x1b: {  	[sflag:s13] =	ssyncset.done $0x0  }
0x1c: {  	[sflag:s13] =	ssyncadd.s32 $0xFFFFFFC0  }
0x1d: {  	_ =	swait.ge [sflag:s13], $0x2000  }
0x1e: {  	[sflag:s13] =	ssyncset.done $0x0  }
0x1f: {  	[sflag:s13] =	ssyncadd.s32 $0xFFFFE000  }
0x20: {  	_ =	swait.ge [sflag:s13], $0x2000  }
0x21: {  	[sflag:s13] =	ssyncset.done $0x0  }
0x22: {  	[sflag:s13] =	ssyncadd.s32 $0xFFFFE000  }
0x23: {  	v3 =	vld [tilespmem:$0x0];
	_ =	sdelay $0x4  }
0x24: {  	v4 =	vshrl.u32 v3, $0x3  }
0x25: {  	v4 =	vmul.u32 $0x30, v4  }
0x26: {  	v3 =	vand.u32 $0x7, v3  }
0x27: {  	v3 =	vor.u32 v3, v4  }
0x28: {  	v4 =	vperm.xlane v3, v0;
	_ =	sdelay $0x1  }
0x29: {  	v4 =	vadd.s32 v1, v4;
	_ =	sdelay $0x3  }
0x2a: {  	v3 =	vperm.xlane v3, v2  }
0x2b: {  	[tilespmem:s14], [sflag:$0x1] =	stream.indirect_vreg.gather [hbm4b:s3+s2], $0x80, v4, vm0, $0xb8;
	[tilespmem:$0x1C100] =	vst v63  }
0x2c: {  	s1 =	simm.s32 $0x4900;
	v3 =	vadd.s32 v1, v3  }
0x2d: {  	[tilespmem:s1], [sflag:$0x1] =	stream.indirect_vreg.gather [hbm4b:s8+s2], $0x80, v4, vm0, $0xb8;
	[tilespmem:$0x1C100] =	vst v63  }
0x2e: {  	s1 =	simm.s32 $0x5100  }
0x2f: {  	[tilespmem:s1], [sflag:$0x1] =	stream.indirect_vreg.gather [hbm4b:s9+s2], $0x80, v4, vm0, $0xb8;
	[tilespmem:$0x1C100] =	vst v63  }
0x30: {  	s1 =	simm.s32 $0x5900  }
0x31: {  	[tilespmem:s1], [sflag:$0x1] =	stream.indirect_vreg.gather [hbm4b:s3+s2], $0x80, v3, vm0, $0xb8;
	[tilespmem:$0x1C100] =	vst v63  }
0x32: {  	s1 =	simm.s32 $0x6100  }
0x33: {  	[tilespmem:s1], [sflag:$0x1] =	stream.indirect_vreg.gather [hbm4b:s8+s2], $0x80, v3, vm0, $0xb8;
	[tilespmem:$0x1C100] =	vst v63  }
0x34: {  	s1 =	simm.s32 $0x6900  }
0x35: {  	[tilespmem:s1], [sflag:$0x1] =	stream.indirect_vreg.gather [hbm4b:s9+s2], $0x80, v3, vm0, $0xb8;
	[tilespmem:$0x1C100] =	vst v63  }
0x36: {  	v3 =	vld [tilespmem:$0x10];
	_ =	sdelay $0x4  }
0x37: {  	v4 =	vshrl.u32 v3, $0x3  }
0x38: {  	v4 =	vmul.u32 $0x30, v4  }
0x39: {  	v3 =	vand.u32 $0x7, v3  }
0x3a: {  	v3 =	vor.u32 v3, v4  }
0x3b: {  	v4 =	vperm.xlane v3, v0;
	_ =	sdelay $0x1  }
0x3c: {  	v4 =	vadd.s32 v1, v4;
	_ =	sdelay $0x3  }
0x3d: {  	s1 =	simm.s32 $0x7100;
	v3 =	vperm.xlane v3, v2  }
0x3e: {  	[tilespmem:s1], [sflag:$0x1] =	stream.indirect_vreg.gather [hbm4b:s3+s2], $0x80, v4, vm0, $0xb8;
	[tilespmem:$0x1C100] =	vst v63  }
0x3f: {  	v3 =	vadd.s32 v1, v3;
	s1 =	simm.s32 $0x7900  }
0x40: {  	[tilespmem:s1], [sflag:$0x1] =	stream.indirect_vreg.gather [hbm4b:s8+s2], $0x80, v4, vm0, $0xb8;
	[tilespmem:$0x1C100] =	vst v63  }
0x41: {  	s1 =	simm.s32 $0x8100  }
0x42: {  	[tilespmem:s1], [sflag:$0x1] =	stream.indirect_vreg.gather [hbm4b:s9+s2], $0x80, v4, vm0, $0xb8;
	[tilespmem:$0x1C100] =	vst v63  }
0x43: {  	s1 =	simm.s32 $0x8900  }
0x44: {  	[tilespmem:s1], [sflag:$0x1] =	stream.indirect_vreg.gather [hbm4b:s3+s2], $0x80, v3, vm0, $0xb8;
	[tilespmem:$0x1C100] =	vst v63  }
0x45: {  	s1 =	simm.s32 $0x9100  }
0x46: {  	[tilespmem:s1], [sflag:$0x1] =	stream.indirect_vreg.gather [hbm4b:s8+s2], $0x80, v3, vm0, $0xb8;
	[tilespmem:$0x1C100] =	vst v63  }
0x47: {  	s1 =	simm.s32 $0x9900  }
0x48: {  	[tilespmem:s1], [sflag:$0x1] =	stream.indirect_vreg.gather [hbm4b:s9+s2], $0x80, v3, vm0, $0xb8;
	[tilespmem:$0x1C100] =	vst v63  }
0x49: {  	v3 =	vld [tilespmem:$0x20];
	_ =	sdelay $0x4  }
0x4a: {  	v4 =	vshrl.u32 v3, $0x3  }
0x4b: {  	v4 =	vmul.u32 $0x30, v4  }
0x4c: {  	v3 =	vand.u32 $0x7, v3  }
0x4d: {  	v3 =	vor.u32 v3, v4  }
0x4e: {  	v4 =	vperm.xlane v3, v0;
	_ =	sdelay $0x1  }
0x4f: {  	v4 =	vadd.s32 v1, v4;
	_ =	sdelay $0x3  }
0x50: {  	s1 =	simm.s32 $0xA100;
	v3 =	vperm.xlane v3, v2  }
0x51: {  	[tilespmem:s1], [sflag:$0x1] =	stream.indirect_vreg.gather [hbm4b:s3+s2], $0x80, v4, vm0, $0xb8;
	[tilespmem:$0x1C100] =	vst v63  }
0x52: {  	v3 =	vadd.s32 v1, v3;
	s1 =	simm.s32 $0xA900  }
0x53: {  	[tilespmem:s1], [sflag:$0x1] =	stream.indirect_vreg.gather [hbm4b:s8+s2], $0x80, v4, vm0, $0xb8;
	[tilespmem:$0x1C100] =	vst v63  }
0x54: {  	s1 =	simm.s32 $0xB100  }
0x55: {  	[tilespmem:s1], [sflag:$0x1] =	stream.indirect_vreg.gather [hbm4b:s9+s2], $0x80, v4, vm0, $0xb8;
	[tilespmem:$0x1C100] =	vst v63  }
0x56: {  	s1 =	simm.s32 $0xB900  }
0x57: {  	[tilespmem:s1], [sflag:$0x1] =	stream.indirect_vreg.gather [hbm4b:s3+s2], $0x80, v3, vm0, $0xb8;
	[tilespmem:$0x1C100] =	vst v63  }
0x58: {  	s1 =	simm.s32 $0xC100  }
0x59: {  	[tilespmem:s1], [sflag:$0x1] =	stream.indirect_vreg.gather [hbm4b:s8+s2], $0x80, v3, vm0, $0xb8;
	[tilespmem:$0x1C100] =	vst v63  }
0x5a: {  	s1 =	simm.s32 $0xC900  }
0x5b: {  	[tilespmem:s1], [sflag:$0x1] =	stream.indirect_vreg.gather [hbm4b:s9+s2], $0x80, v3, vm0, $0xb8;
	[tilespmem:$0x1C100] =	vst v63  }
0x5c: {  	v3 =	vld [tilespmem:$0x30];
	_ =	sdelay $0x4  }
0x5d: {  	v4 =	vshrl.u32 v3, $0x3  }
0x5e: {  	v4 =	vmul.u32 $0x30, v4  }
0x5f: {  	v3 =	vand.u32 $0x7, v3  }
0x60: {  	v3 =	vor.u32 v3, v4  }
0x61: {  	v4 =	vperm.xlane v3, v0;
	_ =	sdelay $0x1  }
0x62: {  	v4 =	vadd.s32 v1, v4;
	_ =	sdelay $0x3  }
0x63: {  	s1 =	simm.s32 $0xD100;
	v3 =	vperm.xlane v3, v2  }
0x64: {  	[tilespmem:s1], [sflag:$0x1] =	stream.indirect_vreg.gather [hbm4b:s3+s2], $0x80, v4, vm0, $0xb8;
	[tilespmem:$0x1C100] =	vst v63  }
0x65: {  	v3 =	vadd.s32 v1, v3;
	s1 =	simm.s32 $0xD900  }
0x66: {  	[tilespmem:s1], [sflag:$0x1] =	stream.indirect_vreg.gather [hbm4b:s8+s2], $0x80, v4, vm0, $0xb8;
	[tilespmem:$0x1C100] =	vst v63  }
0x67: {  	s1 =	simm.s32 $0xE100  }
0x68: {  	[tilespmem:s1], [sflag:$0x1] =	stream.indirect_vreg.gather [hbm4b:s9+s2], $0x80, v4, vm0, $0xb8;
	[tilespmem:$0x1C100] =	vst v63  }
0x69: {  	s1 =	simm.s32 $0xE900  }
0x6a: {  	[tilespmem:s1], [sflag:$0x1] =	stream.indirect_vreg.gather [hbm4b:s3+s2], $0x80, v3, vm0, $0xb8;
	[tilespmem:$0x1C100] =	vst v63  }
0x6b: {  	s1 =	simm.s32 $0xF100  }
0x6c: {  	[tilespmem:s1], [sflag:$0x1] =	stream.indirect_vreg.gather [hbm4b:s8+s2], $0x80, v3, vm0, $0xb8;
	[tilespmem:$0x1C100] =	vst v63  }
0x6d: {  	s1 =	simm.s32 $0xF900  }
0x6e: {  	[tilespmem:s1], [sflag:$0x1] =	stream.indirect_vreg.gather [hbm4b:s9+s2], $0x80, v3, vm0, $0xb8;
	[tilespmem:$0x1C100] =	vst v63  }
0x6f: {  	v3 =	vld [tilespmem:$0x80];
	_ =	sdelay $0x4  }
0x70: {  	v4 =	vshrl.u32 v3, $0x3  }
0x71: {  	v4 =	vmul.u32 $0x30, v4  }
0x72: {  	v3 =	vand.u32 $0x7, v3  }
0x73: {  	v3 =	vor.u32 v3, v4  }
0x74: {  	v4 =	vperm.xlane v3, v0;
	_ =	sdelay $0x1  }
0x75: {  	v4 =	vadd.s32 v1, v4;
	_ =	sdelay $0x3  }
0x76: {  	s1 =	simm.s32 $0x10100;
	v3 =	vperm.xlane v3, v2  }
0x77: {  	[tilespmem:s1], [sflag:$0x1] =	stream.indirect_vreg.gather [hbm4b:s3+s2], $0x80, v4, vm0, $0xb8;
	[tilespmem:$0x1C100] =	vst v63  }
0x78: {  	v3 =	vadd.s32 v1, v3;
	s1 =	simm.s32 $0x10900  }
0x79: {  	[tilespmem:s1], [sflag:$0x1] =	stream.indirect_vreg.gather [hbm4b:s8+s2], $0x80, v4, vm0, $0xb8;
	[tilespmem:$0x1C100] =	vst v63  }
0x7a: {  	s1 =	simm.s32 $0x11100  }
0x7b: {  	[tilespmem:s1], [sflag:$0x1] =	stream.indirect_vreg.gather [hbm4b:s9+s2], $0x80, v4, vm0, $0xb8;
	[tilespmem:$0x1C100] =	vst v63  }
0x7c: {  	s1 =	simm.s32 $0x11900  }
0x7d: {  	[tilespmem:s1], [sflag:$0x1] =	stream.indirect_vreg.gather [hbm4b:s3+s2], $0x80, v3, vm0, $0xb8;
	[tilespmem:$0x1C100] =	vst v63  }
0x7e: {  	s1 =	simm.s32 $0x12100  }
0x7f: {  	[tilespmem:s1], [sflag:$0x1] =	stream.indirect_vreg.gather [hbm4b:s8+s2], $0x80, v3, vm0, $0xb8;
	[tilespmem:$0x1C100] =	vst v63  }
0x80: {  	s1 =	simm.s32 $0x12900  }
0x81: {  	[tilespmem:s1], [sflag:$0x1] =	stream.indirect_vreg.gather [hbm4b:s9+s2], $0x80, v3, vm0, $0xb8;
	[tilespmem:$0x1C100] =	vst v63  }
0x82: {  	v3 =	vld [tilespmem:$0x90];
	_ =	sdelay $0x4  }
0x83: {  	v4 =	vshrl.u32 v3, $0x3  }
0x84: {  	v4 =	vmul.u32 $0x30, v4  }
0x85: {  	v3 =	vand.u32 $0x7, v3  }
0x86: {  	v3 =	vor.u32 v3, v4  }
0x87: {  	v4 =	vperm.xlane v3, v0;
	_ =	sdelay $0x1  }
0x88: {  	v4 =	vadd.s32 v1, v4;
	_ =	sdelay $0x3  }
0x89: {  	s1 =	simm.s32 $0x13100;
	v3 =	vperm.xlane v3, v2  }
0x8a: {  	[tilespmem:s1], [sflag:$0x1] =	stream.indirect_vreg.gather [hbm4b:s3+s2], $0x80, v4, vm0, $0xb8;
	[tilespmem:$0x1C100] =	vst v63  }
0x8b: {  	v3 =	vadd.s32 v1, v3;
	s1 =	simm.s32 $0x13900  }
0x8c: {  	[tilespmem:s1], [sflag:$0x1] =	stream.indirect_vreg.gather [hbm4b:s8+s2], $0x80, v4, vm0, $0xb8;
	[tilespmem:$0x1C100] =	vst v63  }
0x8d: {  	s1 =	simm.s32 $0x14100  }
0x8e: {  	[tilespmem:s1], [sflag:$0x1] =	stream.indirect_vreg.gather [hbm4b:s9+s2], $0x80, v4, vm0, $0xb8;
	[tilespmem:$0x1C100] =	vst v63  }
0x8f: {  	s1 =	simm.s32 $0x14900  }
0x90: {  	[tilespmem:s1], [sflag:$0x1] =	stream.indirect_vreg.gather [hbm4b:s3+s2], $0x80, v3, vm0, $0xb8;
	[tilespmem:$0x1C100] =	vst v63  }
0x91: {  	s1 =	simm.s32 $0x15100  }
0x92: {  	[tilespmem:s1], [sflag:$0x1] =	stream.indirect_vreg.gather [hbm4b:s8+s2], $0x80, v3, vm0, $0xb8;
	[tilespmem:$0x1C100] =	vst v63  }
0x93: {  	s1 =	simm.s32 $0x15900  }
0x94: {  	[tilespmem:s1], [sflag:$0x1] =	stream.indirect_vreg.gather [hbm4b:s9+s2], $0x80, v3, vm0, $0xb8;
	[tilespmem:$0x1C100] =	vst v63  }
0x95: {  	v3 =	vld [tilespmem:$0xA0];
	_ =	sdelay $0x4  }
0x96: {  	v4 =	vshrl.u32 v3, $0x3  }
0x97: {  	v4 =	vmul.u32 $0x30, v4  }
0x98: {  	v3 =	vand.u32 $0x7, v3  }
0x99: {  	v3 =	vor.u32 v3, v4  }
0x9a: {  	v4 =	vperm.xlane v3, v0;
	_ =	sdelay $0x1  }
0x9b: {  	v4 =	vadd.s32 v1, v4;
	_ =	sdelay $0x3  }
0x9c: {  	s1 =	simm.s32 $0x16100;
	v3 =	vperm.xlane v3, v2  }
0x9d: {  	[tilespmem:s1], [sflag:$0x1] =	stream.indirect_vreg.gather [hbm4b:s3+s2], $0x80, v4, vm0, $0xb8;
	[tilespmem:$0x1C100] =	vst v63  }
0x9e: {  	v3 =	vadd.s32 v1, v3;
	s1 =	simm.s32 $0x16900  }
0x9f: {  	[tilespmem:s1], [sflag:$0x1] =	stream.indirect_vreg.gather [hbm4b:s8+s2], $0x80, v4, vm0, $0xb8;
	[tilespmem:$0x1C100] =	vst v63  }
0xa0: {  	_ = 	snop  }
0xa1: {  	[tilespmem:s12], [sflag:$0x1] =	stream.indirect_vreg.gather [hbm4b:s9+s2], $0x80, v4, vm0, $0xb8;
	[tilespmem:$0x1C100] =	vst v63  }
0xa2: {  	_ = 	snop  }
0xa3: {  	[tilespmem:s15], [sflag:$0x1] =	stream.indirect_vreg.gather [hbm4b:s3+s2], $0x80, v3, vm0, $0xb8;
	[tilespmem:$0x1C100] =	vst v63  }
0xa4: {  	_ = 	snop  }
0xa5: {  	[tilespmem:s16], [sflag:$0x1] =	stream.indirect_vreg.gather [hbm4b:s8+s2], $0x80, v3, vm0, $0xb8;
	[tilespmem:$0x1C100] =	vst v63  }
0xa6: {  	_ = 	snop  }
0xa7: {  	[tilespmem:s17], [sflag:$0x1] =	stream.indirect_vreg.gather [hbm4b:s9+s2], $0x80, v3, vm0, $0xb8;
	[tilespmem:$0x1C100] =	vst v63  }
0xa8: {  	v3 =	vld [tilespmem:$0xB0];
	_ =	sdelay $0x4  }
0xa9: {  	v4 =	vshrl.u32 v3, $0x3  }
0xaa: {  	v4 =	vmul.u32 $0x30, v4  }
0xab: {  	v3 =	vand.u32 $0x7, v3  }
0xac: {  	v3 =	vor.u32 v3, v4  }
0xad: {  	v4 =	vperm.xlane v3, v0;
	_ =	sdelay $0x1  }
0xae: {  	v4 =	vadd.s32 v1, v4;
	_ =	sdelay $0x3  }
0xaf: {  	v3 =	vperm.xlane v3, v2  }
0xb0: {  	[tilespmem:s18], [sflag:$0x1] =	stream.indirect_vreg.gather [hbm4b:s3+s2], $0x80, v4, vm0, $0xb8;
	[tilespmem:$0x1C100] =	vst v63  }
0xb1: {  	v3 =	vadd.s32 v1, v3  }
0xb2: {  	[tilespmem:s19], [sflag:$0x1] =	stream.indirect_vreg.gather [hbm4b:s8+s2], $0x80, v4, vm0, $0xb8;
	[tilespmem:$0x1C100] =	vst v63  }
0xb3: {  	_ = 	snop  }
0xb4: {  	[tilespmem:s20], [sflag:$0x1] =	stream.indirect_vreg.gather [hbm4b:s9+s2], $0x80, v4, vm0, $0xb8;
	[tilespmem:$0x1C100] =	vst v63  }
0xb5: {  	_ = 	snop  }
0xb6: {  	[tilespmem:s21], [sflag:$0x1] =	stream.indirect_vreg.gather [hbm4b:s3+s2], $0x80, v3, vm0, $0xb8;
	[tilespmem:$0x1C100] =	vst v63  }
0xb7: {  	_ = 	snop  }
0xb8: {  	[tilespmem:s22], [sflag:$0x1] =	stream.indirect_vreg.gather [hbm4b:s8+s2], $0x80, v3, vm0, $0xb8;
	[tilespmem:$0x1C100] =	vst v63  }
0xb9: {  	_ = 	snop  }
0xba: {  	[tilespmem:s23], [sflag:$0x1] =	stream.indirect_vreg.gather [hbm4b:s9+s2], $0x80, v3, vm0, $0xb8;
	[tilespmem:$0x1C100] =	vst v63  }
0xbb: {  	_ =	swait.ge [sflag:s13], $0xC000  }
0xbc: {  	[sflag:s13] =	ssyncset.done $0x0  }
0xbd: {  	s29 =	simm.s32 $0x0;
	[sflag:s13] =	ssyncadd.s32 $0xFFFF4000  }
0xbe: {  	s29 =	smul.u32 $0x1800, s29;
	_ =	swait.ge [sflag:s13], $0xC000  }
0xbf: {  	s30 =	sand.u32 $0x380, s2;
	[sflag:s13] =	ssyncset.done $0x0  }
0xc0: {  	s31 =	sor.u32 s30, s29;
	[sflag:s13] =	ssyncadd.s32 $0xFFFF4000  }
0xc1: {  	v4 =	vld [tilespmem:s31+$0x4110]  }
0xc2: {  	v3 =	vld [tilespmem:s31+$0x10110]  }
0xc3: {  	v6 =	vld [tilespmem:s31+$0x4120]  }
0xc4: {  	v5 =	vld [tilespmem:s31+$0x10120]  }
0xc5: {  	v10 =	vld [tilespmem:s31+$0x4130]  }
0xc6: {  	v9 =	vld [tilespmem:s31+$0x10130]  }
0xc7: {  	v12 =	vld [tilespmem:s31+$0x4140]  }
0xc8: {  	v11 =	vld [tilespmem:s31+$0x10140]  }
0xc9: {  	v13 =	vld [tilespmem:s31+$0x4160]  }
0xca: {  	v14 =	vld [tilespmem:s31+$0x4170]  }
0xcb: {  	v15 =	vld [tilespmem:s31+$0x4500]  }
0xcc: {  	v16 =	vld [tilespmem:s31+$0x4510]  }
0xcd: {  	v17 =	vld [tilespmem:s31+$0x4520]  }
0xce: {  	v18 =	vld [tilespmem:s31+$0x4530]  }
0xcf: {  	v19 =	vld [tilespmem:s31+$0x4540]  }
0xd0: {  	v20 =	vld [tilespmem:s31+$0x4550]  }
0xd1: {  	v21 =	vld [tilespmem:s31+$0x4560]  }
0xd2: {  	v22 =	vld [tilespmem:s31+$0x4570]  }
0xd3: {  	v23 =	vld [tilespmem:s31+$0x4900]  }
0xd4: {  	v24 =	vld [tilespmem:s31+$0x4910]  }
0xd5: {  	v25 =	vld [tilespmem:s31+$0x4920]  }
0xd6: {  	v26 =	vld [tilespmem:s31+$0x4930]  }
0xd7: {  	v27 =	vld [tilespmem:s31+$0x4940]  }
0xd8: {  	v28 =	vld [tilespmem:s31+$0x4950]  }
0xd9: {  	v29 =	vld [tilespmem:s31+$0x4960]  }
0xda: {  	v30 =	vld [tilespmem:s31+$0x4970]  }
0xdb: {  	v31 =	vld [tilespmem:s31+$0x4D00]  }
0xdc: {  	v32 =	vld [tilespmem:s31+$0x4D10]  }
0xdd: {  	v33 =	vld [tilespmem:s31+$0x4D20]  }
0xde: {  	v34 =	vld [tilespmem:s31+$0x4D30]  }
0xdf: {  	v35 =	vld [tilespmem:s31+$0x4D40]  }
0xe0: {  	v36 =	vld [tilespmem:s31+$0x4D50]  }
0xe1: {  	v37 =	vld [tilespmem:s31+$0x4D60]  }
0xe2: {  	v38 =	vld [tilespmem:s31+$0x4D70]  }
0xe3: {  	v39 =	vld [tilespmem:s31+$0x5100]  }
0xe4: {  	v40 =	vld [tilespmem:s31+$0x5110]  }
0xe5: {  	v41 =	vld [tilespmem:s31+$0x5120]  }
0xe6: {  	v42 =	vld [tilespmem:s31+$0x5130]  }
0xe7: {  	v43 =	vld [tilespmem:s31+$0x5140]  }
0xe8: {  	v44 =	vld [tilespmem:s31+$0x5150]  }
0xe9: {  	v45 =	vld [tilespmem:s31+$0x5160]  }
0xea: {  	v46 =	vld [tilespmem:s31+$0x5500]  }
0xeb: {  	v47 =	vld [tilespmem:s31+$0x5510]  }
0xec: {  	v48 =	vld [tilespmem:s31+$0x11510]  }
0xed: {  	v49 =	vld [tilespmem:s31+$0x11530]  }
0xee: {  	v50 =	vld [tilespmem:s31+$0x5530]  }
0xef: {  	v51 =	vld [tilespmem:s31+$0x5520]  }
0xf0: {  	v7 =	vld [tilespmem:s26+$0x0]  }
0xf1: {  	v8 =	vld [tilespmem:s28+$0x0]  }
0xf2: {  	v52 =	vld [tilespmem:s31+$0x11520]  }
0xf3: {  	v53 =	vld [tilespmem:s31+$0x11500]  }
0xf4: {  	v54 =	vld [tilespmem:s31+$0x5170]  }
0xf5: {  	v55 =	vld [tilespmem:s31+$0x11170];
	v50 =	vmul.f32 v50, v7  }
0xf6: {  	v56 =	vld [tilespmem:s31+$0x11160];
	v49 =	vmul.f32 v49, v8;
	v51 =	vmul.f32 v51, v7  }
0xf7: {  	v57 =	vld [tilespmem:s31+$0x11150];
	v52 =	vmul.f32 v52, v8;
	v47 =	vmul.f32 v47, v7  }
0xf8: {  	v61 =	vld [tilespmem:s31+$0x11100];
	v48 =	vmul.f32 v48, v8;
	v46 =	vmul.f32 v46, v7  }
0xf9: {  	v58 =	vld [tilespmem:s31+$0x11140];
	v62 =	vmul.f32 v53, v8;
	v63 =	vmul.f32 v54, v7;
	v49 =	vadd.f32 v49, v50  }
0xfa: {  	v53 =	vld [tilespmem:s31+$0x11130];
	v59 =	vmul.f32 v55, v8;
	v45 =	vmul.f32 v45, v7;
	v51 =	vadd.f32 v52, v51  }
0xfb: {  	v60 =	vmul.f32 v56, v8;
	v44 =	vmul.f32 v44, v7;
	v56 =	vld [tilespmem:s31+$0x10D60];
	v47 =	vadd.f32 v48, v47;
	[tilespmem:s31+$0x5530] =	vst v49  }
0xfc: {  	v43 =	vmul.f32 v43, v7;
	v39 =	vmul.f32 v39, v7;
	v55 =	vld [tilespmem:s31+$0x10970];
	v46 =	vadd.f32 v62, v46;
	[tilespmem:s31+$0x5520] =	vst v51  }
0xfd: {  	v61 =	vmul.f32 v61, v8;
	v12 =	vmul.f32 v12, v7;
	v48 =	vld [tilespmem:s31+$0x11120];
	v52 =	vadd.f32 v59, v63;
	[tilespmem:s31+$0x5510] =	vst v47  }
0xfe: {  	v11 =	vmul.f32 v11, v8;
	v63 =	vmul.f32 v58, v8;
	v45 =	vadd.f32 v60, v45;
	v58 =	vld [tilespmem:s31+$0x10D50];
	[tilespmem:s31+$0x5500] =	vst v46  }
0xff: {  	v42 =	vmul.f32 v42, v7;
	v62 =	vmul.f32 v57, v8;
	v59 =	vld [tilespmem:s31+$0x10D40];
	v39 =	vadd.f32 v61, v39;
	[tilespmem:s31+$0x5170] =	vst v52  }
0x100: {  	v41 =	vmul.f32 v41, v7;
	v40 =	vmul.f32 v40, v7;
	v60 =	vld [tilespmem:s31+$0x10D30];
	v11 =	vadd.f32 v11, v12;
	[tilespmem:s31+$0x5160] =	vst v45  }
0x101: {  	v38 =	vmul.f32 v38, v7;
	v61 =	vld [tilespmem:s31+$0x10910];
	v44 =	vadd.f32 v62, v44;
	[tilespmem:s31+$0x5100] =	vst v39;
	v57 =	vmul.f32 v53, v8  }
0x102: {  	v37 =	vmul.f32 v37, v7;
	v49 =	vld [tilespmem:s31+$0x11110];
	v43 =	vadd.f32 v63, v43;
	[tilespmem:s31+$0x4140] =	vst v11;
	v46 =	vmul.f32 v56, v8  }
0x103: {  	v36 =	vmul.f32 v36, v7;
	v47 =	vld [tilespmem:s31+$0x10D70];
	[tilespmem:s31+$0x5150] =	vst v44;
	v48 =	vmul.f32 v48, v8;
	v42 =	vadd.f32 v57, v42  }
0x104: {  	v35 =	vmul.f32 v35, v7;
	v62 =	vld [tilespmem:s31+$0x10D20];
	[tilespmem:s31+$0x5140] =	vst v43;
	v54 =	vmul.f32 v58, v8;
	v37 =	vadd.f32 v46, v37  }
0x105: {  	v34 =	vmul.f32 v34, v7;
	v63 =	vld [tilespmem:s31+$0x10D10];
	v45 =	vmul.f32 v59, v8;
	v41 =	vadd.f32 v48, v41;
	[tilespmem:s31+$0x5130] =	vst v42  }
0x106: {  	v33 =	vmul.f32 v33, v7;
	v56 =	vld [tilespmem:s31+$0x10960];
	v44 =	vmul.f32 v60, v8;
	v36 =	vadd.f32 v54, v36;
	[tilespmem:s31+$0x4D60] =	vst v37  }
0x107: {  	v32 =	vmul.f32 v32, v7;
	v53 =	vld [tilespmem:s31+$0x10D00];
	v49 =	vmul.f32 v49, v8;
	v35 =	vadd.f32 v45, v35;
	[tilespmem:s31+$0x5120] =	vst v41  }
0x108: {  	v6 =	vmul.f32 v6, v7;
	v12 =	vld [tilespmem:s31+$0x5560];
	v47 =	vmul.f32 v47, v8;
	v34 =	vadd.f32 v44, v34;
	[tilespmem:s31+$0x4D50] =	vst v36  }
0x109: {  	v5 =	vmul.f32 v5, v8;
	v58 =	vld [tilespmem:s31+$0x10940];
	v43 =	vmul.f32 v62, v8;
	v40 =	vadd.f32 v49, v40;
	[tilespmem:s31+$0x4D40] =	vst v35  }
0x10a: {  	v29 =	vmul.f32 v29, v7;
	v59 =	vld [tilespmem:s31+$0x10930];
	v42 =	vmul.f32 v63, v8;
	v38 =	vadd.f32 v47, v38;
	[tilespmem:s31+$0x4D30] =	vst v34  }
0x10b: {  	v5 =	vadd.f32 v5, v6;
	v6 =	vld [tilespmem:s31+$0x4100];
	v39 =	vmul.f32 v56, v8;
	v33 =	vadd.f32 v43, v33;
	[tilespmem:s31+$0x5110] =	vst v40  }
0x10c: {  	v31 =	vmul.f32 v31, v7;
	v60 =	vld [tilespmem:s31+$0x10920];
	v41 =	vmul.f32 v53, v8;
	v32 =	vadd.f32 v42, v32;
	[tilespmem:s31+$0x4D70] =	vst v38  }
0x10d: {  	v24 =	vmul.f32 v24, v7;
	v57 =	vld [tilespmem:s31+$0x10950];
	v34 =	vmul.f32 v61, v8;
	v29 =	vadd.f32 v39, v29;
	[tilespmem:s31+$0x4D20] =	vst v33  }
0x10e: {  	v27 =	vmul.f32 v27, v7;
	v62 =	vld [tilespmem:s31+$0x10900];
	v37 =	vmul.f32 v58, v8;
	v31 =	vadd.f32 v41, v31;
	[tilespmem:s31+$0x4D10] =	vst v32  }
0x10f: {  	v26 =	vmul.f32 v26, v7;
	v63 =	vld [tilespmem:s31+$0x10570];
	v36 =	vmul.f32 v59, v8;
	v24 =	vadd.f32 v34, v24;
	[tilespmem:s31+$0x4960] =	vst v29  }
0x110: {  	v30 =	vmul.f32 v30, v7;
	v40 =	vmul.f32 v55, v8;
	v27 =	vadd.f32 v37, v27;
	v29 =	vld [tilespmem:s31+$0x10540];
	[tilespmem:s31+$0x4D00] =	vst v31  }
0x111: {  	v25 =	vmul.f32 v25, v7;
	v35 =	vmul.f32 v60, v8;
	v26 =	vadd.f32 v36, v26;
	v31 =	vld [tilespmem:s31+$0x10560];
	[tilespmem:s31+$0x4910] =	vst v24  }
0x112: {  	v28 =	vmul.f32 v28, v7;
	v38 =	vmul.f32 v57, v8;
	v30 =	vadd.f32 v40, v30;
	v24 =	vld [tilespmem:s31+$0x10170];
	[tilespmem:s31+$0x4940] =	vst v27  }
0x113: {  	v23 =	vmul.f32 v23, v7;
	v33 =	vmul.f32 v62, v8;
	v25 =	vadd.f32 v35, v25;
	v27 =	vld [tilespmem:s31+$0x10520];
	[tilespmem:s31+$0x4930] =	vst v26  }
0x114: {  	v22 =	vmul.f32 v22, v7;
	v32 =	vmul.f32 v63, v8;
	v28 =	vadd.f32 v38, v28;
	[tilespmem:s31+$0x4970] =	vst v30;
	v30 =	vld [tilespmem:s31+$0x10550]  }
0x115: {  	v19 =	vmul.f32 v19, v7;
	v23 =	vadd.f32 v33, v23;
	[tilespmem:s31+$0x4920] =	vst v25;
	v25 =	vld [tilespmem:s31+$0x10500];
	v29 =	vmul.f32 v29, v8  }
0x116: {  	v21 =	vmul.f32 v21, v7;
	v22 =	vadd.f32 v32, v22;
	[tilespmem:s31+$0x4950] =	vst v28;
	v28 =	vld [tilespmem:s31+$0x10530];
	v31 =	vmul.f32 v31, v8  }
0x117: {  	v14 =	vmul.f32 v14, v7;
	[tilespmem:s31+$0x4900] =	vst v23;
	v23 =	vld [tilespmem:s31+$0x10160];
	v24 =	vmul.f32 v24, v8;
	v19 =	vadd.f32 v29, v19  }
0x118: {  	v17 =	vmul.f32 v17, v7;
	v26 =	vld [tilespmem:s31+$0x10510];
	[tilespmem:s31+$0x4570] =	vst v22;
	v27 =	vmul.f32 v27, v8;
	v21 =	vadd.f32 v31, v21  }
0x119: {  	v20 =	vmul.f32 v20, v7;
	v22 =	vld [tilespmem:s31+$0x4150];
	v30 =	vmul.f32 v30, v8;
	v14 =	vadd.f32 v24, v14;
	[tilespmem:s31+$0x4540] =	vst v19  }
0x11a: {  	v15 =	vmul.f32 v15, v7;
	v25 =	vmul.f32 v25, v8;
	v17 =	vadd.f32 v27, v17;
	v19 =	vld [tilespmem:s31+$0x11550];
	[tilespmem:s31+$0x4560] =	vst v21  }
0x11b: {  	v18 =	vmul.f32 v18, v7;
	v28 =	vmul.f32 v28, v8;
	v20 =	vadd.f32 v30, v20;
	v21 =	vld [tilespmem:s31+$0x10150];
	[tilespmem:s31+$0x4170] =	vst v14  }
0x11c: {  	v13 =	vmul.f32 v13, v7;
	v23 =	vmul.f32 v23, v8;
	v15 =	vadd.f32 v25, v15;
	[tilespmem:s31+$0x4520] =	vst v17;
	v17 =	vld [tilespmem:s31+$0x5540]  }
0x11d: {  	v16 =	vmul.f32 v16, v7;
	v26 =	vmul.f32 v26, v8;
	v18 =	vadd.f32 v28, v18;
	[tilespmem:s31+$0x4550] =	vst v20;
	v20 =	vld [tilespmem:s31+$0x11540]  }
0x11e: {  	v10 =	vmul.f32 v10, v7;
	v9 =	vmul.f32 v9, v8;
	v13 =	vadd.f32 v23, v13;
	[tilespmem:s31+$0x4500] =	vst v15;
	v15 =	vld [tilespmem:s31+$0x5550]  }
0x11f: {  	v4 =	vmul.f32 v4, v7;
	v3 =	vmul.f32 v3, v8;
	v16 =	vadd.f32 v26, v16;
	[tilespmem:s31+$0x4530] =	vst v18;
	v18 =	vld [tilespmem:s31+$0x11560]  }
0x120: {  	v9 =	vadd.f32 v9, v10;
	v10 =	vmul.f32 v22, v7;
	v14 =	vld [tilespmem:s31+$0x5570];
	[tilespmem:s31+$0x4160] =	vst v13;
	v13 =	vmul.f32 v21, v8  }
0x121: {  	v3 =	vadd.f32 v3, v4;
	[tilespmem:s31+$0x4510] =	vst v16;
	v16 =	vld [tilespmem:s31+$0x11570]  }
0x122: {  	s29 =	simm.s32 $0x0;
	[tilespmem:s31+$0x4130] =	vst v9;
	v9 =	vld [tilespmem:s31+$0x10100];
	v11 =	vmul.f32 v17, v7;
	v17 =	vmul.f32 v20, v8;
	v4 =	vadd.f32 v13, v10  }
0x123: {  	s30 =	simm.s32 $0x80;
	s29 =	smul.u32 $0x1800, s29;
	[tilespmem:s31+$0x4120] =	vst v5;
	v5 =	vmul.f32 v15, v7;
	v10 =	vmul.f32 v19, v8  }
0x124: {  	s1 =	sand.u32 $0x380, s30;
	v11 =	vadd.f32 v17, v11;
	[tilespmem:s31+$0x4150] =	vst v4;
	v4 =	vmul.f32 v12, v7;
	v12 =	vmul.f32 v18, v8  }
0x125: {  	s29 =	sor.u32 s1, s29;
	[tilespmem:s31+$0x4110] =	vst v3;
	v5 =	vadd.f32 v10, v5  }
0x126: {  	v3 =	vld [tilespmem:s29+$0x4110];
	v10 =	vmul.f32 v14, v7;
	[tilespmem:s31+$0x5540] =	vst v11;
	v11 =	vmul.f32 v16, v8;
	v12 =	vadd.f32 v12, v4  }
0x127: {  	v7 =	vmul.f32 v6, v7;
	v8 =	vmul.f32 v9, v8;
	v4 =	vld [tilespmem:s29+$0x10110];
	[tilespmem:s31+$0x5550] =	vst v5  }
0x128: {  	v9 =	vadd.f32 v11, v10;
	v6 =	vld [tilespmem:s29+$0x4120];
	[tilespmem:s31+$0x5560] =	vst v12  }
0x129: {  	v7 =	vadd.f32 v8, v7;
	v5 =	vld [tilespmem:s29+$0x10120]  }
0x12a: {  	v8 =	vld [tilespmem:s29+$0x4130];
	[tilespmem:s31+$0x5570] =	vst v9  }
0x12b: {  	v18 =	vld [tilespmem:s29+$0x4530];
	[tilespmem:s31+$0x4100] =	vst v7  }
0x12c: {  	v7 =	vld [tilespmem:s29+$0x10130]  }
0x12d: {  	v10 =	vld [tilespmem:s29+$0x4140]  }
0x12e: {  	v9 =	vld [tilespmem:s29+$0x10140]  }
0x12f: {  	v12 =	vld [tilespmem:s29+$0x4150]  }
0x130: {  	v11 =	vld [tilespmem:s29+$0x10150]  }
0x131: {  	v13 =	vld [tilespmem:s29+$0x4160]  }
0x132: {  	v14 =	vld [tilespmem:s29+$0x4170]  }
0x133: {  	v15 =	vld [tilespmem:s29+$0x4500]  }
0x134: {  	v16 =	vld [tilespmem:s29+$0x4510]  }
0x135: {  	v17 =	vld [tilespmem:s29+$0x4520]  }
0x136: {  	v19 =	vld [tilespmem:s29+$0x4540]  }
0x137: {  	v20 =	vld [tilespmem:s29+$0x4550]  }
0x138: {  	v21 =	vld [tilespmem:s29+$0x4560]  }
0x139: {  	v22 =	vld [tilespmem:s29+$0x4570]  }
0x13a: {  	v23 =	vld [tilespmem:s29+$0x4900]  }
0x13b: {  	v24 =	vld [tilespmem:s29+$0x4910]  }
0x13c: {  	v25 =	vld [tilespmem:s29+$0x4920]  }
0x13d: {  	v26 =	vld [tilespmem:s29+$0x4930]  }
0x13e: {  	v27 =	vld [tilespmem:s29+$0x4940]  }
0x13f: {  	v28 =	vld [tilespmem:s29+$0x4950]  }
0x140: {  	v29 =	vld [tilespmem:s29+$0x4960]  }
0x141: {  	v30 =	vld [tilespmem:s29+$0x4970]  }
0x142: {  	v31 =	vld [tilespmem:s29+$0x4D00]  }
0x143: {  	v34 =	vld [tilespmem:s29+$0x4D10]  }
0x144: {  	v35 =	vld [tilespmem:s29+$0x4D20]  }
0x145: {  	v36 =	vld [tilespmem:s29+$0x4D30]  }
0x146: {  	v37 =	vld [tilespmem:s29+$0x4D40]  }
0x147: {  	v38 =	vld [tilespmem:s29+$0x4D50]  }
0x148: {  	v39 =	vld [tilespmem:s29+$0x4D60]  }
0x149: {  	v40 =	vld [tilespmem:s29+$0x4D70]  }
0x14a: {  	v41 =	vld [tilespmem:s29+$0x5100]  }
0x14b: {  	v42 =	vld [tilespmem:s29+$0x5110]  }
0x14c: {  	v43 =	vld [tilespmem:s29+$0x5120]  }
0x14d: {  	v44 =	vld [tilespmem:s29+$0x5130]  }
0x14e: {  	v45 =	vld [tilespmem:s29+$0x5140]  }
0x14f: {  	v46 =	vld [tilespmem:s29+$0x5150]  }
0x150: {  	v47 =	vld [tilespmem:s29+$0x5160]  }
0x151: {  	v48 =	vld [tilespmem:s29+$0x5500]  }
0x152: {  	v50 =	vld [tilespmem:s29+$0x5510]  }
0x153: {  	v49 =	vld [tilespmem:s29+$0x11510]  }
0x154: {  	s31 =	simm.s32 $0x2;
	v51 =	vld [tilespmem:s29+$0x11530]  }
.LBB2_2:
0x155: {  	p0 =	sne.s32 s31, $0x3F;
	v52 =	vld [tilespmem:s29+$0x5530]  }
0x156: {  	s26 =	sadd.s32 $0x80, s26;
	v53 =	vld [tilespmem:s29+$0x5520]  }
0x157: {  	s28 =	sadd.s32 $0x80, s28;
	v33 =	vld [tilespmem:s26+$0x0]  }
0x158: {  	v32 =	vld [tilespmem:s28+$0x0]  }
0x159: {  	v54 =	vld [tilespmem:s29+$0x11520]  }
0x15a: {  	v55 =	vld [tilespmem:s29+$0x11500]  }
0x15b: {  	v56 =	vld [tilespmem:s29+$0x5170]  }
0x15c: {  	v57 =	vld [tilespmem:s29+$0x11170];
	v50 =	vmul.f32 v50, v33;
	v53 =	vmul.f32 v53, v33  }
0x15d: {  	v52 =	vmul.f32 v52, v33;
	v58 =	vld [tilespmem:s29+$0x11160];
	v51 =	vmul.f32 v51, v32  }
0x15e: {  	v49 =	vmul.f32 v49, v32;
	v59 =	vld [tilespmem:s29+$0x11150];
	v54 =	vmul.f32 v54, v32  }
0x15f: {  	v48 =	vmul.f32 v48, v33;
	v60 =	vld [tilespmem:s29+$0x11140];
	v55 =	vmul.f32 v55, v32;
	v51 =	vadd.f32 v51, v52  }
0x160: {  	v49 =	vadd.f32 v49, v50;
	v52 =	vld [tilespmem:s29+$0x11130];
	v56 =	vmul.f32 v56, v33;
	v50 =	vadd.f32 v54, v53  }
0x161: {  	v47 =	vmul.f32 v47, v33;
	v53 =	vld [tilespmem:s29+$0x11120];
	v54 =	vmul.f32 v57, v32;
	v48 =	vadd.f32 v55, v48;
	[tilespmem:s29+$0x5530] =	vst v51  }
0x162: {  	v46 =	vmul.f32 v46, v33;
	v51 =	vld [tilespmem:s29+$0x11110];
	v55 =	vmul.f32 v58, v32;
	[tilespmem:s29+$0x5520] =	vst v50  }
0x163: {  	v45 =	vmul.f32 v45, v33;
	v50 =	vld [tilespmem:s29+$0x11100];
	v57 =	vmul.f32 v59, v32;
	v54 =	vadd.f32 v54, v56;
	[tilespmem:s29+$0x5510] =	vst v49  }
0x164: {  	v44 =	vmul.f32 v44, v33;
	v49 =	vld [tilespmem:s29+$0x10D70];
	v56 =	vmul.f32 v60, v32;
	v47 =	vadd.f32 v55, v47;
	[tilespmem:s29+$0x5500] =	vst v48  }
0x165: {  	v43 =	vmul.f32 v43, v33;
	v48 =	vld [tilespmem:s29+$0x10D60];
	v52 =	vmul.f32 v52, v32;
	v46 =	vadd.f32 v57, v46;
	[tilespmem:s29+$0x5170] =	vst v54  }
0x166: {  	v42 =	vmul.f32 v42, v33;
	v54 =	vld [tilespmem:s29+$0x10D50];
	v53 =	vmul.f32 v53, v32;
	v45 =	vadd.f32 v56, v45;
	[tilespmem:s29+$0x5160] =	vst v47  }
0x167: {  	v41 =	vmul.f32 v41, v33;
	v47 =	vld [tilespmem:s29+$0x10D40];
	v51 =	vmul.f32 v51, v32;
	v44 =	vadd.f32 v52, v44;
	[tilespmem:s29+$0x5150] =	vst v46  }
0x168: {  	v40 =	vmul.f32 v40, v33;
	v46 =	vld [tilespmem:s29+$0x10D30];
	v50 =	vmul.f32 v50, v32;
	v43 =	vadd.f32 v53, v43;
	[tilespmem:s29+$0x5140] =	vst v45  }
0x169: {  	v39 =	vmul.f32 v39, v33;
	v45 =	vld [tilespmem:s29+$0x10D20];
	v49 =	vmul.f32 v49, v32;
	v42 =	vadd.f32 v51, v42;
	[tilespmem:s29+$0x5130] =	vst v44  }
0x16a: {  	v38 =	vmul.f32 v38, v33;
	v44 =	vld [tilespmem:s29+$0x10D10];
	v48 =	vmul.f32 v48, v32;
	v41 =	vadd.f32 v50, v41;
	[tilespmem:s29+$0x5120] =	vst v43  }
0x16b: {  	v37 =	vmul.f32 v37, v33;
	v43 =	vld [tilespmem:s29+$0x10D00];
	v50 =	vmul.f32 v54, v32;
	v40 =	vadd.f32 v49, v40;
	[tilespmem:s29+$0x5110] =	vst v42  }
0x16c: {  	v36 =	vmul.f32 v36, v33;
	v42 =	vld [tilespmem:s29+$0x10970];
	v47 =	vmul.f32 v47, v32;
	v39 =	vadd.f32 v48, v39;
	[tilespmem:s29+$0x5100] =	vst v41  }
0x16d: {  	v35 =	vmul.f32 v35, v33;
	v41 =	vld [tilespmem:s29+$0x10960];
	v46 =	vmul.f32 v46, v32;
	v38 =	vadd.f32 v50, v38;
	[tilespmem:s29+$0x4D70] =	vst v40  }
0x16e: {  	v34 =	vmul.f32 v34, v33;
	v40 =	vld [tilespmem:s29+$0x10950];
	v45 =	vmul.f32 v45, v32;
	v37 =	vadd.f32 v47, v37;
	[tilespmem:s29+$0x4D60] =	vst v39  }
0x16f: {  	v31 =	vmul.f32 v31, v33;
	v39 =	vld [tilespmem:s29+$0x10940];
	v44 =	vmul.f32 v44, v32;
	v36 =	vadd.f32 v46, v36;
	[tilespmem:s29+$0x4D50] =	vst v38  }
0x170: {  	v30 =	vmul.f32 v30, v33;
	v38 =	vld [tilespmem:s29+$0x10930];
	v43 =	vmul.f32 v43, v32;
	v35 =	vadd.f32 v45, v35;
	[tilespmem:s29+$0x4D40] =	vst v37  }
0x171: {  	v29 =	vmul.f32 v29, v33;
	v37 =	vld [tilespmem:s29+$0x10920];
	v42 =	vmul.f32 v42, v32;
	v34 =	vadd.f32 v44, v34;
	[tilespmem:s29+$0x4D30] =	vst v36  }
0x172: {  	v28 =	vmul.f32 v28, v33;
	v36 =	vld [tilespmem:s29+$0x10910];
	v41 =	vmul.f32 v41, v32;
	v31 =	vadd.f32 v43, v31;
	[tilespmem:s29+$0x4D20] =	vst v35  }
0x173: {  	v27 =	vmul.f32 v27, v33;
	v35 =	vld [tilespmem:s29+$0x10900];
	v40 =	vmul.f32 v40, v32;
	v30 =	vadd.f32 v42, v30;
	[tilespmem:s29+$0x4D10] =	vst v34  }
0x174: {  	v26 =	vmul.f32 v26, v33;
	v34 =	vld [tilespmem:s29+$0x10570];
	v39 =	vmul.f32 v39, v32;
	v29 =	vadd.f32 v41, v29;
	[tilespmem:s29+$0x4D00] =	vst v31  }
0x175: {  	v25 =	vmul.f32 v25, v33;
	v31 =	vld [tilespmem:s29+$0x10560];
	v38 =	vmul.f32 v38, v32;
	v28 =	vadd.f32 v40, v28;
	[tilespmem:s29+$0x4970] =	vst v30  }
0x176: {  	v24 =	vmul.f32 v24, v33;
	v30 =	vld [tilespmem:s29+$0x10550];
	v37 =	vmul.f32 v37, v32;
	v27 =	vadd.f32 v39, v27;
	[tilespmem:s29+$0x4960] =	vst v29  }
0x177: {  	v23 =	vmul.f32 v23, v33;
	v29 =	vld [tilespmem:s29+$0x10540];
	v36 =	vmul.f32 v36, v32;
	v26 =	vadd.f32 v38, v26;
	[tilespmem:s29+$0x4950] =	vst v28  }
0x178: {  	v22 =	vmul.f32 v22, v33;
	v28 =	vld [tilespmem:s29+$0x10530];
	v35 =	vmul.f32 v35, v32;
	v25 =	vadd.f32 v37, v25;
	[tilespmem:s29+$0x4940] =	vst v27  }
0x179: {  	v21 =	vmul.f32 v21, v33;
	v27 =	vld [tilespmem:s29+$0x10520];
	v34 =	vmul.f32 v34, v32;
	v24 =	vadd.f32 v36, v24;
	[tilespmem:s29+$0x4930] =	vst v26  }
0x17a: {  	v20 =	vmul.f32 v20, v33;
	v26 =	vld [tilespmem:s29+$0x10510];
	v31 =	vmul.f32 v31, v32;
	v23 =	vadd.f32 v35, v23;
	[tilespmem:s29+$0x4920] =	vst v25  }
0x17b: {  	v19 =	vmul.f32 v19, v33;
	v25 =	vld [tilespmem:s29+$0x10500];
	v30 =	vmul.f32 v30, v32;
	v22 =	vadd.f32 v34, v22;
	[tilespmem:s29+$0x4910] =	vst v24  }
0x17c: {  	v18 =	vmul.f32 v18, v33;
	v24 =	vld [tilespmem:s29+$0x10170];
	v29 =	vmul.f32 v29, v32;
	v21 =	vadd.f32 v31, v21;
	[tilespmem:s29+$0x4900] =	vst v23  }
0x17d: {  	v17 =	vmul.f32 v17, v33;
	v23 =	vld [tilespmem:s29+$0x10160];
	v28 =	vmul.f32 v28, v32;
	v20 =	vadd.f32 v30, v20;
	[tilespmem:s29+$0x4570] =	vst v22  }
0x17e: {  	v16 =	vmul.f32 v16, v33;
	v22 =	vmul.f32 v27, v32;
	v19 =	vadd.f32 v29, v19;
	[tilespmem:s29+$0x4560] =	vst v21;
	v21 =	vld [tilespmem:s29+$0x11540]  }
0x17f: {  	v15 =	vmul.f32 v15, v33;
	v26 =	vmul.f32 v26, v32;
	v18 =	vadd.f32 v28, v18;
	[tilespmem:s29+$0x4550] =	vst v20;
	v20 =	vld [tilespmem:s29+$0x11550]  }
0x180: {  	v14 =	vmul.f32 v14, v33;
	v25 =	vmul.f32 v25, v32;
	v17 =	vadd.f32 v22, v17;
	[tilespmem:s29+$0x4540] =	vst v19;
	v19 =	vld [tilespmem:s29+$0x11560]  }
0x181: {  	v13 =	vmul.f32 v13, v33;
	v22 =	vmul.f32 v24, v32;
	v16 =	vadd.f32 v26, v16;
	[tilespmem:s29+$0x4530] =	vst v18;
	v18 =	vld [tilespmem:s29+$0x11570]  }
0x182: {  	v12 =	vmul.f32 v12, v33;
	v23 =	vmul.f32 v23, v32;
	v15 =	vadd.f32 v25, v15;
	[tilespmem:s29+$0x4520] =	vst v17;
	v17 =	vld [tilespmem:s29+$0x5540]  }
0x183: {  	v10 =	vmul.f32 v10, v33;
	v11 =	vmul.f32 v11, v32;
	v14 =	vadd.f32 v22, v14;
	[tilespmem:s29+$0x4510] =	vst v16;
	v16 =	vld [tilespmem:s29+$0x5550]  }
0x184: {  	v8 =	vmul.f32 v8, v33;
	v9 =	vmul.f32 v9, v32;
	v13 =	vadd.f32 v23, v13;
	[tilespmem:s29+$0x4500] =	vst v15;
	v15 =	vld [tilespmem:s29+$0x5560]  }
0x185: {  	v6 =	vmul.f32 v6, v33;
	v7 =	vmul.f32 v7, v32;
	v11 =	vadd.f32 v11, v12;
	[tilespmem:s29+$0x4170] =	vst v14;
	v12 =	vld [tilespmem:s29+$0x5570]  }
0x186: {  	v3 =	vmul.f32 v3, v33;
	v5 =	vmul.f32 v5, v32;
	v9 =	vadd.f32 v9, v10;
	v14 =	vld [tilespmem:s29+$0x4100];
	[tilespmem:s29+$0x4160] =	vst v13  }
0x187: {  	v4 =	vmul.f32 v4, v32;
	v7 =	vadd.f32 v7, v8;
	v10 =	vld [tilespmem:s29+$0x10100];
	[tilespmem:s29+$0x4150] =	vst v11;
	v8 =	vmul.f32 v17, v33  }
0x188: {  	s0 =	sshrl.u32 s31, $0x3;
	v5 =	vadd.f32 v5, v6;
	v6 =	vmul.f32 v21, v32;
	[tilespmem:s29+$0x4140] =	vst v9;
	v9 =	vmul.f32 v16, v33  }
0x189: {  	s30 =	sadd.s32 $0x80, s30;
	s0 =	smul.u32 $0x1800, s0;
	v3 =	vadd.f32 v4, v3;
	v4 =	vmul.f32 v20, v32;
	[tilespmem:s29+$0x4130] =	vst v7;
	v7 =	vmul.f32 v15, v33  }
0x18a: {  	s1 =	sand.u32 $0x380, s30;
	[tilespmem:s29+$0x4120] =	vst v5;
	v5 =	vadd.f32 v6, v8;
	v6 =	vmul.f32 v19, v32;
	v8 =	vmul.f32 v12, v33  }
0x18b: {  	s0 =	sor.u32 s1, s0;
	v9 =	vadd.f32 v4, v9;
	v12 =	vmul.f32 v18, v32;
	v11 =	vmul.f32 v14, v33;
	[tilespmem:s29+$0x4110] =	vst v3  }
0x18c: {  	v3 =	vld [tilespmem:s0+$0x4110];
	v10 =	vmul.f32 v10, v32;
	[tilespmem:s29+$0x5540] =	vst v5;
	v5 =	vadd.f32 v6, v7  }
0x18d: {  	v7 =	vadd.f32 v12, v8;
	v4 =	vld [tilespmem:s0+$0x10110];
	[tilespmem:s29+$0x5550] =	vst v9  }
0x18e: {  	v6 =	vld [tilespmem:s0+$0x4120];
	v9 =	vadd.f32 v10, v11;
	[tilespmem:s29+$0x5560] =	vst v5  }
0x18f: {  	v5 =	vld [tilespmem:s0+$0x10120];
	[tilespmem:s29+$0x5570] =	vst v7  }
0x190: {  	v8 =	vld [tilespmem:s0+$0x4130];
	[tilespmem:s29+$0x4100] =	vst v9;
	s29 =	smov.u32 s0  }
0x191: {  	v7 =	vld [tilespmem:s29+$0x10130]  }
0x192: {  	v10 =	vld [tilespmem:s29+$0x4140]  }
0x193: {  	v9 =	vld [tilespmem:s29+$0x10140]  }
0x194: {  	v12 =	vld [tilespmem:s29+$0x4150]  }
0x195: {  	v11 =	vld [tilespmem:s29+$0x10150]  }
0x196: {  	v13 =	vld [tilespmem:s29+$0x4160]  }
0x197: {  	v14 =	vld [tilespmem:s29+$0x4170]  }
0x198: {  	v15 =	vld [tilespmem:s29+$0x4500]  }
0x199: {  	v16 =	vld [tilespmem:s29+$0x4510]  }
0x19a: {  	v17 =	vld [tilespmem:s29+$0x4520]  }
0x19b: {  	v18 =	vld [tilespmem:s29+$0x4530]  }
0x19c: {  	v19 =	vld [tilespmem:s29+$0x4540]  }
0x19d: {  	v20 =	vld [tilespmem:s29+$0x4550]  }
0x19e: {  	v21 =	vld [tilespmem:s29+$0x4560]  }
0x19f: {  	v22 =	vld [tilespmem:s29+$0x4570]  }
0x1a0: {  	v23 =	vld [tilespmem:s29+$0x4900]  }
0x1a1: {  	v24 =	vld [tilespmem:s29+$0x4910]  }
0x1a2: {  	v25 =	vld [tilespmem:s29+$0x4920]  }
0x1a3: {  	v26 =	vld [tilespmem:s29+$0x4930]  }
0x1a4: {  	v27 =	vld [tilespmem:s29+$0x4940]  }
0x1a5: {  	v28 =	vld [tilespmem:s29+$0x4950]  }
0x1a6: {  	v29 =	vld [tilespmem:s29+$0x4960]  }
0x1a7: {  	v30 =	vld [tilespmem:s29+$0x4970]  }
0x1a8: {  	v31 =	vld [tilespmem:s29+$0x4D00]  }
0x1a9: {  	v34 =	vld [tilespmem:s29+$0x4D10]  }
0x1aa: {  	v35 =	vld [tilespmem:s29+$0x4D20]  }
0x1ab: {  	v36 =	vld [tilespmem:s29+$0x4D30]  }
0x1ac: {  	v37 =	vld [tilespmem:s29+$0x4D40]  }
0x1ad: {  	v38 =	vld [tilespmem:s29+$0x4D50]  }
0x1ae: {  	v39 =	vld [tilespmem:s29+$0x4D60]  }
0x1af: {  	v40 =	vld [tilespmem:s29+$0x4D70]  }
0x1b0: {  	v41 =	vld [tilespmem:s29+$0x5100]  }
0x1b1: {  	v42 =	vld [tilespmem:s29+$0x5110]  }
0x1b2: {  	v43 =	vld [tilespmem:s29+$0x5120]  }
0x1b3: {  	v44 =	vld [tilespmem:s29+$0x5130]  }
0x1b4: {  	v45 =	vld [tilespmem:s29+$0x5140]  }
0x1b5: {  	v46 =	vld [tilespmem:s29+$0x5150]  }
.Ltmp0:
0x1b6: {  	v47 =	vld [tilespmem:s29+$0x5160];
	(pc) =	sbr.rel @p0 .LBB2_2-.Ltmp0, $4  }
0x1b7: {  	v48 =	vld [tilespmem:s29+$0x5500]  }
0x1b8: {  	v50 =	vld [tilespmem:s29+$0x5510]  }
0x1b9: {  	v49 =	vld [tilespmem:s29+$0x11510]  }
0x1ba: {  	s31 =	sadd.s32 $0x1, s31;
	v51 =	vld [tilespmem:s29+$0x11530]  }
0x1bb: {  	v52 =	vld [tilespmem:s29+$0x5530]  }
0x1bc: {  	v53 =	vld [tilespmem:s29+$0x5520];
	s0 =	sadd.s32 $0x80, s26  }
0x1bd: {  	s31 =	sadd.s32 $0x80, s28;
	v32 =	vld [tilespmem:s0+$0x0]  }
0x1be: {  	v33 =	vld [tilespmem:s31+$0x0]  }
0x1bf: {  	v54 =	vld [tilespmem:s29+$0x11520];
	_ =	sdelay $0x1  }
0x1c0: {  	v55 =	vld [tilespmem:s29+$0x11500]  }
0x1c1: {  	v56 =	vld [tilespmem:s29+$0x5170]  }
0x1c2: {  	v58 =	vld [tilespmem:s29+$0x11160];
	v52 =	vmul.f32 v52, v32;
	v51 =	vmul.f32 v51, v33  }
0x1c3: {  	v57 =	vld [tilespmem:s29+$0x11170];
	v53 =	vmul.f32 v53, v32;
	v54 =	vmul.f32 v54, v33  }
0x1c4: {  	v59 =	vld [tilespmem:s29+$0x11150];
	v50 =	vmul.f32 v50, v32;
	v49 =	vmul.f32 v49, v33  }
0x1c5: {  	v60 =	vld [tilespmem:s29+$0x11140];
	v48 =	vmul.f32 v48, v32;
	v62 =	vmul.f32 v55, v33;
	v51 =	vadd.f32 v51, v52  }
0x1c6: {  	v61 =	vld [tilespmem:s29+$0x11120];
	v63 =	vmul.f32 v56, v32;
	v47 =	vmul.f32 v47, v32;
	v53 =	vadd.f32 v54, v53  }
0x1c7: {  	v58 =	vmul.f32 v58, v33;
	v55 =	vld [tilespmem:s29+$0x10560];
	v12 =	vmul.f32 v12, v32;
	v49 =	vadd.f32 v49, v50;
	[tilespmem:s29+$0x5530] =	vst v51  }
0x1c8: {  	v56 =	vld [tilespmem:s29+$0x10550];
	v11 =	vmul.f32 v11, v33;
	v10 =	vmul.f32 v10, v32;
	v48 =	vadd.f32 v62, v48;
	[tilespmem:s29+$0x5520] =	vst v53  }
0x1c9: {  	v9 =	vmul.f32 v9, v33;
	v8 =	vmul.f32 v8, v32;
	v52 =	vld [tilespmem:s29+$0x11130];
	v47 =	vadd.f32 v58, v47;
	[tilespmem:s29+$0x5510] =	vst v49  }
0x1ca: {  	v7 =	vmul.f32 v7, v33;
	v6 =	vmul.f32 v6, v32;
	v50 =	vld [tilespmem:s29+$0x11100];
	v11 =	vadd.f32 v11, v12;
	[tilespmem:s29+$0x5500] =	vst v48  }
0x1cb: {  	v5 =	vmul.f32 v5, v33;
	v3 =	vmul.f32 v3, v32;
	v58 =	vld [tilespmem:s29+$0x10D20];
	v9 =	vadd.f32 v9, v10;
	[tilespmem:s29+$0x5160] =	vst v47  }
0x1cc: {  	v4 =	vmul.f32 v4, v33;
	v62 =	vmul.f32 v59, v33;
	v59 =	vld [tilespmem:s29+$0x10D10];
	v7 =	vadd.f32 v7, v8;
	[tilespmem:s29+$0x4150] =	vst v11  }
0x1cd: {  	v57 =	vmul.f32 v57, v33;
	v54 =	vld [tilespmem:s29+$0x10570];
	v5 =	vadd.f32 v5, v6;
	[tilespmem:s29+$0x4140] =	vst v9  }
0x1ce: {  	v46 =	vmul.f32 v46, v32;
	v3 =	vadd.f32 v4, v3;
	v51 =	vld [tilespmem:s29+$0x11110];
	[tilespmem:s29+$0x4130] =	vst v7  }
0x1cf: {  	v45 =	vmul.f32 v45, v32;
	v49 =	vld [tilespmem:s29+$0x10D70];
	v53 =	vadd.f32 v57, v63;
	v63 =	vmul.f32 v60, v33;
	[tilespmem:s29+$0x4120] =	vst v5  }
0x1d0: {  	v43 =	vmul.f32 v43, v32;
	v48 =	vld [tilespmem:s29+$0x10D60];
	v46 =	vadd.f32 v62, v46;
	v57 =	vmul.f32 v61, v33;
	[tilespmem:s29+$0x4110] =	vst v3  }
0x1d1: {  	v44 =	vmul.f32 v44, v32;
	v47 =	vld [tilespmem:s29+$0x10D40];
	[tilespmem:s29+$0x5170] =	vst v53;
	v45 =	vadd.f32 v63, v45;
	v52 =	vmul.f32 v52, v33  }
0x1d2: {  	v41 =	vmul.f32 v41, v32;
	v60 =	vld [tilespmem:s29+$0x10D00];
	[tilespmem:s29+$0x5150] =	vst v46;
	v43 =	vadd.f32 v57, v43;
	v50 =	vmul.f32 v50, v33  }
0x1d3: {  	v35 =	vmul.f32 v35, v32;
	v61 =	vld [tilespmem:s29+$0x10970];
	[tilespmem:s29+$0x5140] =	vst v45;
	v45 =	vmul.f32 v58, v33;
	v44 =	vadd.f32 v52, v44  }
0x1d4: {  	v42 =	vmul.f32 v42, v32;
	v53 =	vld [tilespmem:s29+$0x10D50];
	[tilespmem:s29+$0x5120] =	vst v43;
	v51 =	vmul.f32 v51, v33;
	v41 =	vadd.f32 v50, v41  }
0x1d5: {  	v40 =	vmul.f32 v40, v32;
	v46 =	vld [tilespmem:s29+$0x10D30];
	v49 =	vmul.f32 v49, v33;
	v35 =	vadd.f32 v45, v35;
	[tilespmem:s29+$0x5130] =	vst v44  }
0x1d6: {  	v39 =	vmul.f32 v39, v32;
	v62 =	vld [tilespmem:s29+$0x10960];
	v48 =	vmul.f32 v48, v33;
	v42 =	vadd.f32 v51, v42;
	[tilespmem:s29+$0x5100] =	vst v41  }
0x1d7: {  	v37 =	vmul.f32 v37, v32;
	v57 =	vld [tilespmem:s29+$0x10540];
	v47 =	vmul.f32 v47, v33;
	v40 =	vadd.f32 v49, v40;
	[tilespmem:s29+$0x4D20] =	vst v35  }
0x1d8: {  	v31 =	vmul.f32 v31, v32;
	v58 =	vld [tilespmem:s29+$0x10530];
	v43 =	vmul.f32 v60, v33;
	v39 =	vadd.f32 v48, v39;
	[tilespmem:s29+$0x5110] =	vst v42  }
0x1d9: {  	v38 =	vmul.f32 v38, v32;
	v50 =	vld [tilespmem:s29+$0x10930];
	v63 =	vmul.f32 v53, v33;
	v37 =	vadd.f32 v47, v37;
	[tilespmem:s29+$0x4D70] =	vst v40  }
0x1da: {  	v36 =	vmul.f32 v36, v32;
	v60 =	vld [tilespmem:s29+$0x10510];
	v46 =	vmul.f32 v46, v33;
	v31 =	vadd.f32 v43, v31;
	[tilespmem:s29+$0x4D60] =	vst v39  }
0x1db: {  	v34 =	vmul.f32 v34, v32;
	v52 =	vld [tilespmem:s29+$0x10910];
	v44 =	vmul.f32 v59, v33;
	v38 =	vadd.f32 v63, v38;
	[tilespmem:s29+$0x4D40] =	vst v37  }
0x1dc: {  	v29 =	vmul.f32 v29, v32;
	v45 =	vld [tilespmem:s29+$0x5540];
	v41 =	vmul.f32 v62, v33;
	v36 =	vadd.f32 v46, v36;
	[tilespmem:s29+$0x4D00] =	vst v31  }
0x1dd: {  	v21 =	vmul.f32 v21, v32;
	v48 =	vld [tilespmem:s29+$0x10950];
	v62 =	vmul.f32 v55, v33;
	v34 =	vadd.f32 v44, v34;
	[tilespmem:s29+$0x4D50] =	vst v38  }
0x1de: {  	v30 =	vmul.f32 v30, v32;
	v49 =	vld [tilespmem:s29+$0x10940];
	v42 =	vmul.f32 v61, v33;
	v29 =	vadd.f32 v41, v29;
	[tilespmem:s29+$0x4D30] =	vst v36  }
0x1df: {  	v16 =	vmul.f32 v16, v32;
	v51 =	vld [tilespmem:s29+$0x10920];
	v21 =	vadd.f32 v62, v21;
	v41 =	vmul.f32 v60, v33;
	[tilespmem:s29+$0x4D10] =	vst v34  }
0x1e0: {  	v26 =	vmul.f32 v26, v32;
	v53 =	vld [tilespmem:s29+$0x10900];
	v30 =	vadd.f32 v42, v30;
	[tilespmem:s29+$0x4960] =	vst v29;
	v38 =	vmul.f32 v50, v33  }
0x1e1: {  	v24 =	vmul.f32 v24, v32;
	v59 =	vld [tilespmem:s29+$0x10520];
	v36 =	vmul.f32 v52, v33;
	[tilespmem:s29+$0x4560] =	vst v21;
	v16 =	vadd.f32 v41, v16  }
0x1e2: {  	v22 =	vmul.f32 v22, v32;
	v43 =	vld [tilespmem:s29+$0x11570];
	v34 =	vmul.f32 v54, v33;
	[tilespmem:s29+$0x4970] =	vst v30;
	v26 =	vadd.f32 v38, v26  }
0x1e3: {  	v28 =	vmul.f32 v28, v32;
	v61 =	vld [tilespmem:s29+$0x10500];
	v40 =	vmul.f32 v48, v33;
	v24 =	vadd.f32 v36, v24;
	[tilespmem:s29+$0x4510] =	vst v16  }
0x1e4: {  	v27 =	vmul.f32 v27, v32;
	v63 =	vld [tilespmem:s29+$0x10170];
	v39 =	vmul.f32 v49, v33;
	v22 =	vadd.f32 v34, v22;
	[tilespmem:s29+$0x4930] =	vst v26  }
0x1e5: {  	v25 =	vmul.f32 v25, v32;
	v46 =	vld [tilespmem:s29+$0x5550];
	v37 =	vmul.f32 v51, v33;
	v28 =	vadd.f32 v40, v28;
	[tilespmem:s29+$0x4910] =	vst v24  }
0x1e6: {  	v23 =	vmul.f32 v23, v32;
	v50 =	vld [tilespmem:s29+$0x10100];
	v35 =	vmul.f32 v53, v33;
	v27 =	vadd.f32 v39, v27;
	[tilespmem:s29+$0x4570] =	vst v22  }
0x1e7: {  	v20 =	vmul.f32 v20, v32;
	v48 =	vld [tilespmem:s29+$0x5560];
	v30 =	vmul.f32 v56, v33;
	v25 =	vadd.f32 v37, v25;
	[tilespmem:s29+$0x4950] =	vst v28  }
0x1e8: {  	v19 =	vmul.f32 v19, v32;
	v51 =	vld [tilespmem:s29+$0x4100];
	v23 =	vadd.f32 v35, v23;
	v35 =	vmul.f32 v57, v33;
	[tilespmem:s29+$0x4940] =	vst v27  }
0x1e9: {  	v18 =	vmul.f32 v18, v32;
	v34 =	vld [tilespmem:s29+$0x10160];
	v37 =	vmul.f32 v58, v33;
	v20 =	vadd.f32 v30, v20;
	[tilespmem:s29+$0x4920] =	vst v25  }
0x1ea: {  	v17 =	vmul.f32 v17, v32;
	v36 =	vld [tilespmem:s29+$0x11540];
	v39 =	vmul.f32 v59, v33;
	[tilespmem:s29+$0x4900] =	vst v23;
	v19 =	vadd.f32 v35, v19  }
0x1eb: {  	v15 =	vmul.f32 v15, v32;
	v38 =	vld [tilespmem:s29+$0x11550];
	v42 =	vmul.f32 v61, v33;
	v18 =	vadd.f32 v37, v18;
	[tilespmem:s29+$0x4550] =	vst v20  }
0x1ec: {  	v14 =	vmul.f32 v14, v32;
	v40 =	vld [tilespmem:s29+$0x11560];
	v44 =	vmul.f32 v63, v33;
	v17 =	vadd.f32 v39, v17;
	[tilespmem:s29+$0x4540] =	vst v19  }
0x1ed: {  	v49 =	vld [tilespmem:s29+$0x5570];
	v15 =	vadd.f32 v42, v15;
	v10 =	vmul.f32 v50, v33;
	v61 =	vmul.f32 v51, v32;
	[tilespmem:s29+$0x4530] =	vst v18  }
0x1ee: {  	v13 =	vmul.f32 v13, v32;
	v14 =	vadd.f32 v44, v14;
	[tilespmem:s29+$0x4520] =	vst v17;
	v47 =	vmul.f32 v34, v33  }
0x1ef: {  	v52 =	vmul.f32 v45, v32;
	[tilespmem:s29+$0x4500] =	vst v15;
	v53 =	vmul.f32 v36, v33;
	v63 =	vadd.f32 v10, v61  }
0x1f0: {  	v54 =	vmul.f32 v46, v32;
	[tilespmem:s29+$0x4170] =	vst v14;
	v55 =	vmul.f32 v38, v33;
	v13 =	vadd.f32 v47, v13  }
0x1f1: {  	v56 =	vmul.f32 v48, v32;
	v58 =	vmul.f32 v40, v33;
	v57 =	vadd.f32 v53, v52;
	[tilespmem:s29+$0x4100] =	vst v63  }
0x1f2: {  	v60 =	vmul.f32 v43, v33;
	v59 =	vmul.f32 v49, v32;
	v3 =	vadd.f32 v55, v54;
	[tilespmem:s29+$0x4160] =	vst v13  }
0x1f3: {  	v62 =	vadd.f32 v58, v56;
	[tilespmem:s29+$0x5540] =	vst v57  }
0x1f4: {  	s25 =	sadd.s32 $0x1, s25;
	[tilespmem:s29+$0x5550] =	vst v3;
	v3 =	vadd.f32 v60, v59  }
0x1f5: {  	p0 =	sne.s32 s25, s11;
	[tilespmem:s29+$0x5560] =	vst v62  }
.Ltmp1:
0x1f6: {  	[tilespmem:s29+$0x5570] =	vst v3;
	(pc) =	sbr.rel @p0 .LBB2_1-.Ltmp1, $4  }
0x1f7: {  	[hbm4b:s10+s2] =	stream.linear.scatter [tilespmem:s14], [sflag:$0x2], $0xC000, $0x38;
	[tilespmem:$0x1C100] =	vst v63  }
0x1f8: {  	_ =	swait.ge [sflag:s24], $0xC000  }
0x1f9: {  	[sflag:s24] =	ssyncset.done $0x0  }
0x1fa: {  	[sflag:s24] =	ssyncadd.s32 $0xFFFF4000  }
0x1fb: {  	_ =	sfence.sel $0x180000  }
0x1fc: {  	[bflag:$0x0] =	sbarrier.arrive $0xFFFF  }
0x1fd: {  	_ =	strace $0x9000004A  }
0x1fe: {  	s0 =	stileid.u32;
	[bflag:$0x2] =	sbarrier.arrive $0xFFFF  }
0x1ff: {  	p0 =	sne.s32 s0, $0x0;
	s0 =	rddreg [dreg:$0x2]  }
0x200: {  	s0 =	sadd.s32 @!p0 $0x100000, s0  }
0x201: {  	[sflag:s0] =	ssyncadd.tile.s32 @!p0 $0x1;
	_ =	shalt  }
.Lfunc_end2:
_tile_overlayer_lowered:
.L_overlay_start_2:
0x202: {  	(tag) =	ssettag $0x2  }
0x203: {  	s0 =	rddreg [dreg:$0x0];
	s2 =	stileid.u32  }
0x204: {  	s1 =	rddreg [dreg:$0x1];
	p0 =	sne.s32 s2, $0x0  }
0x205: {  	s3 =	rddreg [dreg:$0x2];
	[bflag:$0x3] =	sbarrier.arrive $0xFFFF;
	s2 =	simm.s32 @!p0 $0x1C02  }
0x206: {  	[timem:s3], [sflag:s2] =	dma.local @!p0 [hbm:s0], s1  }
0x207: {  	s0 =	simm.s32 @!p0 $0x2  }
0x208: {  	_ =	swait.ge @!p0 [sflag:s0], s1  }
0x209: {  	s1 =	ssub.s32 @!p0 $0x0, s1;
	[sflag:s0] =	ssyncset.done @!p0 $0x0  }
0x20a: {  	[sflag:s0] =	ssyncadd.s32 @!p0 s1  }
0x20b: {  	[bflag:$0x3] =	sbarrier.arrive $0xFFFF  }
0x20c: {  	_ =	shalt  }

</sc_bundles>
